<compile_context>
chip_gen: v7x
topology: tpu7x:2x2x1
jax: 0.10.2.dev20260603
libtpu: 0.0.44.dev20260713+nightly
codegen_flags: <defaults>
</compile_context>

<pallas_src>
import functools

import jax
import jax.numpy as jnp
from jax import lax
from jax.experimental import pallas as pl
from jax.experimental.pallas import tpu as pltpu
from jax.experimental.pallas import tpu_sc as plsc

N = 10000
E = 320000
IN_DIM = 128
HID_DIM = 64
OUT_DIM = 8

NC = 2
NS = 16
NW = NC * NS
CHUNK = 128
NCHUNK = 80
EPW = NCHUNK * CHUNK
E_PAD = NW * EPW
NBUF = 5
N_PAD = 10240
ROWS_PER_TILE = N_PAD // NS
ZCHUNK = 128
PAD_ROW = N_PAD - 1

D1 = 72
D2 = 16


def _edge_pass(dp: int, nbuf: int = NBUF):
    mesh = plsc.VectorSubcoreMesh(core_axis_name="c", subcore_axis_name="s")

    @functools.partial(
        pl.kernel,
        out_type=jax.ShapeDtypeStruct((NC, N_PAD, 128), jnp.float32),
        mesh=mesh,
        scratch_types=[
            pltpu.VMEM((NCHUNK, CHUNK), jnp.int32),
            pltpu.VMEM((NCHUNK, CHUNK), jnp.int32),
            pltpu.VMEM((nbuf, CHUNK, dp), jnp.float32),
            pltpu.VMEM((ZCHUNK, dp), jnp.float32),
            pltpu.VMEM_SHARED((N_PAD, dp), jnp.float32),
        ] + [pltpu.SemaphoreType.DMA] * nbuf,
        compiler_params=pltpu.CompilerParams(use_tc_tiling_on_sc=False),
    )
    def k(y_hbm, ei_hbm, part_hbm, idx_s, idx_d, rows, zbuf, acc,
          *sems):
        c = lax.axis_index("c")
        s = lax.axis_index("s")
        wid = c * NS + s

        pltpu.sync_copy(ei_hbm.at[0, wid], idx_s)
        pltpu.sync_copy(ei_hbm.at[1, wid], idx_d)

        zoffs = list(range(0, dp - 15, 16))
        if zoffs[-1] + 16 < dp:
            zoffs.append(dp - 16)

        @pl.loop(0, ZCHUNK)
        def _zrows(i):
            for j in zoffs:
                zbuf[i, pl.ds(j, 16)] = jnp.zeros((16,), jnp.float32)

        @pl.loop(0, ROWS_PER_TILE // ZCHUNK)
        def _zacc(kk):
            pltpu.sync_copy(zbuf, acc.at[pl.ds(s * ROWS_PER_TILE + kk * ZCHUNK, ZCHUNK)])

        plsc.subcore_barrier()

        for b in range(nbuf):
            pltpu.async_copy(y_hbm.at[idx_s.at[b]], rows.at[b], sems[b])

        @pl.loop(0, NCHUNK // nbuf)
        def _p(p):
            for b in range(nbuf):
                g = p * nbuf + b
                pltpu.make_async_copy(y_hbm.at[idx_s.at[g]], rows.at[b],
                                      sems[b]).wait()
                pltpu.sync_copy(rows.at[b], acc.at[idx_d.at[g]], add=True)

                @pl.when(p < NCHUNK // nbuf - 1)
                def _refill():
                    pltpu.async_copy(y_hbm.at[idx_s.at[g + nbuf]], rows.at[b],
                                     sems[b])

        plsc.subcore_barrier()
        pltpu.sync_copy(
            acc.at[pl.ds(s * ROWS_PER_TILE, ROWS_PER_TILE)],
            part_hbm.at[c, pl.ds(s * ROWS_PER_TILE, ROWS_PER_TILE),
                        pl.ds(0, dp)],
        )

    return k


_edge_pass_1 = _edge_pass(D1)
_edge_pass_2 = _edge_pass(D2, nbuf=8)


E_ROWS = E // CHUNK
PAD_ROWS = (E_PAD - E) // CHUNK


def _tc_a_body(x_ref, wl_ref, wr_ref, b1_ref, ei_ref,
               y1_ref, xw1r_ref, ei_out_ref):
    xv = x_ref[...]
    y = jnp.dot(xv, wl_ref[...], preferred_element_type=jnp.float32)
    col = lax.broadcasted_iota(jnp.int32, (N, D1 - HID_DIM), 1)
    pad = jnp.where(col == 0, 1.0, 0.0).astype(jnp.float32)
    y1_ref[...] = jnp.concatenate([y, pad], axis=1)
    xw1r_ref[...] = (jnp.dot(xv, wr_ref[...],
                             preferred_element_type=jnp.float32) + b1_ref[...])
    k = (lax.broadcasted_iota(jnp.int32, (PAD_ROWS, CHUNK), 0) * CHUNK
         + lax.broadcasted_iota(jnp.int32, (PAD_ROWS, CHUNK), 1))
    pad2 = jnp.stack([k % N, N + k % (N_PAD - N)])
    ei_out_ref[...] = jnp.concatenate(
        [ei_ref[...], pad2], axis=1).reshape(2, NW, NCHUNK, CHUNK)


_tc_a = pl.pallas_call(
    _tc_a_body,
    out_shape=(
        jax.ShapeDtypeStruct((N, D1), jnp.float32),
        jax.ShapeDtypeStruct((N, HID_DIM), jnp.float32),
        jax.ShapeDtypeStruct((2, NW, NCHUNK, CHUNK), jnp.int32),
    ),
)


def _tc_b_body(part_ref, xw1r_ref, w2l_ref, w2r_ref, b2_ref,
               y2_ref, z_ref, dinv_ref):
    p = part_ref[0, :N] + part_ref[1, :N]
    deg = p[:, HID_DIM:HID_DIM + 1]
    dinv = 1.0 / jnp.maximum(deg, 1.0)
    h = jnp.maximum(p[:, :HID_DIM] * dinv + xw1r_ref[...], 0.0)
    y2 = jnp.dot(h, w2l_ref[...], preferred_element_type=jnp.float32)
    y2_ref[...] = jnp.concatenate(
        [y2, jnp.zeros((N, D2 - OUT_DIM), jnp.float32)], axis=1)
    z_ref[...] = (jnp.dot(h, w2r_ref[...],
                          preferred_element_type=jnp.float32) + b2_ref[...])
    dinv_ref[...] = jnp.broadcast_to(dinv, (N, OUT_DIM))


_tc_b = pl.pallas_call(
    _tc_b_body,
    out_shape=(
        jax.ShapeDtypeStruct((N, D2), jnp.float32),
        jax.ShapeDtypeStruct((N, OUT_DIM), jnp.float32),
        jax.ShapeDtypeStruct((N, OUT_DIM), jnp.float32),
    ),
)


def _tc_c_body(part_ref, dinv_ref, z_ref, o_ref):
    p = part_ref[0, :N] + part_ref[1, :N]
    o_ref[...] = p[:, :OUT_DIM] * dinv_ref[...] + z_ref[...]


_tc_c = pl.pallas_call(
    _tc_c_body,
    out_shape=jax.ShapeDtypeStruct((N, OUT_DIM), jnp.float32),
)


def kernel(x, edge_index, W1_l, W1_r, b1, W2_l, W2_r, b2):
    y1, xw1r, ei = _tc_a(x, W1_l, W1_r, b1.reshape(1, HID_DIM),
                         edge_index.reshape(2, E_ROWS, CHUNK))
    part1 = _edge_pass_1(y1, ei)
    y2, z, dinv = _tc_b(part1, xw1r, W2_l, W2_r, b2.reshape(1, OUT_DIM))
    part2 = _edge_pass_2(y2, ei)
    return _tc_c(part2, dinv, z)

# --- scband reference (transcript-rebuilt; emitter-appended) ---
"""Pipeline reference for scband-graph-sage-52673478918497 (READ-ONLY COPY).

The authoritative reference and input builder live on the scoring server;
editing this copy changes nothing except your own understanding.
"""

import jax, jax.numpy as jnp
import numpy as np

N = 10000
E = 320000
IN_DIM = 128
HID_DIM = 64
OUT_DIM = 8


def setup_inputs(seed: int = 0) -> dict:
    key = jax.random.key(seed)
    ks = jax.random.split(key, 8)
    x = jax.random.normal(ks[0], (N, IN_DIM), dtype=jnp.float32)
    edge_index = jax.random.randint(ks[1], (2, E), 0, N, dtype=jnp.int32)
    # SAGEConv layer 1 params (lin_l acts on aggregated neighbors w/ bias, lin_r on root)
    W1_l = jax.random.normal(ks[2], (IN_DIM, HID_DIM), dtype=jnp.float32) * (1.0 / np.sqrt(IN_DIM))
    W1_r = jax.random.normal(ks[3], (IN_DIM, HID_DIM), dtype=jnp.float32) * (1.0 / np.sqrt(IN_DIM))
    b1 = jnp.zeros((HID_DIM,), dtype=jnp.float32)
    # SAGEConv layer 2 params
    W2_l = jax.random.normal(ks[4], (HID_DIM, OUT_DIM), dtype=jnp.float32) * (1.0 / np.sqrt(HID_DIM))
    W2_r = jax.random.normal(ks[5], (HID_DIM, OUT_DIM), dtype=jnp.float32) * (1.0 / np.sqrt(HID_DIM))
    b2 = jnp.zeros((OUT_DIM,), dtype=jnp.float32)
    return {"x": x, "edge_index": edge_index, "W1_l": W1_l, "W1_r": W1_r, "b1": b1, "W2_l": W2_l, "W2_r": W2_r, "b2": b2}


def _sage_conv(x, edge_index, W_l, W_r, b):
    src = edge_index[0]
    dst = edge_index[1]
    msgs = jnp.take(x, src, axis=0)                      # gather: [E, d]
    agg = jax.ops.segment_sum(msgs, dst, num_segments=x.shape[0])  # scatter-add
    deg = jax.ops.segment_sum(jnp.ones((edge_index.shape[1], 1), dtype=x.dtype), dst, num_segments=x.shape[0])
    mean_agg = agg / jnp.maximum(deg, 1.0)               # mean aggregation
    return mean_agg @ W_l + x @ W_r + b


def reference(x, edge_index, W1_l, W1_r, b1, W2_l, W2_r, b2):
    h = _sage_conv(x, edge_index, W1_l, W1_r, b1)
    h = jax.nn.relu(h)
    out = _sage_conv(h, edge_index, W2_l, W2_r, b2)
    return out

if __name__ == "__main__":
    import jax
    _d = setup_inputs()
    print(jax.jit(kernel)(*tuple(_d.values())))

</pallas_src>

<mosaic_0001>
#map = affine_map<(d0, d1) -> (0, 0)>
#map1 = affine_map<(d0, d1) -> (0, 0, 0, 0)>
#map2 = affine_map<(d0, d1) -> (0, 0, 0)>
module attributes {stable_mosaic.version = 14 : i64} {
  func.func @k(%arg0: i32, %arg1: i32, %arg2: memref<10000x16xf32, #tpu.memory_space<hbm>>, %arg3: memref<2x32x80x128xi32, #tpu.memory_space<hbm>>, %arg4: memref<2x10240x128xf32, #tpu.memory_space<hbm>>, %arg5: memref<80x128xi32, #tpu.memory_space<vmem>>, %arg6: memref<80x128xi32, #tpu.memory_space<vmem>>, %arg7: memref<8x128x16xf32, #tpu.memory_space<vmem>>, %arg8: memref<128x16xf32, #tpu.memory_space<vmem>>, %arg9: memref<10240x16xf32, #tpu.memory_space<vmem_shared>>, %arg10: memref<!tpu.dma_semaphore, #tpu.memory_space<semaphore_mem>>, %arg11: memref<!tpu.dma_semaphore, #tpu.memory_space<semaphore_mem>>, %arg12: memref<!tpu.dma_semaphore, #tpu.memory_space<semaphore_mem>>, %arg13: memref<!tpu.dma_semaphore, #tpu.memory_space<semaphore_mem>>, %arg14: memref<!tpu.dma_semaphore, #tpu.memory_space<semaphore_mem>>, %arg15: memref<!tpu.dma_semaphore, #tpu.memory_space<semaphore_mem>>, %arg16: memref<!tpu.dma_semaphore, #tpu.memory_space<semaphore_mem>>, %arg17: memref<!tpu.dma_semaphore, #tpu.memory_space<semaphore_mem>>) attributes {dimension_semantics = [#tpu.dimension_semantics<core_parallel>, #tpu.dimension_semantics<subcore_parallel>], iteration_bounds = array<i64: 2, 16>, scalar_prefetch = 0 : i64, scratch_operands = 13 : i64, tpu.core_type = #tpu.core_type<sc_vector_subcore>, window_params = [{transform_indices = #map}, {transform_indices = #map1}, {transform_indices = #map2}]} {
    %mul3A = arith.constant 16 : i32
    %mul3A_0 = arith.muli %arg0, %mul3A : i32
    %add3A = arith.addi %mul3A_0, %arg1 : i32
    %run_scoped3A = arith.constant 0 : i32
    "tpu.region"() ({
      %run_scoped3A_116 = tpu.sem_alloc : memref<!tpu.dma_semaphore, #tpu.memory_space<semaphore_mem>>
      %dma_start3A_117 = arith.constant 0 : i32
      %dma_start3A_118 = arith.constant 0 : i32
      %dma_start3A_119 = tpu.memref_slice %arg3[%run_scoped3A, %add3A, %dma_start3A_117, %dma_start3A_118] : memref<2x32x80x128xi32, #tpu.memory_space<hbm>> -> memref<1x1x80x128xi32, #tpu.memory_space<hbm>>
      %dma_start3A_120 = tpu.memref_squeeze %dma_start3A_119 : memref<1x1x80x128xi32, #tpu.memory_space<hbm>> -> memref<80x128xi32, #tpu.memory_space<hbm>>
      %dma_start3A_121 = arith.constant 0 : i32
      %dma_start3A_122 = arith.constant 0 : i32
      %dma_start3A_123 = tpu.memref_slice %arg3[%run_scoped3A, %add3A, %dma_start3A_121, %dma_start3A_122] : memref<2x32x80x128xi32, #tpu.memory_space<hbm>> -> memref<1x1x80x128xi32, #tpu.memory_space<hbm>>
      %dma_start3A_124 = tpu.memref_squeeze %dma_start3A_123 : memref<1x1x80x128xi32, #tpu.memory_space<hbm>> -> memref<80x128xi32, #tpu.memory_space<hbm>>
      tpu.enqueue_dma source(%dma_start3A_124 : memref<80x128xi32, #tpu.memory_space<hbm>>) target(%arg5 : memref<80x128xi32, #tpu.memory_space<vmem>>) target_semaphore(%run_scoped3A_116 : memref<!tpu.dma_semaphore, #tpu.memory_space<semaphore_mem>>)
      %dma_wait3A = arith.constant 0 : i32
      %dma_wait3A_125 = arith.constant 0 : i32
      %dma_wait3A_126 = tpu.memref_slice %arg3[%run_scoped3A, %add3A, %dma_wait3A, %dma_wait3A_125] : memref<2x32x80x128xi32, #tpu.memory_space<hbm>> -> memref<1x1x80x128xi32, #tpu.memory_space<hbm>>
      %dma_wait3A_127 = tpu.memref_squeeze %dma_wait3A_126 : memref<1x1x80x128xi32, #tpu.memory_space<hbm>> -> memref<80x128xi32, #tpu.memory_space<hbm>>
      %dma_wait3A_128 = arith.constant 0 : i32
      %dma_wait3A_129 = arith.constant 0 : i32
      %dma_wait3A_130 = tpu.memref_slice %arg3[%run_scoped3A, %add3A, %dma_wait3A_128, %dma_wait3A_129] : memref<2x32x80x128xi32, #tpu.memory_space<hbm>> -> memref<1x1x80x128xi32, #tpu.memory_space<hbm>>
      %dma_wait3A_131 = tpu.memref_squeeze %dma_wait3A_130 : memref<1x1x80x128xi32, #tpu.memory_space<hbm>> -> memref<80x128xi32, #tpu.memory_space<hbm>>
      tpu.wait_dma2 semaphore(%run_scoped3A_116 : memref<!tpu.dma_semaphore, #tpu.memory_space<semaphore_mem>>) src(%dma_wait3A_131 : memref<80x128xi32, #tpu.memory_space<hbm>>) dst(%arg5 : memref<80x128xi32, #tpu.memory_space<vmem>>)
      tpu.yield
    }) : () -> ()
    %run_scoped3A_1 = arith.constant 1 : i32
    "tpu.region"() ({
      %run_scoped3A_116 = tpu.sem_alloc : memref<!tpu.dma_semaphore, #tpu.memory_space<semaphore_mem>>
      %dma_start3A_117 = arith.constant 0 : i32
      %dma_start3A_118 = arith.constant 0 : i32
      %dma_start3A_119 = tpu.memref_slice %arg3[%run_scoped3A_1, %add3A, %dma_start3A_117, %dma_start3A_118] : memref<2x32x80x128xi32, #tpu.memory_space<hbm>> -> memref<1x1x80x128xi32, #tpu.memory_space<hbm>>
      %dma_start3A_120 = tpu.memref_squeeze %dma_start3A_119 : memref<1x1x80x128xi32, #tpu.memory_space<hbm>> -> memref<80x128xi32, #tpu.memory_space<hbm>>
      %dma_start3A_121 = arith.constant 0 : i32
      %dma_start3A_122 = arith.constant 0 : i32
      %dma_start3A_123 = tpu.memref_slice %arg3[%run_scoped3A_1, %add3A, %dma_start3A_121, %dma_start3A_122] : memref<2x32x80x128xi32, #tpu.memory_space<hbm>> -> memref<1x1x80x128xi32, #tpu.memory_space<hbm>>
      %dma_start3A_124 = tpu.memref_squeeze %dma_start3A_123 : memref<1x1x80x128xi32, #tpu.memory_space<hbm>> -> memref<80x128xi32, #tpu.memory_space<hbm>>
      tpu.enqueue_dma source(%dma_start3A_124 : memref<80x128xi32, #tpu.memory_space<hbm>>) target(%arg6 : memref<80x128xi32, #tpu.memory_space<vmem>>) target_semaphore(%run_scoped3A_116 : memref<!tpu.dma_semaphore, #tpu.memory_space<semaphore_mem>>)
      %dma_wait3A = arith.constant 0 : i32
      %dma_wait3A_125 = arith.constant 0 : i32
      %dma_wait3A_126 = tpu.memref_slice %arg3[%run_scoped3A_1, %add3A, %dma_wait3A, %dma_wait3A_125] : memref<2x32x80x128xi32, #tpu.memory_space<hbm>> -> memref<1x1x80x128xi32, #tpu.memory_space<hbm>>
      %dma_wait3A_127 = tpu.memref_squeeze %dma_wait3A_126 : memref<1x1x80x128xi32, #tpu.memory_space<hbm>> -> memref<80x128xi32, #tpu.memory_space<hbm>>
      %dma_wait3A_128 = arith.constant 0 : i32
      %dma_wait3A_129 = arith.constant 0 : i32
      %dma_wait3A_130 = tpu.memref_slice %arg3[%run_scoped3A_1, %add3A, %dma_wait3A_128, %dma_wait3A_129] : memref<2x32x80x128xi32, #tpu.memory_space<hbm>> -> memref<1x1x80x128xi32, #tpu.memory_space<hbm>>
      %dma_wait3A_131 = tpu.memref_squeeze %dma_wait3A_130 : memref<1x1x80x128xi32, #tpu.memory_space<hbm>> -> memref<80x128xi32, #tpu.memory_space<hbm>>
      tpu.wait_dma2 semaphore(%run_scoped3A_116 : memref<!tpu.dma_semaphore, #tpu.memory_space<semaphore_mem>>) src(%dma_wait3A_131 : memref<80x128xi32, #tpu.memory_space<hbm>>) dst(%arg6 : memref<80x128xi32, #tpu.memory_space<vmem>>)
      tpu.yield
    }) : () -> ()
    %scan3A = arith.constant 0 : i32
    %scan3A_2 = arith.constant 128 : i32
    %scan3A_3 = arith.addi %scan3A, %scan3A_2 : i32
    %scan3A_4 = arith.constant 1 : i32
    scf.for %scan3A_116 = %scan3A to %scan3A_3 step %scan3A_4  : i32 {
      %mul3A_117 = arith.constant 1 : i32
      %mul3A_118 = arith.muli %scan3A_116, %mul3A_117 : i32
      %add3A_119 = arith.constant 0 : i32
      %add3A_120 = arith.addi %add3A_119, %mul3A_118 : i32
      %broadcast_in_dim3A = arith.constant 0.000000e+00 : f32
      %broadcast_in_dim3A_121 = vector.broadcast %broadcast_in_dim3A : f32 to vector<16xf32>
      %swap3A = arith.index_cast %add3A_120 : i32 to index
      %swap3A_122 = arith.constant 0 : index
      %swap3A_123 = tpu.vector_load %arg8[%swap3A, %swap3A_122] {strides = array<i32>} : memref<128x16xf32, #tpu.memory_space<vmem>>, vector<1x16xf32>,
      %swap3A_124 = vector.shape_cast %swap3A_123 : vector<1x16xf32> to vector<16xf32>
      %swap3A_125 = vector.shape_cast %broadcast_in_dim3A_121 : vector<16xf32> to vector<1x16xf32>
      tpu.vector_store %arg8[%swap3A, %swap3A_122], %swap3A_125 {strides = array<i32>} : memref<128x16xf32, #tpu.memory_space<vmem>>, vector<1x16xf32>,
    }
    %scan3A_5 = arith.constant 128 : i32
    %scan3A_6 = arith.constant 0 : i32
    %scan3A_7 = arith.constant 5 : i32
    %scan3A_8 = arith.addi %scan3A_6, %scan3A_7 : i32
    %scan3A_9 = arith.constant 1 : i32
    scf.for %scan3A_116 = %scan3A_6 to %scan3A_8 step %scan3A_9  : i32 {
      %mul3A_117 = arith.constant 1 : i32
      %mul3A_118 = arith.muli %scan3A_116, %mul3A_117 : i32
      %add3A_119 = arith.constant 0 : i32
      %add3A_120 = arith.addi %add3A_119, %mul3A_118 : i32
      %mul3A_121 = arith.constant 640 : i32
      %mul3A_122 = arith.muli %arg1, %mul3A_121 : i32
      %mul3A_123 = arith.constant 128 : i32
      %mul3A_124 = arith.muli %add3A_120, %mul3A_123 : i32
      %add3A_125 = arith.addi %mul3A_122, %mul3A_124 : i32
      "tpu.region"() ({
        %run_scoped3A_126 = tpu.sem_alloc : memref<!tpu.dma_semaphore, #tpu.memory_space<semaphore_mem>>
        %dma_start3A_127 = arith.constant 0 : i32
        %dma_start3A_128 = tpu.memref_slice %arg9[%add3A_125, %dma_start3A_127] : memref<10240x16xf32, #tpu.memory_space<vmem_shared>> -> memref<128x16xf32, #tpu.memory_space<vmem_shared>>
        %dma_start3A_129 = arith.constant 0 : i32
        %dma_start3A_130 = tpu.memref_slice %arg9[%add3A_125, %dma_start3A_129] : memref<10240x16xf32, #tpu.memory_space<vmem_shared>> -> memref<128x16xf32, #tpu.memory_space<vmem_shared>>
        tpu.enqueue_dma source(%arg8 : memref<128x16xf32, #tpu.memory_space<vmem>>) target(%dma_start3A_130 : memref<128x16xf32, #tpu.memory_space<vmem_shared>>) target_semaphore(%run_scoped3A_126 : memref<!tpu.dma_semaphore, #tpu.memory_space<semaphore_mem>>)
        %dma_wait3A = arith.constant 0 : i32
        %dma_wait3A_131 = tpu.memref_slice %arg9[%add3A_125, %dma_wait3A] : memref<10240x16xf32, #tpu.memory_space<vmem_shared>> -> memref<128x16xf32, #tpu.memory_space<vmem_shared>>
        %dma_wait3A_132 = arith.constant 0 : i32
        %dma_wait3A_133 = tpu.memref_slice %arg9[%add3A_125, %dma_wait3A_132] : memref<10240x16xf32, #tpu.memory_space<vmem_shared>> -> memref<128x16xf32, #tpu.memory_space<vmem_shared>>
        tpu.wait_dma2 semaphore(%run_scoped3A_126 : memref<!tpu.dma_semaphore, #tpu.memory_space<semaphore_mem>>) src(%arg8 : memref<128x16xf32, #tpu.memory_space<vmem>>) dst(%dma_wait3A_133 : memref<128x16xf32, #tpu.memory_space<vmem_shared>>)
        tpu.yield
      }) : () -> ()
    }
    %scan3A_10 = arith.constant 5 : i32
    %barrier3A = arith.constant 0 : index
    tpu.barrier barrier_id(%barrier3A)
    %dma_start3A = arith.constant 0 : i32
    %dma_start3A_11 = arith.constant 0 : i32
    %dma_start3A_12 = arith.constant 0 : i32
    %dma_start3A_13 = arith.constant 0 : i32
    %dma_start3A_14 = tpu.memref_slice %arg7[%dma_start3A_11, %dma_start3A_12, %dma_start3A_13] : memref<8x128x16xf32, #tpu.memory_space<vmem>> -> memref<1x128x16xf32, #tpu.memory_space<vmem>>
    %dma_start3A_15 = tpu.memref_squeeze %dma_start3A_14 : memref<1x128x16xf32, #tpu.memory_space<vmem>> -> memref<128x16xf32, #tpu.memory_space<vmem>>
    %dma_start3A_16 = arith.constant 0 : i32
    %dma_start3A_17 = tpu.memref_slice %arg5[%dma_start3A, %dma_start3A_16] : memref<80x128xi32, #tpu.memory_space<vmem>> -> memref<1x128xi32, #tpu.memory_space<vmem>>
    %dma_start3A_18 = tpu.memref_squeeze %dma_start3A_17 : memref<1x128xi32, #tpu.memory_space<vmem>> -> memref<128xi32, #tpu.memory_space<vmem>>
    %dma_start3A_19 = arith.constant 0 : i32
    %dma_start3A_20 = arith.constant 0 : i32
    %dma_start3A_21 = tpu.memref_slice %arg2[%dma_start3A_19, %dma_start3A_20] : memref<10000x16xf32, #tpu.memory_space<hbm>> -> memref<10000x16xf32, #tpu.memory_space<hbm>>
    tpu.enqueue_indirect_dma source(%dma_start3A_21 : memref<10000x16xf32, #tpu.memory_space<hbm>>) target(%dma_start3A_15 : memref<128x16xf32, #tpu.memory_space<vmem>>) offsets(%dma_start3A_18 : memref<128xi32, #tpu.memory_space<vmem>>) semaphore(%arg10 : memref<!tpu.dma_semaphore, #tpu.memory_space<semaphore_mem>>)
    %dma_start3A_22 = arith.constant 1 : i32
    %dma_start3A_23 = arith.constant 1 : i32
    %dma_start3A_24 = arith.constant 0 : i32
    %dma_start3A_25 = arith.constant 0 : i32
    %dma_start3A_26 = tpu.memref_slice %arg7[%dma_start3A_23, %dma_start3A_24, %dma_start3A_25] : memref<8x128x16xf32, #tpu.memory_space<vmem>> -> memref<1x128x16xf32, #tpu.memory_space<vmem>>
    %dma_start3A_27 = tpu.memref_squeeze %dma_start3A_26 : memref<1x128x16xf32, #tpu.memory_space<vmem>> -> memref<128x16xf32, #tpu.memory_space<vmem>>
    %dma_start3A_28 = arith.constant 0 : i32
    %dma_start3A_29 = tpu.memref_slice %arg5[%dma_start3A_22, %dma_start3A_28] : memref<80x128xi32, #tpu.memory_space<vmem>> -> memref<1x128xi32, #tpu.memory_space<vmem>>
    %dma_start3A_30 = tpu.memref_squeeze %dma_start3A_29 : memref<1x128xi32, #tpu.memory_space<vmem>> -> memref<128xi32, #tpu.memory_space<vmem>>
    %dma_start3A_31 = arith.constant 0 : i32
    %dma_start3A_32 = arith.constant 0 : i32
    %dma_start3A_33 = tpu.memref_slice %arg2[%dma_start3A_31, %dma_start3A_32] : memref<10000x16xf32, #tpu.memory_space<hbm>> -> memref<10000x16xf32, #tpu.memory_space<hbm>>
    tpu.enqueue_indirect_dma source(%dma_start3A_33 : memref<10000x16xf32, #tpu.memory_space<hbm>>) target(%dma_start3A_27 : memref<128x16xf32, #tpu.memory_space<vmem>>) offsets(%dma_start3A_30 : memref<128xi32, #tpu.memory_space<vmem>>) semaphore(%arg11 : memref<!tpu.dma_semaphore, #tpu.memory_space<semaphore_mem>>)
    %dma_start3A_34 = arith.constant 2 : i32
    %dma_start3A_35 = arith.constant 2 : i32
    %dma_start3A_36 = arith.constant 0 : i32
    %dma_start3A_37 = arith.constant 0 : i32
    %dma_start3A_38 = tpu.memref_slice %arg7[%dma_start3A_35, %dma_start3A_36, %dma_start3A_37] : memref<8x128x16xf32, #tpu.memory_space<vmem>> -> memref<1x128x16xf32, #tpu.memory_space<vmem>>
    %dma_start3A_39 = tpu.memref_squeeze %dma_start3A_38 : memref<1x128x16xf32, #tpu.memory_space<vmem>> -> memref<128x16xf32, #tpu.memory_space<vmem>>
    %dma_start3A_40 = arith.constant 0 : i32
    %dma_start3A_41 = tpu.memref_slice %arg5[%dma_start3A_34, %dma_start3A_40] : memref<80x128xi32, #tpu.memory_space<vmem>> -> memref<1x128xi32, #tpu.memory_space<vmem>>
    %dma_start3A_42 = tpu.memref_squeeze %dma_start3A_41 : memref<1x128xi32, #tpu.memory_space<vmem>> -> memref<128xi32, #tpu.memory_space<vmem>>
    %dma_start3A_43 = arith.constant 0 : i32
    %dma_start3A_44 = arith.constant 0 : i32
    %dma_start3A_45 = tpu.memref_slice %arg2[%dma_start3A_43, %dma_start3A_44] : memref<10000x16xf32, #tpu.memory_space<hbm>> -> memref<10000x16xf32, #tpu.memory_space<hbm>>
    tpu.enqueue_indirect_dma source(%dma_start3A_45 : memref<10000x16xf32, #tpu.memory_space<hbm>>) target(%dma_start3A_39 : memref<128x16xf32, #tpu.memory_space<vmem>>) offsets(%dma_start3A_42 : memref<128xi32, #tpu.memory_space<vmem>>) semaphore(%arg12 : memref<!tpu.dma_semaphore, #tpu.memory_space<semaphore_mem>>)
    %dma_start3A_46 = arith.constant 3 : i32
    %dma_start3A_47 = arith.constant 3 : i32
    %dma_start3A_48 = arith.constant 0 : i32
    %dma_start3A_49 = arith.constant 0 : i32
    %dma_start3A_50 = tpu.memref_slice %arg7[%dma_start3A_47, %dma_start3A_48, %dma_start3A_49] : memref<8x128x16xf32, #tpu.memory_space<vmem>> -> memref<1x128x16xf32, #tpu.memory_space<vmem>>
    %dma_start3A_51 = tpu.memref_squeeze %dma_start3A_50 : memref<1x128x16xf32, #tpu.memory_space<vmem>> -> memref<128x16xf32, #tpu.memory_space<vmem>>
    %dma_start3A_52 = arith.constant 0 : i32
    %dma_start3A_53 = tpu.memref_slice %arg5[%dma_start3A_46, %dma_start3A_52] : memref<80x128xi32, #tpu.memory_space<vmem>> -> memref<1x128xi32, #tpu.memory_space<vmem>>
    %dma_start3A_54 = tpu.memref_squeeze %dma_start3A_53 : memref<1x128xi32, #tpu.memory_space<vmem>> -> memref<128xi32, #tpu.memory_space<vmem>>
    %dma_start3A_55 = arith.constant 0 : i32
    %dma_start3A_56 = arith.constant 0 : i32
    %dma_start3A_57 = tpu.memref_slice %arg2[%dma_start3A_55, %dma_start3A_56] : memref<10000x16xf32, #tpu.memory_space<hbm>> -> memref<10000x16xf32, #tpu.memory_space<hbm>>
    tpu.enqueue_indirect_dma source(%dma_start3A_57 : memref<10000x16xf32, #tpu.memory_space<hbm>>) target(%dma_start3A_51 : memref<128x16xf32, #tpu.memory_space<vmem>>) offsets(%dma_start3A_54 : memref<128xi32, #tpu.memory_space<vmem>>) semaphore(%arg13 : memref<!tpu.dma_semaphore, #tpu.memory_space<semaphore_mem>>)
    %dma_start3A_58 = arith.constant 4 : i32
    %dma_start3A_59 = arith.constant 4 : i32
    %dma_start3A_60 = arith.constant 0 : i32
    %dma_start3A_61 = arith.constant 0 : i32
    %dma_start3A_62 = tpu.memref_slice %arg7[%dma_start3A_59, %dma_start3A_60, %dma_start3A_61] : memref<8x128x16xf32, #tpu.memory_space<vmem>> -> memref<1x128x16xf32, #tpu.memory_space<vmem>>
    %dma_start3A_63 = tpu.memref_squeeze %dma_start3A_62 : memref<1x128x16xf32, #tpu.memory_space<vmem>> -> memref<128x16xf32, #tpu.memory_space<vmem>>
    %dma_start3A_64 = arith.constant 0 : i32
    %dma_start3A_65 = tpu.memref_slice %arg5[%dma_start3A_58, %dma_start3A_64] : memref<80x128xi32, #tpu.memory_space<vmem>> -> memref<1x128xi32, #tpu.memory_space<vmem>>
    %dma_start3A_66 = tpu.memref_squeeze %dma_start3A_65 : memref<1x128xi32, #tpu.memory_space<vmem>> -> memref<128xi32, #tpu.memory_space<vmem>>
    %dma_start3A_67 = arith.constant 0 : i32
    %dma_start3A_68 = arith.constant 0 : i32
    %dma_start3A_69 = tpu.memref_slice %arg2[%dma_start3A_67, %dma_start3A_68] : memref<10000x16xf32, #tpu.memory_space<hbm>> -> memref<10000x16xf32, #tpu.memory_space<hbm>>
    tpu.enqueue_indirect_dma source(%dma_start3A_69 : memref<10000x16xf32, #tpu.memory_space<hbm>>) target(%dma_start3A_63 : memref<128x16xf32, #tpu.memory_space<vmem>>) offsets(%dma_start3A_66 : memref<128xi32, #tpu.memory_space<vmem>>) semaphore(%arg14 : memref<!tpu.dma_semaphore, #tpu.memory_space<semaphore_mem>>)
    %dma_start3A_70 = arith.constant 5 : i32
    %dma_start3A_71 = arith.constant 5 : i32
    %dma_start3A_72 = arith.constant 0 : i32
    %dma_start3A_73 = arith.constant 0 : i32
    %dma_start3A_74 = tpu.memref_slice %arg7[%dma_start3A_71, %dma_start3A_72, %dma_start3A_73] : memref<8x128x16xf32, #tpu.memory_space<vmem>> -> memref<1x128x16xf32, #tpu.memory_space<vmem>>
    %dma_start3A_75 = tpu.memref_squeeze %dma_start3A_74 : memref<1x128x16xf32, #tpu.memory_space<vmem>> -> memref<128x16xf32, #tpu.memory_space<vmem>>
    %dma_start3A_76 = arith.constant 0 : i32
    %dma_start3A_77 = tpu.memref_slice %arg5[%dma_start3A_70, %dma_start3A_76] : memref<80x128xi32, #tpu.memory_space<vmem>> -> memref<1x128xi32, #tpu.memory_space<vmem>>
    %dma_start3A_78 = tpu.memref_squeeze %dma_start3A_77 : memref<1x128xi32, #tpu.memory_space<vmem>> -> memref<128xi32, #tpu.memory_space<vmem>>
    %dma_start3A_79 = arith.constant 0 : i32
    %dma_start3A_80 = arith.constant 0 : i32
    %dma_start3A_81 = tpu.memref_slice %arg2[%dma_start3A_79, %dma_start3A_80] : memref<10000x16xf32, #tpu.memory_space<hbm>> -> memref<10000x16xf32, #tpu.memory_space<hbm>>
    tpu.enqueue_indirect_dma source(%dma_start3A_81 : memref<10000x16xf32, #tpu.memory_space<hbm>>) target(%dma_start3A_75 : memref<128x16xf32, #tpu.memory_space<vmem>>) offsets(%dma_start3A_78 : memref<128xi32, #tpu.memory_space<vmem>>) semaphore(%arg15 : memref<!tpu.dma_semaphore, #tpu.memory_space<semaphore_mem>>)
    %dma_start3A_82 = arith.constant 6 : i32
    %dma_start3A_83 = arith.constant 6 : i32
    %dma_start3A_84 = arith.constant 0 : i32
    %dma_start3A_85 = arith.constant 0 : i32
    %dma_start3A_86 = tpu.memref_slice %arg7[%dma_start3A_83, %dma_start3A_84, %dma_start3A_85] : memref<8x128x16xf32, #tpu.memory_space<vmem>> -> memref<1x128x16xf32, #tpu.memory_space<vmem>>
    %dma_start3A_87 = tpu.memref_squeeze %dma_start3A_86 : memref<1x128x16xf32, #tpu.memory_space<vmem>> -> memref<128x16xf32, #tpu.memory_space<vmem>>
    %dma_start3A_88 = arith.constant 0 : i32
    %dma_start3A_89 = tpu.memref_slice %arg5[%dma_start3A_82, %dma_start3A_88] : memref<80x128xi32, #tpu.memory_space<vmem>> -> memref<1x128xi32, #tpu.memory_space<vmem>>
    %dma_start3A_90 = tpu.memref_squeeze %dma_start3A_89 : memref<1x128xi32, #tpu.memory_space<vmem>> -> memref<128xi32, #tpu.memory_space<vmem>>
    %dma_start3A_91 = arith.constant 0 : i32
    %dma_start3A_92 = arith.constant 0 : i32
    %dma_start3A_93 = tpu.memref_slice %arg2[%dma_start3A_91, %dma_start3A_92] : memref<10000x16xf32, #tpu.memory_space<hbm>> -> memref<10000x16xf32, #tpu.memory_space<hbm>>
    tpu.enqueue_indirect_dma source(%dma_start3A_93 : memref<10000x16xf32, #tpu.memory_space<hbm>>) target(%dma_start3A_87 : memref<128x16xf32, #tpu.memory_space<vmem>>) offsets(%dma_start3A_90 : memref<128xi32, #tpu.memory_space<vmem>>) semaphore(%arg16 : memref<!tpu.dma_semaphore, #tpu.memory_space<semaphore_mem>>)
    %dma_start3A_94 = arith.constant 7 : i32
    %dma_start3A_95 = arith.constant 7 : i32
    %dma_start3A_96 = arith.constant 0 : i32
    %dma_start3A_97 = arith.constant 0 : i32
    %dma_start3A_98 = tpu.memref_slice %arg7[%dma_start3A_95, %dma_start3A_96, %dma_start3A_97] : memref<8x128x16xf32, #tpu.memory_space<vmem>> -> memref<1x128x16xf32, #tpu.memory_space<vmem>>
    %dma_start3A_99 = tpu.memref_squeeze %dma_start3A_98 : memref<1x128x16xf32, #tpu.memory_space<vmem>> -> memref<128x16xf32, #tpu.memory_space<vmem>>
    %dma_start3A_100 = arith.constant 0 : i32
    %dma_start3A_101 = tpu.memref_slice %arg5[%dma_start3A_94, %dma_start3A_100] : memref<80x128xi32, #tpu.memory_space<vmem>> -> memref<1x128xi32, #tpu.memory_space<vmem>>
    %dma_start3A_102 = tpu.memref_squeeze %dma_start3A_101 : memref<1x128xi32, #tpu.memory_space<vmem>> -> memref<128xi32, #tpu.memory_space<vmem>>
    %dma_start3A_103 = arith.constant 0 : i32
    %dma_start3A_104 = arith.constant 0 : i32
    %dma_start3A_105 = tpu.memref_slice %arg2[%dma_start3A_103, %dma_start3A_104] : memref<10000x16xf32, #tpu.memory_space<hbm>> -> memref<10000x16xf32, #tpu.memory_space<hbm>>
    tpu.enqueue_indirect_dma source(%dma_start3A_105 : memref<10000x16xf32, #tpu.memory_space<hbm>>) target(%dma_start3A_99 : memref<128x16xf32, #tpu.memory_space<vmem>>) offsets(%dma_start3A_102 : memref<128xi32, #tpu.memory_space<vmem>>) semaphore(%arg17 : memref<!tpu.dma_semaphore, #tpu.memory_space<semaphore_mem>>)
    %scan3A_106 = arith.constant 0 : i32
    %scan3A_107 = arith.constant 10 : i32
    %scan3A_108 = arith.addi %scan3A_106, %scan3A_107 : i32
    %scan3A_109 = arith.constant 1 : i32
    scf.for %scan3A_116 = %scan3A_106 to %scan3A_108 step %scan3A_109  : i32 {
      %mul3A_117 = arith.constant 1 : i32
      %mul3A_118 = arith.muli %scan3A_116, %mul3A_117 : i32
      %add3A_119 = arith.constant 0 : i32
      %add3A_120 = arith.addi %add3A_119, %mul3A_118 : i32
      %mul3A_121 = arith.constant 8 : i32
      %mul3A_122 = arith.muli %add3A_120, %mul3A_121 : i32
      %add3A_123 = arith.constant 0 : i32
      %add3A_124 = arith.addi %mul3A_122, %add3A_123 : i32
      %dma_wait3A = arith.constant 0 : i32
      %dma_wait3A_125 = arith.constant 0 : i32
      %dma_wait3A_126 = arith.constant 0 : i32
      %dma_wait3A_127 = tpu.memref_slice %arg7[%dma_wait3A, %dma_wait3A_125, %dma_wait3A_126] : memref<8x128x16xf32, #tpu.memory_space<vmem>> -> memref<1x128x16xf32, #tpu.memory_space<vmem>>
      %dma_wait3A_128 = tpu.memref_squeeze %dma_wait3A_127 : memref<1x128x16xf32, #tpu.memory_space<vmem>> -> memref<128x16xf32, #tpu.memory_space<vmem>>
      %dma_wait3A_129 = arith.constant 0 : i32
      %dma_wait3A_130 = tpu.memref_slice %arg5[%add3A_124, %dma_wait3A_129] : memref<80x128xi32, #tpu.memory_space<vmem>> -> memref<1x128xi32, #tpu.memory_space<vmem>>
      %dma_wait3A_131 = tpu.memref_squeeze %dma_wait3A_130 : memref<1x128xi32, #tpu.memory_space<vmem>> -> memref<128xi32, #tpu.memory_space<vmem>>
      %dma_wait3A_132 = arith.constant 0 : i32
      %dma_wait3A_133 = arith.constant 0 : i32
      %dma_wait3A_134 = tpu.memref_slice %arg2[%dma_wait3A_132, %dma_wait3A_133] : memref<10000x16xf32, #tpu.memory_space<hbm>> -> memref<10000x16xf32, #tpu.memory_space<hbm>>
      tpu.wait_indirect_dma semaphore(%arg10 : memref<!tpu.dma_semaphore, #tpu.memory_space<semaphore_mem>>) src(%dma_wait3A_134 : memref<10000x16xf32, #tpu.memory_space<hbm>>) dst(%dma_wait3A_128 : memref<128x16xf32, #tpu.memory_space<vmem>>)
      %run_scoped3A_135 = arith.constant 0 : i32
      "tpu.region"() ({
        %run_scoped3A_285 = tpu.sem_alloc : memref<!tpu.dma_semaphore, #tpu.memory_space<semaphore_mem>>
        %dma_start3A_286 = arith.constant 0 : i32
        %dma_start3A_287 = arith.constant 0 : i32
        %dma_start3A_288 = tpu.memref_slice %arg7[%run_scoped3A_135, %dma_start3A_286, %dma_start3A_287] : memref<8x128x16xf32, #tpu.memory_space<vmem>> -> memref<1x128x16xf32, #tpu.memory_space<vmem>>
        %dma_start3A_289 = tpu.memref_squeeze %dma_start3A_288 : memref<1x128x16xf32, #tpu.memory_space<vmem>> -> memref<128x16xf32, #tpu.memory_space<vmem>>
        %dma_start3A_290 = arith.constant 0 : i32
        %dma_start3A_291 = tpu.memref_slice %arg6[%add3A_124, %dma_start3A_290] : memref<80x128xi32, #tpu.memory_space<vmem>> -> memref<1x128xi32, #tpu.memory_space<vmem>>
        %dma_start3A_292 = tpu.memref_squeeze %dma_start3A_291 : memref<1x128xi32, #tpu.memory_space<vmem>> -> memref<128xi32, #tpu.memory_space<vmem>>
        %dma_start3A_293 = arith.constant 0 : i32
        %dma_start3A_294 = arith.constant 0 : i32
        %dma_start3A_295 = tpu.memref_slice %arg9[%dma_start3A_293, %dma_start3A_294] : memref<10240x16xf32, #tpu.memory_space<vmem_shared>> -> memref<10240x16xf32, #tpu.memory_space<vmem_shared>>
        tpu.enqueue_indirect_dma source(%dma_start3A_289 : memref<128x16xf32, #tpu.memory_space<vmem>>) target(%dma_start3A_295 : memref<10240x16xf32, #tpu.memory_space<vmem_shared>>) offsets(%dma_start3A_292 : memref<128xi32, #tpu.memory_space<vmem>>) semaphore(%run_scoped3A_285 : memref<!tpu.dma_semaphore, #tpu.memory_space<semaphore_mem>>) {add = true}
        %dma_wait3A_296 = arith.constant 0 : i32
        %dma_wait3A_297 = arith.constant 0 : i32
        %dma_wait3A_298 = tpu.memref_slice %arg7[%run_scoped3A_135, %dma_wait3A_296, %dma_wait3A_297] : memref<8x128x16xf32, #tpu.memory_space<vmem>> -> memref<1x128x16xf32, #tpu.memory_space<vmem>>
        %dma_wait3A_299 = tpu.memref_squeeze %dma_wait3A_298 : memref<1x128x16xf32, #tpu.memory_space<vmem>> -> memref<128x16xf32, #tpu.memory_space<vmem>>
        %dma_wait3A_300 = arith.constant 0 : i32
        %dma_wait3A_301 = tpu.memref_slice %arg6[%add3A_124, %dma_wait3A_300] : memref<80x128xi32, #tpu.memory_space<vmem>> -> memref<1x128xi32, #tpu.memory_space<vmem>>
        %dma_wait3A_302 = tpu.memref_squeeze %dma_wait3A_301 : memref<1x128xi32, #tpu.memory_space<vmem>> -> memref<128xi32, #tpu.memory_space<vmem>>
        %dma_wait3A_303 = arith.constant 0 : i32
        %dma_wait3A_304 = arith.constant 0 : i32
        %dma_wait3A_305 = tpu.memref_slice %arg9[%dma_wait3A_303, %dma_wait3A_304] : memref<10240x16xf32, #tpu.memory_space<vmem_shared>> -> memref<10240x16xf32, #tpu.memory_space<vmem_shared>>
        tpu.wait_indirect_dma semaphore(%run_scoped3A_285 : memref<!tpu.dma_semaphore, #tpu.memory_space<semaphore_mem>>) src(%dma_wait3A_299 : memref<128x16xf32, #tpu.memory_space<vmem>>) dst(%dma_wait3A_305 : memref<10240x16xf32, #tpu.memory_space<vmem_shared>>)
        tpu.yield
      }) : () -> ()
      %lt3A = arith.constant 9 : i32
      %lt3A_136 = arith.cmpi slt, %add3A_120, %lt3A : i32
      %convert_element_type3A = arith.extui %lt3A_136 : i1 to i32
      %cond3A = arith.constant 0 : i32
      %cond3A_137 = arith.cmpi ne, %convert_element_type3A, %cond3A : i32
      scf.if %cond3A_137 {
        %add3A_285 = arith.constant 8 : i32
        %add3A_286 = arith.addi %add3A_124, %add3A_285 : i32
        %dma_start3A_287 = arith.constant 0 : i32
        %dma_start3A_288 = arith.constant 0 : i32
        %dma_start3A_289 = arith.constant 0 : i32
        %dma_start3A_290 = tpu.memref_slice %arg7[%dma_start3A_287, %dma_start3A_288, %dma_start3A_289] : memref<8x128x16xf32, #tpu.memory_space<vmem>> -> memref<1x128x16xf32, #tpu.memory_space<vmem>>
        %dma_start3A_291 = tpu.memref_squeeze %dma_start3A_290 : memref<1x128x16xf32, #tpu.memory_space<vmem>> -> memref<128x16xf32, #tpu.memory_space<vmem>>
        %dma_start3A_292 = arith.constant 0 : i32
        %dma_start3A_293 = tpu.memref_slice %arg5[%add3A_286, %dma_start3A_292] : memref<80x128xi32, #tpu.memory_space<vmem>> -> memref<1x128xi32, #tpu.memory_space<vmem>>
        %dma_start3A_294 = tpu.memref_squeeze %dma_start3A_293 : memref<1x128xi32, #tpu.memory_space<vmem>> -> memref<128xi32, #tpu.memory_space<vmem>>
        %dma_start3A_295 = arith.constant 0 : i32
        %dma_start3A_296 = arith.constant 0 : i32
        %dma_start3A_297 = tpu.memref_slice %arg2[%dma_start3A_295, %dma_start3A_296] : memref<10000x16xf32, #tpu.memory_space<hbm>> -> memref<10000x16xf32, #tpu.memory_space<hbm>>
        tpu.enqueue_indirect_dma source(%dma_start3A_297 : memref<10000x16xf32, #tpu.memory_space<hbm>>) target(%dma_start3A_291 : memref<128x16xf32, #tpu.memory_space<vmem>>) offsets(%dma_start3A_294 : memref<128xi32, #tpu.memory_space<vmem>>) semaphore(%arg10 : memref<!tpu.dma_semaphore, #tpu.memory_space<semaphore_mem>>)
      } else {
      }
      %mul3A_138 = arith.constant 8 : i32
      %mul3A_139 = arith.muli %add3A_120, %mul3A_138 : i32
      %add3A_140 = arith.constant 1 : i32
      %add3A_141 = arith.addi %mul3A_139, %add3A_140 : i32
      %dma_wait3A_142 = arith.constant 1 : i32
      %dma_wait3A_143 = arith.constant 0 : i32
      %dma_wait3A_144 = arith.constant 0 : i32
      %dma_wait3A_145 = tpu.memref_slice %arg7[%dma_wait3A_142, %dma_wait3A_143, %dma_wait3A_144] : memref<8x128x16xf32, #tpu.memory_space<vmem>> -> memref<1x128x16xf32, #tpu.memory_space<vmem>>
      %dma_wait3A_146 = tpu.memref_squeeze %dma_wait3A_145 : memref<1x128x16xf32, #tpu.memory_space<vmem>> -> memref<128x16xf32, #tpu.memory_space<vmem>>
      %dma_wait3A_147 = arith.constant 0 : i32
      %dma_wait3A_148 = tpu.memref_slice %arg5[%add3A_141, %dma_wait3A_147] : memref<80x128xi32, #tpu.memory_space<vmem>> -> memref<1x128xi32, #tpu.memory_space<vmem>>
      %dma_wait3A_149 = tpu.memref_squeeze %dma_wait3A_148 : memref<1x128xi32, #tpu.memory_space<vmem>> -> memref<128xi32, #tpu.memory_space<vmem>>
      %dma_wait3A_150 = arith.constant 0 : i32
      %dma_wait3A_151 = arith.constant 0 : i32
      %dma_wait3A_152 = tpu.memref_slice %arg2[%dma_wait3A_150, %dma_wait3A_151] : memref<10000x16xf32, #tpu.memory_space<hbm>> -> memref<10000x16xf32, #tpu.memory_space<hbm>>
      tpu.wait_indirect_dma semaphore(%arg11 : memref<!tpu.dma_semaphore, #tpu.memory_space<semaphore_mem>>) src(%dma_wait3A_152 : memref<10000x16xf32, #tpu.memory_space<hbm>>) dst(%dma_wait3A_146 : memref<128x16xf32, #tpu.memory_space<vmem>>)
      %run_scoped3A_153 = arith.constant 1 : i32
      "tpu.region"() ({
        %run_scoped3A_285 = tpu.sem_alloc : memref<!tpu.dma_semaphore, #tpu.memory_space<semaphore_mem>>
        %dma_start3A_286 = arith.constant 0 : i32
        %dma_start3A_287 = arith.constant 0 : i32
        %dma_start3A_288 = tpu.memref_slice %arg7[%run_scoped3A_153, %dma_start3A_286, %dma_start3A_287] : memref<8x128x16xf32, #tpu.memory_space<vmem>> -> memref<1x128x16xf32, #tpu.memory_space<vmem>>
        %dma_start3A_289 = tpu.memref_squeeze %dma_start3A_288 : memref<1x128x16xf32, #tpu.memory_space<vmem>> -> memref<128x16xf32, #tpu.memory_space<vmem>>
        %dma_start3A_290 = arith.constant 0 : i32
        %dma_start3A_291 = tpu.memref_slice %arg6[%add3A_141, %dma_start3A_290] : memref<80x128xi32, #tpu.memory_space<vmem>> -> memref<1x128xi32, #tpu.memory_space<vmem>>
        %dma_start3A_292 = tpu.memref_squeeze %dma_start3A_291 : memref<1x128xi32, #tpu.memory_space<vmem>> -> memref<128xi32, #tpu.memory_space<vmem>>
        %dma_start3A_293 = arith.constant 0 : i32
        %dma_start3A_294 = arith.constant 0 : i32
        %dma_start3A_295 = tpu.memref_slice %arg9[%dma_start3A_293, %dma_start3A_294] : memref<10240x16xf32, #tpu.memory_space<vmem_shared>> -> memref<10240x16xf32, #tpu.memory_space<vmem_shared>>
        tpu.enqueue_indirect_dma source(%dma_start3A_289 : memref<128x16xf32, #tpu.memory_space<vmem>>) target(%dma_start3A_295 : memref<10240x16xf32, #tpu.memory_space<vmem_shared>>) offsets(%dma_start3A_292 : memref<128xi32, #tpu.memory_space<vmem>>) semaphore(%run_scoped3A_285 : memref<!tpu.dma_semaphore, #tpu.memory_space<semaphore_mem>>) {add = true}
        %dma_wait3A_296 = arith.constant 0 : i32
        %dma_wait3A_297 = arith.constant 0 : i32
        %dma_wait3A_298 = tpu.memref_slice %arg7[%run_scoped3A_153, %dma_wait3A_296, %dma_wait3A_297] : memref<8x128x16xf32, #tpu.memory_space<vmem>> -> memref<1x128x16xf32, #tpu.memory_space<vmem>>
        %dma_wait3A_299 = tpu.memref_squeeze %dma_wait3A_298 : memref<1x128x16xf32, #tpu.memory_space<vmem>> -> memref<128x16xf32, #tpu.memory_space<vmem>>
        %dma_wait3A_300 = arith.constant 0 : i32
        %dma_wait3A_301 = tpu.memref_slice %arg6[%add3A_141, %dma_wait3A_300] : memref<80x128xi32, #tpu.memory_space<vmem>> -> memref<1x128xi32, #tpu.memory_space<vmem>>
        %dma_wait3A_302 = tpu.memref_squeeze %dma_wait3A_301 : memref<1x128xi32, #tpu.memory_space<vmem>> -> memref<128xi32, #tpu.memory_space<vmem>>
        %dma_wait3A_303 = arith.constant 0 : i32
        %dma_wait3A_304 = arith.constant 0 : i32
        %dma_wait3A_305 = tpu.memref_slice %arg9[%dma_wait3A_303, %dma_wait3A_304] : memref<10240x16xf32, #tpu.memory_space<vmem_shared>> -> memref<10240x16xf32, #tpu.memory_space<vmem_shared>>
        tpu.wait_indirect_dma semaphore(%run_scoped3A_285 : memref<!tpu.dma_semaphore, #tpu.memory_space<semaphore_mem>>) src(%dma_wait3A_299 : memref<128x16xf32, #tpu.memory_space<vmem>>) dst(%dma_wait3A_305 : memref<10240x16xf32, #tpu.memory_space<vmem_shared>>)
        tpu.yield
      }) : () -> ()
      %lt3A_154 = arith.constant 9 : i32
      %lt3A_155 = arith.cmpi slt, %add3A_120, %lt3A_154 : i32
      %convert_element_type3A_156 = arith.extui %lt3A_155 : i1 to i32
      %cond3A_157 = arith.constant 0 : i32
      %cond3A_158 = arith.cmpi ne, %convert_element_type3A_156, %cond3A_157 : i32
      scf.if %cond3A_158 {
        %add3A_285 = arith.constant 8 : i32
        %add3A_286 = arith.addi %add3A_141, %add3A_285 : i32
        %dma_start3A_287 = arith.constant 1 : i32
        %dma_start3A_288 = arith.constant 0 : i32
        %dma_start3A_289 = arith.constant 0 : i32
        %dma_start3A_290 = tpu.memref_slice %arg7[%dma_start3A_287, %dma_start3A_288, %dma_start3A_289] : memref<8x128x16xf32, #tpu.memory_space<vmem>> -> memref<1x128x16xf32, #tpu.memory_space<vmem>>
        %dma_start3A_291 = tpu.memref_squeeze %dma_start3A_290 : memref<1x128x16xf32, #tpu.memory_space<vmem>> -> memref<128x16xf32, #tpu.memory_space<vmem>>
        %dma_start3A_292 = arith.constant 0 : i32
        %dma_start3A_293 = tpu.memref_slice %arg5[%add3A_286, %dma_start3A_292] : memref<80x128xi32, #tpu.memory_space<vmem>> -> memref<1x128xi32, #tpu.memory_space<vmem>>
        %dma_start3A_294 = tpu.memref_squeeze %dma_start3A_293 : memref<1x128xi32, #tpu.memory_space<vmem>> -> memref<128xi32, #tpu.memory_space<vmem>>
        %dma_start3A_295 = arith.constant 0 : i32
        %dma_start3A_296 = arith.constant 0 : i32
        %dma_start3A_297 = tpu.memref_slice %arg2[%dma_start3A_295, %dma_start3A_296] : memref<10000x16xf32, #tpu.memory_space<hbm>> -> memref<10000x16xf32, #tpu.memory_space<hbm>>
        tpu.enqueue_indirect_dma source(%dma_start3A_297 : memref<10000x16xf32, #tpu.memory_space<hbm>>) target(%dma_start3A_291 : memref<128x16xf32, #tpu.memory_space<vmem>>) offsets(%dma_start3A_294 : memref<128xi32, #tpu.memory_space<vmem>>) semaphore(%arg11 : memref<!tpu.dma_semaphore, #tpu.memory_space<semaphore_mem>>)
      } else {
      }
      %mul3A_159 = arith.constant 8 : i32
      %mul3A_160 = arith.muli %add3A_120, %mul3A_159 : i32
      %add3A_161 = arith.constant 2 : i32
      %add3A_162 = arith.addi %mul3A_160, %add3A_161 : i32
      %dma_wait3A_163 = arith.constant 2 : i32
      %dma_wait3A_164 = arith.constant 0 : i32
      %dma_wait3A_165 = arith.constant 0 : i32
      %dma_wait3A_166 = tpu.memref_slice %arg7[%dma_wait3A_163, %dma_wait3A_164, %dma_wait3A_165] : memref<8x128x16xf32, #tpu.memory_space<vmem>> -> memref<1x128x16xf32, #tpu.memory_space<vmem>>
      %dma_wait3A_167 = tpu.memref_squeeze %dma_wait3A_166 : memref<1x128x16xf32, #tpu.memory_space<vmem>> -> memref<128x16xf32, #tpu.memory_space<vmem>>
      %dma_wait3A_168 = arith.constant 0 : i32
      %dma_wait3A_169 = tpu.memref_slice %arg5[%add3A_162, %dma_wait3A_168] : memref<80x128xi32, #tpu.memory_space<vmem>> -> memref<1x128xi32, #tpu.memory_space<vmem>>
      %dma_wait3A_170 = tpu.memref_squeeze %dma_wait3A_169 : memref<1x128xi32, #tpu.memory_space<vmem>> -> memref<128xi32, #tpu.memory_space<vmem>>
      %dma_wait3A_171 = arith.constant 0 : i32
      %dma_wait3A_172 = arith.constant 0 : i32
      %dma_wait3A_173 = tpu.memref_slice %arg2[%dma_wait3A_171, %dma_wait3A_172] : memref<10000x16xf32, #tpu.memory_space<hbm>> -> memref<10000x16xf32, #tpu.memory_space<hbm>>
      tpu.wait_indirect_dma semaphore(%arg12 : memref<!tpu.dma_semaphore, #tpu.memory_space<semaphore_mem>>) src(%dma_wait3A_173 : memref<10000x16xf32, #tpu.memory_space<hbm>>) dst(%dma_wait3A_167 : memref<128x16xf32, #tpu.memory_space<vmem>>)
      %run_scoped3A_174 = arith.constant 2 : i32
      "tpu.region"() ({
        %run_scoped3A_285 = tpu.sem_alloc : memref<!tpu.dma_semaphore, #tpu.memory_space<semaphore_mem>>
        %dma_start3A_286 = arith.constant 0 : i32
        %dma_start3A_287 = arith.constant 0 : i32
        %dma_start3A_288 = tpu.memref_slice %arg7[%run_scoped3A_174, %dma_start3A_286, %dma_start3A_287] : memref<8x128x16xf32, #tpu.memory_space<vmem>> -> memref<1x128x16xf32, #tpu.memory_space<vmem>>
        %dma_start3A_289 = tpu.memref_squeeze %dma_start3A_288 : memref<1x128x16xf32, #tpu.memory_space<vmem>> -> memref<128x16xf32, #tpu.memory_space<vmem>>
        %dma_start3A_290 = arith.constant 0 : i32
        %dma_start3A_291 = tpu.memref_slice %arg6[%add3A_162, %dma_start3A_290] : memref<80x128xi32, #tpu.memory_space<vmem>> -> memref<1x128xi32, #tpu.memory_space<vmem>>
        %dma_start3A_292 = tpu.memref_squeeze %dma_start3A_291 : memref<1x128xi32, #tpu.memory_space<vmem>> -> memref<128xi32, #tpu.memory_space<vmem>>
        %dma_start3A_293 = arith.constant 0 : i32
        %dma_start3A_294 = arith.constant 0 : i32
        %dma_start3A_295 = tpu.memref_slice %arg9[%dma_start3A_293, %dma_start3A_294] : memref<10240x16xf32, #tpu.memory_space<vmem_shared>> -> memref<10240x16xf32, #tpu.memory_space<vmem_shared>>
        tpu.enqueue_indirect_dma source(%dma_start3A_289 : memref<128x16xf32, #tpu.memory_space<vmem>>) target(%dma_start3A_295 : memref<10240x16xf32, #tpu.memory_space<vmem_shared>>) offsets(%dma_start3A_292 : memref<128xi32, #tpu.memory_space<vmem>>) semaphore(%run_scoped3A_285 : memref<!tpu.dma_semaphore, #tpu.memory_space<semaphore_mem>>) {add = true}
        %dma_wait3A_296 = arith.constant 0 : i32
        %dma_wait3A_297 = arith.constant 0 : i32
        %dma_wait3A_298 = tpu.memref_slice %arg7[%run_scoped3A_174, %dma_wait3A_296, %dma_wait3A_297] : memref<8x128x16xf32, #tpu.memory_space<vmem>> -> memref<1x128x16xf32, #tpu.memory_space<vmem>>
        %dma_wait3A_299 = tpu.memref_squeeze %dma_wait3A_298 : memref<1x128x16xf32, #tpu.memory_space<vmem>> -> memref<128x16xf32, #tpu.memory_space<vmem>>
        %dma_wait3A_300 = arith.constant 0 : i32
        %dma_wait3A_301 = tpu.memref_slice %arg6[%add3A_162, %dma_wait3A_300] : memref<80x128xi32, #tpu.memory_space<vmem>> -> memref<1x128xi32, #tpu.memory_space<vmem>>
        %dma_wait3A_302 = tpu.memref_squeeze %dma_wait3A_301 : memref<1x128xi32, #tpu.memory_space<vmem>> -> memref<128xi32, #tpu.memory_space<vmem>>
        %dma_wait3A_303 = arith.constant 0 : i32
        %dma_wait3A_304 = arith.constant 0 : i32
        %dma_wait3A_305 = tpu.memref_slice %arg9[%dma_wait3A_303, %dma_wait3A_304] : memref<10240x16xf32, #tpu.memory_space<vmem_shared>> -> memref<10240x16xf32, #tpu.memory_space<vmem_shared>>
        tpu.wait_indirect_dma semaphore(%run_scoped3A_285 : memref<!tpu.dma_semaphore, #tpu.memory_space<semaphore_mem>>) src(%dma_wait3A_299 : memref<128x16xf32, #tpu.memory_space<vmem>>) dst(%dma_wait3A_305 : memref<10240x16xf32, #tpu.memory_space<vmem_shared>>)
        tpu.yield
      }) : () -> ()
      %lt3A_175 = arith.constant 9 : i32
      %lt3A_176 = arith.cmpi slt, %add3A_120, %lt3A_175 : i32
      %convert_element_type3A_177 = arith.extui %lt3A_176 : i1 to i32
      %cond3A_178 = arith.constant 0 : i32
      %cond3A_179 = arith.cmpi ne, %convert_element_type3A_177, %cond3A_178 : i32
      scf.if %cond3A_179 {
        %add3A_285 = arith.constant 8 : i32
        %add3A_286 = arith.addi %add3A_162, %add3A_285 : i32
        %dma_start3A_287 = arith.constant 2 : i32
        %dma_start3A_288 = arith.constant 0 : i32
        %dma_start3A_289 = arith.constant 0 : i32
        %dma_start3A_290 = tpu.memref_slice %arg7[%dma_start3A_287, %dma_start3A_288, %dma_start3A_289] : memref<8x128x16xf32, #tpu.memory_space<vmem>> -> memref<1x128x16xf32, #tpu.memory_space<vmem>>
        %dma_start3A_291 = tpu.memref_squeeze %dma_start3A_290 : memref<1x128x16xf32, #tpu.memory_space<vmem>> -> memref<128x16xf32, #tpu.memory_space<vmem>>
        %dma_start3A_292 = arith.constant 0 : i32
        %dma_start3A_293 = tpu.memref_slice %arg5[%add3A_286, %dma_start3A_292] : memref<80x128xi32, #tpu.memory_space<vmem>> -> memref<1x128xi32, #tpu.memory_space<vmem>>
        %dma_start3A_294 = tpu.memref_squeeze %dma_start3A_293 : memref<1x128xi32, #tpu.memory_space<vmem>> -> memref<128xi32, #tpu.memory_space<vmem>>
        %dma_start3A_295 = arith.constant 0 : i32
        %dma_start3A_296 = arith.constant 0 : i32
        %dma_start3A_297 = tpu.memref_slice %arg2[%dma_start3A_295, %dma_start3A_296] : memref<10000x16xf32, #tpu.memory_space<hbm>> -> memref<10000x16xf32, #tpu.memory_space<hbm>>
        tpu.enqueue_indirect_dma source(%dma_start3A_297 : memref<10000x16xf32, #tpu.memory_space<hbm>>) target(%dma_start3A_291 : memref<128x16xf32, #tpu.memory_space<vmem>>) offsets(%dma_start3A_294 : memref<128xi32, #tpu.memory_space<vmem>>) semaphore(%arg12 : memref<!tpu.dma_semaphore, #tpu.memory_space<semaphore_mem>>)
      } else {
      }
      %mul3A_180 = arith.constant 8 : i32
      %mul3A_181 = arith.muli %add3A_120, %mul3A_180 : i32
      %add3A_182 = arith.constant 3 : i32
      %add3A_183 = arith.addi %mul3A_181, %add3A_182 : i32
      %dma_wait3A_184 = arith.constant 3 : i32
      %dma_wait3A_185 = arith.constant 0 : i32
      %dma_wait3A_186 = arith.constant 0 : i32
      %dma_wait3A_187 = tpu.memref_slice %arg7[%dma_wait3A_184, %dma_wait3A_185, %dma_wait3A_186] : memref<8x128x16xf32, #tpu.memory_space<vmem>> -> memref<1x128x16xf32, #tpu.memory_space<vmem>>
      %dma_wait3A_188 = tpu.memref_squeeze %dma_wait3A_187 : memref<1x128x16xf32, #tpu.memory_space<vmem>> -> memref<128x16xf32, #tpu.memory_space<vmem>>
      %dma_wait3A_189 = arith.constant 0 : i32
      %dma_wait3A_190 = tpu.memref_slice %arg5[%add3A_183, %dma_wait3A_189] : memref<80x128xi32, #tpu.memory_space<vmem>> -> memref<1x128xi32, #tpu.memory_space<vmem>>
      %dma_wait3A_191 = tpu.memref_squeeze %dma_wait3A_190 : memref<1x128xi32, #tpu.memory_space<vmem>> -> memref<128xi32, #tpu.memory_space<vmem>>
      %dma_wait3A_192 = arith.constant 0 : i32
      %dma_wait3A_193 = arith.constant 0 : i32
      %dma_wait3A_194 = tpu.memref_slice %arg2[%dma_wait3A_192, %dma_wait3A_193] : memref<10000x16xf32, #tpu.memory_space<hbm>> -> memref<10000x16xf32, #tpu.memory_space<hbm>>
      tpu.wait_indirect_dma semaphore(%arg13 : memref<!tpu.dma_semaphore, #tpu.memory_space<semaphore_mem>>) src(%dma_wait3A_194 : memref<10000x16xf32, #tpu.memory_space<hbm>>) dst(%dma_wait3A_188 : memref<128x16xf32, #tpu.memory_space<vmem>>)
      %run_scoped3A_195 = arith.constant 3 : i32
      "tpu.region"() ({
        %run_scoped3A_285 = tpu.sem_alloc : memref<!tpu.dma_semaphore, #tpu.memory_space<semaphore_mem>>
        %dma_start3A_286 = arith.constant 0 : i32
        %dma_start3A_287 = arith.constant 0 : i32
        %dma_start3A_288 = tpu.memref_slice %arg7[%run_scoped3A_195, %dma_start3A_286, %dma_start3A_287] : memref<8x128x16xf32, #tpu.memory_space<vmem>> -> memref<1x128x16xf32, #tpu.memory_space<vmem>>
        %dma_start3A_289 = tpu.memref_squeeze %dma_start3A_288 : memref<1x128x16xf32, #tpu.memory_space<vmem>> -> memref<128x16xf32, #tpu.memory_space<vmem>>
        %dma_start3A_290 = arith.constant 0 : i32
        %dma_start3A_291 = tpu.memref_slice %arg6[%add3A_183, %dma_start3A_290] : memref<80x128xi32, #tpu.memory_space<vmem>> -> memref<1x128xi32, #tpu.memory_space<vmem>>
        %dma_start3A_292 = tpu.memref_squeeze %dma_start3A_291 : memref<1x128xi32, #tpu.memory_space<vmem>> -> memref<128xi32, #tpu.memory_space<vmem>>
        %dma_start3A_293 = arith.constant 0 : i32
        %dma_start3A_294 = arith.constant 0 : i32
        %dma_start3A_295 = tpu.memref_slice %arg9[%dma_start3A_293, %dma_start3A_294] : memref<10240x16xf32, #tpu.memory_space<vmem_shared>> -> memref<10240x16xf32, #tpu.memory_space<vmem_shared>>
        tpu.enqueue_indirect_dma source(%dma_start3A_289 : memref<128x16xf32, #tpu.memory_space<vmem>>) target(%dma_start3A_295 : memref<10240x16xf32, #tpu.memory_space<vmem_shared>>) offsets(%dma_start3A_292 : memref<128xi32, #tpu.memory_space<vmem>>) semaphore(%run_scoped3A_285 : memref<!tpu.dma_semaphore, #tpu.memory_space<semaphore_mem>>) {add = true}
        %dma_wait3A_296 = arith.constant 0 : i32
        %dma_wait3A_297 = arith.constant 0 : i32
        %dma_wait3A_298 = tpu.memref_slice %arg7[%run_scoped3A_195, %dma_wait3A_296, %dma_wait3A_297] : memref<8x128x16xf32, #tpu.memory_space<vmem>> -> memref<1x128x16xf32, #tpu.memory_space<vmem>>
        %dma_wait3A_299 = tpu.memref_squeeze %dma_wait3A_298 : memref<1x128x16xf32, #tpu.memory_space<vmem>> -> memref<128x16xf32, #tpu.memory_space<vmem>>
        %dma_wait3A_300 = arith.constant 0 : i32
        %dma_wait3A_301 = tpu.memref_slice %arg6[%add3A_183, %dma_wait3A_300] : memref<80x128xi32, #tpu.memory_space<vmem>> -> memref<1x128xi32, #tpu.memory_space<vmem>>
        %dma_wait3A_302 = tpu.memref_squeeze %dma_wait3A_301 : memref<1x128xi32, #tpu.memory_space<vmem>> -> memref<128xi32, #tpu.memory_space<vmem>>
        %dma_wait3A_303 = arith.constant 0 : i32
        %dma_wait3A_304 = arith.constant 0 : i32
        %dma_wait3A_305 = tpu.memref_slice %arg9[%dma_wait3A_303, %dma_wait3A_304] : memref<10240x16xf32, #tpu.memory_space<vmem_shared>> -> memref<10240x16xf32, #tpu.memory_space<vmem_shared>>
        tpu.wait_indirect_dma semaphore(%run_scoped3A_285 : memref<!tpu.dma_semaphore, #tpu.memory_space<semaphore_mem>>) src(%dma_wait3A_299 : memref<128x16xf32, #tpu.memory_space<vmem>>) dst(%dma_wait3A_305 : memref<10240x16xf32, #tpu.memory_space<vmem_shared>>)
        tpu.yield
      }) : () -> ()
      %lt3A_196 = arith.constant 9 : i32
      %lt3A_197 = arith.cmpi slt, %add3A_120, %lt3A_196 : i32
      %convert_element_type3A_198 = arith.extui %lt3A_197 : i1 to i32
      %cond3A_199 = arith.constant 0 : i32
      %cond3A_200 = arith.cmpi ne, %convert_element_type3A_198, %cond3A_199 : i32
      scf.if %cond3A_200 {
        %add3A_285 = arith.constant 8 : i32
        %add3A_286 = arith.addi %add3A_183, %add3A_285 : i32
        %dma_start3A_287 = arith.constant 3 : i32
        %dma_start3A_288 = arith.constant 0 : i32
        %dma_start3A_289 = arith.constant 0 : i32
        %dma_start3A_290 = tpu.memref_slice %arg7[%dma_start3A_287, %dma_start3A_288, %dma_start3A_289] : memref<8x128x16xf32, #tpu.memory_space<vmem>> -> memref<1x128x16xf32, #tpu.memory_space<vmem>>
        %dma_start3A_291 = tpu.memref_squeeze %dma_start3A_290 : memref<1x128x16xf32, #tpu.memory_space<vmem>> -> memref<128x16xf32, #tpu.memory_space<vmem>>
        %dma_start3A_292 = arith.constant 0 : i32
        %dma_start3A_293 = tpu.memref_slice %arg5[%add3A_286, %dma_start3A_292] : memref<80x128xi32, #tpu.memory_space<vmem>> -> memref<1x128xi32, #tpu.memory_space<vmem>>
        %dma_start3A_294 = tpu.memref_squeeze %dma_start3A_293 : memref<1x128xi32, #tpu.memory_space<vmem>> -> memref<128xi32, #tpu.memory_space<vmem>>
        %dma_start3A_295 = arith.constant 0 : i32
        %dma_start3A_296 = arith.constant 0 : i32
        %dma_start3A_297 = tpu.memref_slice %arg2[%dma_start3A_295, %dma_start3A_296] : memref<10000x16xf32, #tpu.memory_space<hbm>> -> memref<10000x16xf32, #tpu.memory_space<hbm>>
        tpu.enqueue_indirect_dma source(%dma_start3A_297 : memref<10000x16xf32, #tpu.memory_space<hbm>>) target(%dma_start3A_291 : memref<128x16xf32, #tpu.memory_space<vmem>>) offsets(%dma_start3A_294 : memref<128xi32, #tpu.memory_space<vmem>>) semaphore(%arg13 : memref<!tpu.dma_semaphore, #tpu.memory_space<semaphore_mem>>)
      } else {
      }
      %mul3A_201 = arith.constant 8 : i32
      %mul3A_202 = arith.muli %add3A_120, %mul3A_201 : i32
      %add3A_203 = arith.constant 4 : i32
      %add3A_204 = arith.addi %mul3A_202, %add3A_203 : i32
      %dma_wait3A_205 = arith.constant 4 : i32
      %dma_wait3A_206 = arith.constant 0 : i32
      %dma_wait3A_207 = arith.constant 0 : i32
      %dma_wait3A_208 = tpu.memref_slice %arg7[%dma_wait3A_205, %dma_wait3A_206, %dma_wait3A_207] : memref<8x128x16xf32, #tpu.memory_space<vmem>> -> memref<1x128x16xf32, #tpu.memory_space<vmem>>
      %dma_wait3A_209 = tpu.memref_squeeze %dma_wait3A_208 : memref<1x128x16xf32, #tpu.memory_space<vmem>> -> memref<128x16xf32, #tpu.memory_space<vmem>>
      %dma_wait3A_210 = arith.constant 0 : i32
      %dma_wait3A_211 = tpu.memref_slice %arg5[%add3A_204, %dma_wait3A_210] : memref<80x128xi32, #tpu.memory_space<vmem>> -> memref<1x128xi32, #tpu.memory_space<vmem>>
      %dma_wait3A_212 = tpu.memref_squeeze %dma_wait3A_211 : memref<1x128xi32, #tpu.memory_space<vmem>> -> memref<128xi32, #tpu.memory_space<vmem>>
      %dma_wait3A_213 = arith.constant 0 : i32
      %dma_wait3A_214 = arith.constant 0 : i32
      %dma_wait3A_215 = tpu.memref_slice %arg2[%dma_wait3A_213, %dma_wait3A_214] : memref<10000x16xf32, #tpu.memory_space<hbm>> -> memref<10000x16xf32, #tpu.memory_space<hbm>>
      tpu.wait_indirect_dma semaphore(%arg14 : memref<!tpu.dma_semaphore, #tpu.memory_space<semaphore_mem>>) src(%dma_wait3A_215 : memref<10000x16xf32, #tpu.memory_space<hbm>>) dst(%dma_wait3A_209 : memref<128x16xf32, #tpu.memory_space<vmem>>)
      %run_scoped3A_216 = arith.constant 4 : i32
      "tpu.region"() ({
        %run_scoped3A_285 = tpu.sem_alloc : memref<!tpu.dma_semaphore, #tpu.memory_space<semaphore_mem>>
        %dma_start3A_286 = arith.constant 0 : i32
        %dma_start3A_287 = arith.constant 0 : i32
        %dma_start3A_288 = tpu.memref_slice %arg7[%run_scoped3A_216, %dma_start3A_286, %dma_start3A_287] : memref<8x128x16xf32, #tpu.memory_space<vmem>> -> memref<1x128x16xf32, #tpu.memory_space<vmem>>
        %dma_start3A_289 = tpu.memref_squeeze %dma_start3A_288 : memref<1x128x16xf32, #tpu.memory_space<vmem>> -> memref<128x16xf32, #tpu.memory_space<vmem>>
        %dma_start3A_290 = arith.constant 0 : i32
        %dma_start3A_291 = tpu.memref_slice %arg6[%add3A_204, %dma_start3A_290] : memref<80x128xi32, #tpu.memory_space<vmem>> -> memref<1x128xi32, #tpu.memory_space<vmem>>
        %dma_start3A_292 = tpu.memref_squeeze %dma_start3A_291 : memref<1x128xi32, #tpu.memory_space<vmem>> -> memref<128xi32, #tpu.memory_space<vmem>>
        %dma_start3A_293 = arith.constant 0 : i32
        %dma_start3A_294 = arith.constant 0 : i32
        %dma_start3A_295 = tpu.memref_slice %arg9[%dma_start3A_293, %dma_start3A_294] : memref<10240x16xf32, #tpu.memory_space<vmem_shared>> -> memref<10240x16xf32, #tpu.memory_space<vmem_shared>>
        tpu.enqueue_indirect_dma source(%dma_start3A_289 : memref<128x16xf32, #tpu.memory_space<vmem>>) target(%dma_start3A_295 : memref<10240x16xf32, #tpu.memory_space<vmem_shared>>) offsets(%dma_start3A_292 : memref<128xi32, #tpu.memory_space<vmem>>) semaphore(%run_scoped3A_285 : memref<!tpu.dma_semaphore, #tpu.memory_space<semaphore_mem>>) {add = true}
        %dma_wait3A_296 = arith.constant 0 : i32
        %dma_wait3A_297 = arith.constant 0 : i32
        %dma_wait3A_298 = tpu.memref_slice %arg7[%run_scoped3A_216, %dma_wait3A_296, %dma_wait3A_297] : memref<8x128x16xf32, #tpu.memory_space<vmem>> -> memref<1x128x16xf32, #tpu.memory_space<vmem>>
        %dma_wait3A_299 = tpu.memref_squeeze %dma_wait3A_298 : memref<1x128x16xf32, #tpu.memory_space<vmem>> -> memref<128x16xf32, #tpu.memory_space<vmem>>
        %dma_wait3A_300 = arith.constant 0 : i32
        %dma_wait3A_301 = tpu.memref_slice %arg6[%add3A_204, %dma_wait3A_300] : memref<80x128xi32, #tpu.memory_space<vmem>> -> memref<1x128xi32, #tpu.memory_space<vmem>>
        %dma_wait3A_302 = tpu.memref_squeeze %dma_wait3A_301 : memref<1x128xi32, #tpu.memory_space<vmem>> -> memref<128xi32, #tpu.memory_space<vmem>>
        %dma_wait3A_303 = arith.constant 0 : i32
        %dma_wait3A_304 = arith.constant 0 : i32
        %dma_wait3A_305 = tpu.memref_slice %arg9[%dma_wait3A_303, %dma_wait3A_304] : memref<10240x16xf32, #tpu.memory_space<vmem_shared>> -> memref<10240x16xf32, #tpu.memory_space<vmem_shared>>
        tpu.wait_indirect_dma semaphore(%run_scoped3A_285 : memref<!tpu.dma_semaphore, #tpu.memory_space<semaphore_mem>>) src(%dma_wait3A_299 : memref<128x16xf32, #tpu.memory_space<vmem>>) dst(%dma_wait3A_305 : memref<10240x16xf32, #tpu.memory_space<vmem_shared>>)
        tpu.yield
      }) : () -> ()
      %lt3A_217 = arith.constant 9 : i32
      %lt3A_218 = arith.cmpi slt, %add3A_120, %lt3A_217 : i32
      %convert_element_type3A_219 = arith.extui %lt3A_218 : i1 to i32
      %cond3A_220 = arith.constant 0 : i32
      %cond3A_221 = arith.cmpi ne, %convert_element_type3A_219, %cond3A_220 : i32
      scf.if %cond3A_221 {
        %add3A_285 = arith.constant 8 : i32
        %add3A_286 = arith.addi %add3A_204, %add3A_285 : i32
        %dma_start3A_287 = arith.constant 4 : i32
        %dma_start3A_288 = arith.constant 0 : i32
        %dma_start3A_289 = arith.constant 0 : i32
        %dma_start3A_290 = tpu.memref_slice %arg7[%dma_start3A_287, %dma_start3A_288, %dma_start3A_289] : memref<8x128x16xf32, #tpu.memory_space<vmem>> -> memref<1x128x16xf32, #tpu.memory_space<vmem>>
        %dma_start3A_291 = tpu.memref_squeeze %dma_start3A_290 : memref<1x128x16xf32, #tpu.memory_space<vmem>> -> memref<128x16xf32, #tpu.memory_space<vmem>>
        %dma_start3A_292 = arith.constant 0 : i32
        %dma_start3A_293 = tpu.memref_slice %arg5[%add3A_286, %dma_start3A_292] : memref<80x128xi32, #tpu.memory_space<vmem>> -> memref<1x128xi32, #tpu.memory_space<vmem>>
        %dma_start3A_294 = tpu.memref_squeeze %dma_start3A_293 : memref<1x128xi32, #tpu.memory_space<vmem>> -> memref<128xi32, #tpu.memory_space<vmem>>
        %dma_start3A_295 = arith.constant 0 : i32
        %dma_start3A_296 = arith.constant 0 : i32
        %dma_start3A_297 = tpu.memref_slice %arg2[%dma_start3A_295, %dma_start3A_296] : memref<10000x16xf32, #tpu.memory_space<hbm>> -> memref<10000x16xf32, #tpu.memory_space<hbm>>
        tpu.enqueue_indirect_dma source(%dma_start3A_297 : memref<10000x16xf32, #tpu.memory_space<hbm>>) target(%dma_start3A_291 : memref<128x16xf32, #tpu.memory_space<vmem>>) offsets(%dma_start3A_294 : memref<128xi32, #tpu.memory_space<vmem>>) semaphore(%arg14 : memref<!tpu.dma_semaphore, #tpu.memory_space<semaphore_mem>>)
      } else {
      }
      %mul3A_222 = arith.constant 8 : i32
      %mul3A_223 = arith.muli %add3A_120, %mul3A_222 : i32
      %add3A_224 = arith.constant 5 : i32
      %add3A_225 = arith.addi %mul3A_223, %add3A_224 : i32
      %dma_wait3A_226 = arith.constant 5 : i32
      %dma_wait3A_227 = arith.constant 0 : i32
      %dma_wait3A_228 = arith.constant 0 : i32
      %dma_wait3A_229 = tpu.memref_slice %arg7[%dma_wait3A_226, %dma_wait3A_227, %dma_wait3A_228] : memref<8x128x16xf32, #tpu.memory_space<vmem>> -> memref<1x128x16xf32, #tpu.memory_space<vmem>>
      %dma_wait3A_230 = tpu.memref_squeeze %dma_wait3A_229 : memref<1x128x16xf32, #tpu.memory_space<vmem>> -> memref<128x16xf32, #tpu.memory_space<vmem>>
      %dma_wait3A_231 = arith.constant 0 : i32
      %dma_wait3A_232 = tpu.memref_slice %arg5[%add3A_225, %dma_wait3A_231] : memref<80x128xi32, #tpu.memory_space<vmem>> -> memref<1x128xi32, #tpu.memory_space<vmem>>
      %dma_wait3A_233 = tpu.memref_squeeze %dma_wait3A_232 : memref<1x128xi32, #tpu.memory_space<vmem>> -> memref<128xi32, #tpu.memory_space<vmem>>
      %dma_wait3A_234 = arith.constant 0 : i32
      %dma_wait3A_235 = arith.constant 0 : i32
      %dma_wait3A_236 = tpu.memref_slice %arg2[%dma_wait3A_234, %dma_wait3A_235] : memref<10000x16xf32, #tpu.memory_space<hbm>> -> memref<10000x16xf32, #tpu.memory_space<hbm>>
      tpu.wait_indirect_dma semaphore(%arg15 : memref<!tpu.dma_semaphore, #tpu.memory_space<semaphore_mem>>) src(%dma_wait3A_236 : memref<10000x16xf32, #tpu.memory_space<hbm>>) dst(%dma_wait3A_230 : memref<128x16xf32, #tpu.memory_space<vmem>>)
      %run_scoped3A_237 = arith.constant 5 : i32
      "tpu.region"() ({
        %run_scoped3A_285 = tpu.sem_alloc : memref<!tpu.dma_semaphore, #tpu.memory_space<semaphore_mem>>
        %dma_start3A_286 = arith.constant 0 : i32
        %dma_start3A_287 = arith.constant 0 : i32
        %dma_start3A_288 = tpu.memref_slice %arg7[%run_scoped3A_237, %dma_start3A_286, %dma_start3A_287] : memref<8x128x16xf32, #tpu.memory_space<vmem>> -> memref<1x128x16xf32, #tpu.memory_space<vmem>>
        %dma_start3A_289 = tpu.memref_squeeze %dma_start3A_288 : memref<1x128x16xf32, #tpu.memory_space<vmem>> -> memref<128x16xf32, #tpu.memory_space<vmem>>
        %dma_start3A_290 = arith.constant 0 : i32
        %dma_start3A_291 = tpu.memref_slice %arg6[%add3A_225, %dma_start3A_290] : memref<80x128xi32, #tpu.memory_space<vmem>> -> memref<1x128xi32, #tpu.memory_space<vmem>>
        %dma_start3A_292 = tpu.memref_squeeze %dma_start3A_291 : memref<1x128xi32, #tpu.memory_space<vmem>> -> memref<128xi32, #tpu.memory_space<vmem>>
        %dma_start3A_293 = arith.constant 0 : i32
        %dma_start3A_294 = arith.constant 0 : i32
        %dma_start3A_295 = tpu.memref_slice %arg9[%dma_start3A_293, %dma_start3A_294] : memref<10240x16xf32, #tpu.memory_space<vmem_shared>> -> memref<10240x16xf32, #tpu.memory_space<vmem_shared>>
        tpu.enqueue_indirect_dma source(%dma_start3A_289 : memref<128x16xf32, #tpu.memory_space<vmem>>) target(%dma_start3A_295 : memref<10240x16xf32, #tpu.memory_space<vmem_shared>>) offsets(%dma_start3A_292 : memref<128xi32, #tpu.memory_space<vmem>>) semaphore(%run_scoped3A_285 : memref<!tpu.dma_semaphore, #tpu.memory_space<semaphore_mem>>) {add = true}
        %dma_wait3A_296 = arith.constant 0 : i32
        %dma_wait3A_297 = arith.constant 0 : i32
        %dma_wait3A_298 = tpu.memref_slice %arg7[%run_scoped3A_237, %dma_wait3A_296, %dma_wait3A_297] : memref<8x128x16xf32, #tpu.memory_space<vmem>> -> memref<1x128x16xf32, #tpu.memory_space<vmem>>
        %dma_wait3A_299 = tpu.memref_squeeze %dma_wait3A_298 : memref<1x128x16xf32, #tpu.memory_space<vmem>> -> memref<128x16xf32, #tpu.memory_space<vmem>>
        %dma_wait3A_300 = arith.constant 0 : i32
        %dma_wait3A_301 = tpu.memref_slice %arg6[%add3A_225, %dma_wait3A_300] : memref<80x128xi32, #tpu.memory_space<vmem>> -> memref<1x128xi32, #tpu.memory_space<vmem>>
        %dma_wait3A_302 = tpu.memref_squeeze %dma_wait3A_301 : memref<1x128xi32, #tpu.memory_space<vmem>> -> memref<128xi32, #tpu.memory_space<vmem>>
        %dma_wait3A_303 = arith.constant 0 : i32
        %dma_wait3A_304 = arith.constant 0 : i32
        %dma_wait3A_305 = tpu.memref_slice %arg9[%dma_wait3A_303, %dma_wait3A_304] : memref<10240x16xf32, #tpu.memory_space<vmem_shared>> -> memref<10240x16xf32, #tpu.memory_space<vmem_shared>>
        tpu.wait_indirect_dma semaphore(%run_scoped3A_285 : memref<!tpu.dma_semaphore, #tpu.memory_space<semaphore_mem>>) src(%dma_wait3A_299 : memref<128x16xf32, #tpu.memory_space<vmem>>) dst(%dma_wait3A_305 : memref<10240x16xf32, #tpu.memory_space<vmem_shared>>)
        tpu.yield
      }) : () -> ()
      %lt3A_238 = arith.constant 9 : i32
      %lt3A_239 = arith.cmpi slt, %add3A_120, %lt3A_238 : i32
      %convert_element_type3A_240 = arith.extui %lt3A_239 : i1 to i32
      %cond3A_241 = arith.constant 0 : i32
      %cond3A_242 = arith.cmpi ne, %convert_element_type3A_240, %cond3A_241 : i32
      scf.if %cond3A_242 {
        %add3A_285 = arith.constant 8 : i32
        %add3A_286 = arith.addi %add3A_225, %add3A_285 : i32
        %dma_start3A_287 = arith.constant 5 : i32
        %dma_start3A_288 = arith.constant 0 : i32
        %dma_start3A_289 = arith.constant 0 : i32
        %dma_start3A_290 = tpu.memref_slice %arg7[%dma_start3A_287, %dma_start3A_288, %dma_start3A_289] : memref<8x128x16xf32, #tpu.memory_space<vmem>> -> memref<1x128x16xf32, #tpu.memory_space<vmem>>
        %dma_start3A_291 = tpu.memref_squeeze %dma_start3A_290 : memref<1x128x16xf32, #tpu.memory_space<vmem>> -> memref<128x16xf32, #tpu.memory_space<vmem>>
        %dma_start3A_292 = arith.constant 0 : i32
        %dma_start3A_293 = tpu.memref_slice %arg5[%add3A_286, %dma_start3A_292] : memref<80x128xi32, #tpu.memory_space<vmem>> -> memref<1x128xi32, #tpu.memory_space<vmem>>
        %dma_start3A_294 = tpu.memref_squeeze %dma_start3A_293 : memref<1x128xi32, #tpu.memory_space<vmem>> -> memref<128xi32, #tpu.memory_space<vmem>>
        %dma_start3A_295 = arith.constant 0 : i32
        %dma_start3A_296 = arith.constant 0 : i32
        %dma_start3A_297 = tpu.memref_slice %arg2[%dma_start3A_295, %dma_start3A_296] : memref<10000x16xf32, #tpu.memory_space<hbm>> -> memref<10000x16xf32, #tpu.memory_space<hbm>>
        tpu.enqueue_indirect_dma source(%dma_start3A_297 : memref<10000x16xf32, #tpu.memory_space<hbm>>) target(%dma_start3A_291 : memref<128x16xf32, #tpu.memory_space<vmem>>) offsets(%dma_start3A_294 : memref<128xi32, #tpu.memory_space<vmem>>) semaphore(%arg15 : memref<!tpu.dma_semaphore, #tpu.memory_space<semaphore_mem>>)
      } else {
      }
      %mul3A_243 = arith.constant 8 : i32
      %mul3A_244 = arith.muli %add3A_120, %mul3A_243 : i32
      %add3A_245 = arith.constant 6 : i32
      %add3A_246 = arith.addi %mul3A_244, %add3A_245 : i32
      %dma_wait3A_247 = arith.constant 6 : i32
      %dma_wait3A_248 = arith.constant 0 : i32
      %dma_wait3A_249 = arith.constant 0 : i32
      %dma_wait3A_250 = tpu.memref_slice %arg7[%dma_wait3A_247, %dma_wait3A_248, %dma_wait3A_249] : memref<8x128x16xf32, #tpu.memory_space<vmem>> -> memref<1x128x16xf32, #tpu.memory_space<vmem>>
      %dma_wait3A_251 = tpu.memref_squeeze %dma_wait3A_250 : memref<1x128x16xf32, #tpu.memory_space<vmem>> -> memref<128x16xf32, #tpu.memory_space<vmem>>
      %dma_wait3A_252 = arith.constant 0 : i32
      %dma_wait3A_253 = tpu.memref_slice %arg5[%add3A_246, %dma_wait3A_252] : memref<80x128xi32, #tpu.memory_space<vmem>> -> memref<1x128xi32, #tpu.memory_space<vmem>>
      %dma_wait3A_254 = tpu.memref_squeeze %dma_wait3A_253 : memref<1x128xi32, #tpu.memory_space<vmem>> -> memref<128xi32, #tpu.memory_space<vmem>>
      %dma_wait3A_255 = arith.constant 0 : i32
      %dma_wait3A_256 = arith.constant 0 : i32
      %dma_wait3A_257 = tpu.memref_slice %arg2[%dma_wait3A_255, %dma_wait3A_256] : memref<10000x16xf32, #tpu.memory_space<hbm>> -> memref<10000x16xf32, #tpu.memory_space<hbm>>
      tpu.wait_indirect_dma semaphore(%arg16 : memref<!tpu.dma_semaphore, #tpu.memory_space<semaphore_mem>>) src(%dma_wait3A_257 : memref<10000x16xf32, #tpu.memory_space<hbm>>) dst(%dma_wait3A_251 : memref<128x16xf32, #tpu.memory_space<vmem>>)
      %run_scoped3A_258 = arith.constant 6 : i32
      "tpu.region"() ({
        %run_scoped3A_285 = tpu.sem_alloc : memref<!tpu.dma_semaphore, #tpu.memory_space<semaphore_mem>>
        %dma_start3A_286 = arith.constant 0 : i32
        %dma_start3A_287 = arith.constant 0 : i32
        %dma_start3A_288 = tpu.memref_slice %arg7[%run_scoped3A_258, %dma_start3A_286, %dma_start3A_287] : memref<8x128x16xf32, #tpu.memory_space<vmem>> -> memref<1x128x16xf32, #tpu.memory_space<vmem>>
        %dma_start3A_289 = tpu.memref_squeeze %dma_start3A_288 : memref<1x128x16xf32, #tpu.memory_space<vmem>> -> memref<128x16xf32, #tpu.memory_space<vmem>>
        %dma_start3A_290 = arith.constant 0 : i32
        %dma_start3A_291 = tpu.memref_slice %arg6[%add3A_246, %dma_start3A_290] : memref<80x128xi32, #tpu.memory_space<vmem>> -> memref<1x128xi32, #tpu.memory_space<vmem>>
        %dma_start3A_292 = tpu.memref_squeeze %dma_start3A_291 : memref<1x128xi32, #tpu.memory_space<vmem>> -> memref<128xi32, #tpu.memory_space<vmem>>
        %dma_start3A_293 = arith.constant 0 : i32
        %dma_start3A_294 = arith.constant 0 : i32
        %dma_start3A_295 = tpu.memref_slice %arg9[%dma_start3A_293, %dma_start3A_294] : memref<10240x16xf32, #tpu.memory_space<vmem_shared>> -> memref<10240x16xf32, #tpu.memory_space<vmem_shared>>
        tpu.enqueue_indirect_dma source(%dma_start3A_289 : memref<128x16xf32, #tpu.memory_space<vmem>>) target(%dma_start3A_295 : memref<10240x16xf32, #tpu.memory_space<vmem_shared>>) offsets(%dma_start3A_292 : memref<128xi32, #tpu.memory_space<vmem>>) semaphore(%run_scoped3A_285 : memref<!tpu.dma_semaphore, #tpu.memory_space<semaphore_mem>>) {add = true}
        %dma_wait3A_296 = arith.constant 0 : i32
        %dma_wait3A_297 = arith.constant 0 : i32
        %dma_wait3A_298 = tpu.memref_slice %arg7[%run_scoped3A_258, %dma_wait3A_296, %dma_wait3A_297] : memref<8x128x16xf32, #tpu.memory_space<vmem>> -> memref<1x128x16xf32, #tpu.memory_space<vmem>>
        %dma_wait3A_299 = tpu.memref_squeeze %dma_wait3A_298 : memref<1x128x16xf32, #tpu.memory_space<vmem>> -> memref<128x16xf32, #tpu.memory_space<vmem>>
        %dma_wait3A_300 = arith.constant 0 : i32
        %dma_wait3A_301 = tpu.memref_slice %arg6[%add3A_246, %dma_wait3A_300] : memref<80x128xi32, #tpu.memory_space<vmem>> -> memref<1x128xi32, #tpu.memory_space<vmem>>
        %dma_wait3A_302 = tpu.memref_squeeze %dma_wait3A_301 : memref<1x128xi32, #tpu.memory_space<vmem>> -> memref<128xi32, #tpu.memory_space<vmem>>
        %dma_wait3A_303 = arith.constant 0 : i32
        %dma_wait3A_304 = arith.constant 0 : i32
        %dma_wait3A_305 = tpu.memref_slice %arg9[%dma_wait3A_303, %dma_wait3A_304] : memref<10240x16xf32, #tpu.memory_space<vmem_shared>> -> memref<10240x16xf32, #tpu.memory_space<vmem_shared>>
        tpu.wait_indirect_dma semaphore(%run_scoped3A_285 : memref<!tpu.dma_semaphore, #tpu.memory_space<semaphore_mem>>) src(%dma_wait3A_299 : memref<128x16xf32, #tpu.memory_space<vmem>>) dst(%dma_wait3A_305 : memref<10240x16xf32, #tpu.memory_space<vmem_shared>>)
        tpu.yield
      }) : () -> ()
      %lt3A_259 = arith.constant 9 : i32
      %lt3A_260 = arith.cmpi slt, %add3A_120, %lt3A_259 : i32
      %convert_element_type3A_261 = arith.extui %lt3A_260 : i1 to i32
      %cond3A_262 = arith.constant 0 : i32
      %cond3A_263 = arith.cmpi ne, %convert_element_type3A_261, %cond3A_262 : i32
      scf.if %cond3A_263 {
        %add3A_285 = arith.constant 8 : i32
        %add3A_286 = arith.addi %add3A_246, %add3A_285 : i32
        %dma_start3A_287 = arith.constant 6 : i32
        %dma_start3A_288 = arith.constant 0 : i32
        %dma_start3A_289 = arith.constant 0 : i32
        %dma_start3A_290 = tpu.memref_slice %arg7[%dma_start3A_287, %dma_start3A_288, %dma_start3A_289] : memref<8x128x16xf32, #tpu.memory_space<vmem>> -> memref<1x128x16xf32, #tpu.memory_space<vmem>>
        %dma_start3A_291 = tpu.memref_squeeze %dma_start3A_290 : memref<1x128x16xf32, #tpu.memory_space<vmem>> -> memref<128x16xf32, #tpu.memory_space<vmem>>
        %dma_start3A_292 = arith.constant 0 : i32
        %dma_start3A_293 = tpu.memref_slice %arg5[%add3A_286, %dma_start3A_292] : memref<80x128xi32, #tpu.memory_space<vmem>> -> memref<1x128xi32, #tpu.memory_space<vmem>>
        %dma_start3A_294 = tpu.memref_squeeze %dma_start3A_293 : memref<1x128xi32, #tpu.memory_space<vmem>> -> memref<128xi32, #tpu.memory_space<vmem>>
        %dma_start3A_295 = arith.constant 0 : i32
        %dma_start3A_296 = arith.constant 0 : i32
        %dma_start3A_297 = tpu.memref_slice %arg2[%dma_start3A_295, %dma_start3A_296] : memref<10000x16xf32, #tpu.memory_space<hbm>> -> memref<10000x16xf32, #tpu.memory_space<hbm>>
        tpu.enqueue_indirect_dma source(%dma_start3A_297 : memref<10000x16xf32, #tpu.memory_space<hbm>>) target(%dma_start3A_291 : memref<128x16xf32, #tpu.memory_space<vmem>>) offsets(%dma_start3A_294 : memref<128xi32, #tpu.memory_space<vmem>>) semaphore(%arg16 : memref<!tpu.dma_semaphore, #tpu.memory_space<semaphore_mem>>)
      } else {
      }
      %mul3A_264 = arith.constant 8 : i32
      %mul3A_265 = arith.muli %add3A_120, %mul3A_264 : i32
      %add3A_266 = arith.constant 7 : i32
      %add3A_267 = arith.addi %mul3A_265, %add3A_266 : i32
      %dma_wait3A_268 = arith.constant 7 : i32
      %dma_wait3A_269 = arith.constant 0 : i32
      %dma_wait3A_270 = arith.constant 0 : i32
      %dma_wait3A_271 = tpu.memref_slice %arg7[%dma_wait3A_268, %dma_wait3A_269, %dma_wait3A_270] : memref<8x128x16xf32, #tpu.memory_space<vmem>> -> memref<1x128x16xf32, #tpu.memory_space<vmem>>
      %dma_wait3A_272 = tpu.memref_squeeze %dma_wait3A_271 : memref<1x128x16xf32, #tpu.memory_space<vmem>> -> memref<128x16xf32, #tpu.memory_space<vmem>>
      %dma_wait3A_273 = arith.constant 0 : i32
      %dma_wait3A_274 = tpu.memref_slice %arg5[%add3A_267, %dma_wait3A_273] : memref<80x128xi32, #tpu.memory_space<vmem>> -> memref<1x128xi32, #tpu.memory_space<vmem>>
      %dma_wait3A_275 = tpu.memref_squeeze %dma_wait3A_274 : memref<1x128xi32, #tpu.memory_space<vmem>> -> memref<128xi32, #tpu.memory_space<vmem>>
      %dma_wait3A_276 = arith.constant 0 : i32
      %dma_wait3A_277 = arith.constant 0 : i32
      %dma_wait3A_278 = tpu.memref_slice %arg2[%dma_wait3A_276, %dma_wait3A_277] : memref<10000x16xf32, #tpu.memory_space<hbm>> -> memref<10000x16xf32, #tpu.memory_space<hbm>>
      tpu.wait_indirect_dma semaphore(%arg17 : memref<!tpu.dma_semaphore, #tpu.memory_space<semaphore_mem>>) src(%dma_wait3A_278 : memref<10000x16xf32, #tpu.memory_space<hbm>>) dst(%dma_wait3A_272 : memref<128x16xf32, #tpu.memory_space<vmem>>)
      %run_scoped3A_279 = arith.constant 7 : i32
      "tpu.region"() ({
        %run_scoped3A_285 = tpu.sem_alloc : memref<!tpu.dma_semaphore, #tpu.memory_space<semaphore_mem>>
        %dma_start3A_286 = arith.constant 0 : i32
        %dma_start3A_287 = arith.constant 0 : i32
        %dma_start3A_288 = tpu.memref_slice %arg7[%run_scoped3A_279, %dma_start3A_286, %dma_start3A_287] : memref<8x128x16xf32, #tpu.memory_space<vmem>> -> memref<1x128x16xf32, #tpu.memory_space<vmem>>
        %dma_start3A_289 = tpu.memref_squeeze %dma_start3A_288 : memref<1x128x16xf32, #tpu.memory_space<vmem>> -> memref<128x16xf32, #tpu.memory_space<vmem>>
        %dma_start3A_290 = arith.constant 0 : i32
        %dma_start3A_291 = tpu.memref_slice %arg6[%add3A_267, %dma_start3A_290] : memref<80x128xi32, #tpu.memory_space<vmem>> -> memref<1x128xi32, #tpu.memory_space<vmem>>
        %dma_start3A_292 = tpu.memref_squeeze %dma_start3A_291 : memref<1x128xi32, #tpu.memory_space<vmem>> -> memref<128xi32, #tpu.memory_space<vmem>>
        %dma_start3A_293 = arith.constant 0 : i32
        %dma_start3A_294 = arith.constant 0 : i32
        %dma_start3A_295 = tpu.memref_slice %arg9[%dma_start3A_293, %dma_start3A_294] : memref<10240x16xf32, #tpu.memory_space<vmem_shared>> -> memref<10240x16xf32, #tpu.memory_space<vmem_shared>>
        tpu.enqueue_indirect_dma source(%dma_start3A_289 : memref<128x16xf32, #tpu.memory_space<vmem>>) target(%dma_start3A_295 : memref<10240x16xf32, #tpu.memory_space<vmem_shared>>) offsets(%dma_start3A_292 : memref<128xi32, #tpu.memory_space<vmem>>) semaphore(%run_scoped3A_285 : memref<!tpu.dma_semaphore, #tpu.memory_space<semaphore_mem>>) {add = true}
        %dma_wait3A_296 = arith.constant 0 : i32
        %dma_wait3A_297 = arith.constant 0 : i32
        %dma_wait3A_298 = tpu.memref_slice %arg7[%run_scoped3A_279, %dma_wait3A_296, %dma_wait3A_297] : memref<8x128x16xf32, #tpu.memory_space<vmem>> -> memref<1x128x16xf32, #tpu.memory_space<vmem>>
        %dma_wait3A_299 = tpu.memref_squeeze %dma_wait3A_298 : memref<1x128x16xf32, #tpu.memory_space<vmem>> -> memref<128x16xf32, #tpu.memory_space<vmem>>
        %dma_wait3A_300 = arith.constant 0 : i32
        %dma_wait3A_301 = tpu.memref_slice %arg6[%add3A_267, %dma_wait3A_300] : memref<80x128xi32, #tpu.memory_space<vmem>> -> memref<1x128xi32, #tpu.memory_space<vmem>>
        %dma_wait3A_302 = tpu.memref_squeeze %dma_wait3A_301 : memref<1x128xi32, #tpu.memory_space<vmem>> -> memref<128xi32, #tpu.memory_space<vmem>>
        %dma_wait3A_303 = arith.constant 0 : i32
        %dma_wait3A_304 = arith.constant 0 : i32
        %dma_wait3A_305 = tpu.memref_slice %arg9[%dma_wait3A_303, %dma_wait3A_304] : memref<10240x16xf32, #tpu.memory_space<vmem_shared>> -> memref<10240x16xf32, #tpu.memory_space<vmem_shared>>
        tpu.wait_indirect_dma semaphore(%run_scoped3A_285 : memref<!tpu.dma_semaphore, #tpu.memory_space<semaphore_mem>>) src(%dma_wait3A_299 : memref<128x16xf32, #tpu.memory_space<vmem>>) dst(%dma_wait3A_305 : memref<10240x16xf32, #tpu.memory_space<vmem_shared>>)
        tpu.yield
      }) : () -> ()
      %lt3A_280 = arith.constant 9 : i32
      %lt3A_281 = arith.cmpi slt, %add3A_120, %lt3A_280 : i32
      %convert_element_type3A_282 = arith.extui %lt3A_281 : i1 to i32
      %cond3A_283 = arith.constant 0 : i32
      %cond3A_284 = arith.cmpi ne, %convert_element_type3A_282, %cond3A_283 : i32
      scf.if %cond3A_284 {
        %add3A_285 = arith.constant 8 : i32
        %add3A_286 = arith.addi %add3A_267, %add3A_285 : i32
        %dma_start3A_287 = arith.constant 7 : i32
        %dma_start3A_288 = arith.constant 0 : i32
        %dma_start3A_289 = arith.constant 0 : i32
        %dma_start3A_290 = tpu.memref_slice %arg7[%dma_start3A_287, %dma_start3A_288, %dma_start3A_289] : memref<8x128x16xf32, #tpu.memory_space<vmem>> -> memref<1x128x16xf32, #tpu.memory_space<vmem>>
        %dma_start3A_291 = tpu.memref_squeeze %dma_start3A_290 : memref<1x128x16xf32, #tpu.memory_space<vmem>> -> memref<128x16xf32, #tpu.memory_space<vmem>>
        %dma_start3A_292 = arith.constant 0 : i32
        %dma_start3A_293 = tpu.memref_slice %arg5[%add3A_286, %dma_start3A_292] : memref<80x128xi32, #tpu.memory_space<vmem>> -> memref<1x128xi32, #tpu.memory_space<vmem>>
        %dma_start3A_294 = tpu.memref_squeeze %dma_start3A_293 : memref<1x128xi32, #tpu.memory_space<vmem>> -> memref<128xi32, #tpu.memory_space<vmem>>
        %dma_start3A_295 = arith.constant 0 : i32
        %dma_start3A_296 = arith.constant 0 : i32
        %dma_start3A_297 = tpu.memref_slice %arg2[%dma_start3A_295, %dma_start3A_296] : memref<10000x16xf32, #tpu.memory_space<hbm>> -> memref<10000x16xf32, #tpu.memory_space<hbm>>
        tpu.enqueue_indirect_dma source(%dma_start3A_297 : memref<10000x16xf32, #tpu.memory_space<hbm>>) target(%dma_start3A_291 : memref<128x16xf32, #tpu.memory_space<vmem>>) offsets(%dma_start3A_294 : memref<128xi32, #tpu.memory_space<vmem>>) semaphore(%arg17 : memref<!tpu.dma_semaphore, #tpu.memory_space<semaphore_mem>>)
      } else {
      }
    }
    %scan3A_110 = arith.constant 10 : i32
    %barrier3A_111 = arith.constant 0 : index
    tpu.barrier barrier_id(%barrier3A_111)
    %mul3A_112 = arith.constant 640 : i32
    %mul3A_113 = arith.muli %arg1, %mul3A_112 : i32
    %mul3A_114 = arith.constant 640 : i32
    %mul3A_115 = arith.muli %arg1, %mul3A_114 : i32
    "tpu.region"() ({
      %run_scoped3A_116 = tpu.sem_alloc : memref<!tpu.dma_semaphore, #tpu.memory_space<semaphore_mem>>
      %dma_start3A_117 = arith.constant 0 : i32
      %dma_start3A_118 = tpu.memref_slice %arg4[%arg0, %mul3A_115, %dma_start3A_117] : memref<2x10240x128xf32, #tpu.memory_space<hbm>> -> memref<1x640x16xf32, #tpu.memory_space<hbm>>
      %dma_start3A_119 = tpu.memref_squeeze %dma_start3A_118 : memref<1x640x16xf32, #tpu.memory_space<hbm>> -> memref<640x16xf32, #tpu.memory_space<hbm>>
      %dma_start3A_120 = arith.constant 0 : i32
      %dma_start3A_121 = tpu.memref_slice %arg9[%mul3A_113, %dma_start3A_120] : memref<10240x16xf32, #tpu.memory_space<vmem_shared>> -> memref<640x16xf32, #tpu.memory_space<vmem_shared>>
      tpu.enqueue_dma source(%dma_start3A_121 : memref<640x16xf32, #tpu.memory_space<vmem_shared>>) target(%dma_start3A_119 : memref<640x16xf32, #tpu.memory_space<hbm>>) target_semaphore(%run_scoped3A_116 : memref<!tpu.dma_semaphore, #tpu.memory_space<semaphore_mem>>)
      %dma_wait3A = arith.constant 0 : i32
      %dma_wait3A_122 = tpu.memref_slice %arg4[%arg0, %mul3A_115, %dma_wait3A] : memref<2x10240x128xf32, #tpu.memory_space<hbm>> -> memref<1x640x16xf32, #tpu.memory_space<hbm>>
      %dma_wait3A_123 = tpu.memref_squeeze %dma_wait3A_122 : memref<1x640x16xf32, #tpu.memory_space<hbm>> -> memref<640x16xf32, #tpu.memory_space<hbm>>
      %dma_wait3A_124 = arith.constant 0 : i32
      %dma_wait3A_125 = tpu.memref_slice %arg9[%mul3A_113, %dma_wait3A_124] : memref<10240x16xf32, #tpu.memory_space<vmem_shared>> -> memref<640x16xf32, #tpu.memory_space<vmem_shared>>
      tpu.wait_dma2 semaphore(%run_scoped3A_116 : memref<!tpu.dma_semaphore, #tpu.memory_space<semaphore_mem>>) src(%dma_wait3A_125 : memref<640x16xf32, #tpu.memory_space<vmem_shared>>) dst(%dma_wait3A_123 : memref<640x16xf32, #tpu.memory_space<hbm>>)
      tpu.yield
    }) : () -> ()
    return
  }
}

#map = affine_map<(d0, d1) -> (0, 0)>
#map1 = affine_map<(d0, d1) -> (0, 0, 0, 0)>
#map2 = affine_map<(d0, d1) -> (0, 0, 0)>
module attributes {stable_mosaic.version = 14 : i64} {
  func.func @k(%arg0: i32, %arg1: i32, %arg2: memref<10000x72xf32, #tpu.memory_space<hbm>>, %arg3: memref<2x32x80x128xi32, #tpu.memory_space<hbm>>, %arg4: memref<2x10240x128xf32, #tpu.memory_space<hbm>>, %arg5: memref<80x128xi32, #tpu.memory_space<vmem>>, %arg6: memref<80x128xi32, #tpu.memory_space<vmem>>, %arg7: memref<5x128x72xf32, #tpu.memory_space<vmem>>, %arg8: memref<128x72xf32, #tpu.memory_space<vmem>>, %arg9: memref<10240x72xf32, #tpu.memory_space<vmem_shared>>, %arg10: memref<!tpu.dma_semaphore, #tpu.memory_space<semaphore_mem>>, %arg11: memref<!tpu.dma_semaphore, #tpu.memory_space<semaphore_mem>>, %arg12: memref<!tpu.dma_semaphore, #tpu.memory_space<semaphore_mem>>, %arg13: memref<!tpu.dma_semaphore, #tpu.memory_space<semaphore_mem>>, %arg14: memref<!tpu.dma_semaphore, #tpu.memory_space<semaphore_mem>>) attributes {dimension_semantics = [#tpu.dimension_semantics<core_parallel>, #tpu.dimension_semantics<subcore_parallel>], iteration_bounds = array<i64: 2, 16>, scalar_prefetch = 0 : i64, scratch_operands = 10 : i64, tpu.core_type = #tpu.core_type<sc_vector_subcore>, window_params = [{transform_indices = #map}, {transform_indices = #map1}, {transform_indices = #map2}]} {
    %mul3A = arith.constant 16 : i32
    %mul3A_0 = arith.muli %arg0, %mul3A : i32
    %add3A = arith.addi %mul3A_0, %arg1 : i32
    %run_scoped3A = arith.constant 0 : i32
    "tpu.region"() ({
      %run_scoped3A_80 = tpu.sem_alloc : memref<!tpu.dma_semaphore, #tpu.memory_space<semaphore_mem>>
      %dma_start3A_81 = arith.constant 0 : i32
      %dma_start3A_82 = arith.constant 0 : i32
      %dma_start3A_83 = tpu.memref_slice %arg3[%run_scoped3A, %add3A, %dma_start3A_81, %dma_start3A_82] : memref<2x32x80x128xi32, #tpu.memory_space<hbm>> -> memref<1x1x80x128xi32, #tpu.memory_space<hbm>>
      %dma_start3A_84 = tpu.memref_squeeze %dma_start3A_83 : memref<1x1x80x128xi32, #tpu.memory_space<hbm>> -> memref<80x128xi32, #tpu.memory_space<hbm>>
      %dma_start3A_85 = arith.constant 0 : i32
      %dma_start3A_86 = arith.constant 0 : i32
      %dma_start3A_87 = tpu.memref_slice %arg3[%run_scoped3A, %add3A, %dma_start3A_85, %dma_start3A_86] : memref<2x32x80x128xi32, #tpu.memory_space<hbm>> -> memref<1x1x80x128xi32, #tpu.memory_space<hbm>>
      %dma_start3A_88 = tpu.memref_squeeze %dma_start3A_87 : memref<1x1x80x128xi32, #tpu.memory_space<hbm>> -> memref<80x128xi32, #tpu.memory_space<hbm>>
      tpu.enqueue_dma source(%dma_start3A_88 : memref<80x128xi32, #tpu.memory_space<hbm>>) target(%arg5 : memref<80x128xi32, #tpu.memory_space<vmem>>) target_semaphore(%run_scoped3A_80 : memref<!tpu.dma_semaphore, #tpu.memory_space<semaphore_mem>>)
      %dma_wait3A = arith.constant 0 : i32
      %dma_wait3A_89 = arith.constant 0 : i32
      %dma_wait3A_90 = tpu.memref_slice %arg3[%run_scoped3A, %add3A, %dma_wait3A, %dma_wait3A_89] : memref<2x32x80x128xi32, #tpu.memory_space<hbm>> -> memref<1x1x80x128xi32, #tpu.memory_space<hbm>>
      %dma_wait3A_91 = tpu.memref_squeeze %dma_wait3A_90 : memref<1x1x80x128xi32, #tpu.memory_space<hbm>> -> memref<80x128xi32, #tpu.memory_space<hbm>>
      %dma_wait3A_92 = arith.constant 0 : i32
      %dma_wait3A_93 = arith.constant 0 : i32
      %dma_wait3A_94 = tpu.memref_slice %arg3[%run_scoped3A, %add3A, %dma_wait3A_92, %dma_wait3A_93] : memref<2x32x80x128xi32, #tpu.memory_space<hbm>> -> memref<1x1x80x128xi32, #tpu.memory_space<hbm>>
      %dma_wait3A_95 = tpu.memref_squeeze %dma_wait3A_94 : memref<1x1x80x128xi32, #tpu.memory_space<hbm>> -> memref<80x128xi32, #tpu.memory_space<hbm>>
      tpu.wait_dma2 semaphore(%run_scoped3A_80 : memref<!tpu.dma_semaphore, #tpu.memory_space<semaphore_mem>>) src(%dma_wait3A_95 : memref<80x128xi32, #tpu.memory_space<hbm>>) dst(%arg5 : memref<80x128xi32, #tpu.memory_space<vmem>>)
      tpu.yield
    }) : () -> ()
    %run_scoped3A_1 = arith.constant 1 : i32
    "tpu.region"() ({
      %run_scoped3A_80 = tpu.sem_alloc : memref<!tpu.dma_semaphore, #tpu.memory_space<semaphore_mem>>
      %dma_start3A_81 = arith.constant 0 : i32
      %dma_start3A_82 = arith.constant 0 : i32
      %dma_start3A_83 = tpu.memref_slice %arg3[%run_scoped3A_1, %add3A, %dma_start3A_81, %dma_start3A_82] : memref<2x32x80x128xi32, #tpu.memory_space<hbm>> -> memref<1x1x80x128xi32, #tpu.memory_space<hbm>>
      %dma_start3A_84 = tpu.memref_squeeze %dma_start3A_83 : memref<1x1x80x128xi32, #tpu.memory_space<hbm>> -> memref<80x128xi32, #tpu.memory_space<hbm>>
      %dma_start3A_85 = arith.constant 0 : i32
      %dma_start3A_86 = arith.constant 0 : i32
      %dma_start3A_87 = tpu.memref_slice %arg3[%run_scoped3A_1, %add3A, %dma_start3A_85, %dma_start3A_86] : memref<2x32x80x128xi32, #tpu.memory_space<hbm>> -> memref<1x1x80x128xi32, #tpu.memory_space<hbm>>
      %dma_start3A_88 = tpu.memref_squeeze %dma_start3A_87 : memref<1x1x80x128xi32, #tpu.memory_space<hbm>> -> memref<80x128xi32, #tpu.memory_space<hbm>>
      tpu.enqueue_dma source(%dma_start3A_88 : memref<80x128xi32, #tpu.memory_space<hbm>>) target(%arg6 : memref<80x128xi32, #tpu.memory_space<vmem>>) target_semaphore(%run_scoped3A_80 : memref<!tpu.dma_semaphore, #tpu.memory_space<semaphore_mem>>)
      %dma_wait3A = arith.constant 0 : i32
      %dma_wait3A_89 = arith.constant 0 : i32
      %dma_wait3A_90 = tpu.memref_slice %arg3[%run_scoped3A_1, %add3A, %dma_wait3A, %dma_wait3A_89] : memref<2x32x80x128xi32, #tpu.memory_space<hbm>> -> memref<1x1x80x128xi32, #tpu.memory_space<hbm>>
      %dma_wait3A_91 = tpu.memref_squeeze %dma_wait3A_90 : memref<1x1x80x128xi32, #tpu.memory_space<hbm>> -> memref<80x128xi32, #tpu.memory_space<hbm>>
      %dma_wait3A_92 = arith.constant 0 : i32
      %dma_wait3A_93 = arith.constant 0 : i32
      %dma_wait3A_94 = tpu.memref_slice %arg3[%run_scoped3A_1, %add3A, %dma_wait3A_92, %dma_wait3A_93] : memref<2x32x80x128xi32, #tpu.memory_space<hbm>> -> memref<1x1x80x128xi32, #tpu.memory_space<hbm>>
      %dma_wait3A_95 = tpu.memref_squeeze %dma_wait3A_94 : memref<1x1x80x128xi32, #tpu.memory_space<hbm>> -> memref<80x128xi32, #tpu.memory_space<hbm>>
      tpu.wait_dma2 semaphore(%run_scoped3A_80 : memref<!tpu.dma_semaphore, #tpu.memory_space<semaphore_mem>>) src(%dma_wait3A_95 : memref<80x128xi32, #tpu.memory_space<hbm>>) dst(%arg6 : memref<80x128xi32, #tpu.memory_space<vmem>>)
      tpu.yield
    }) : () -> ()
    %scan3A = arith.constant 0 : i32
    %scan3A_2 = arith.constant 128 : i32
    %scan3A_3 = arith.addi %scan3A, %scan3A_2 : i32
    %scan3A_4 = arith.constant 1 : i32
    scf.for %scan3A_80 = %scan3A to %scan3A_3 step %scan3A_4  : i32 {
      %mul3A_81 = arith.constant 1 : i32
      %mul3A_82 = arith.muli %scan3A_80, %mul3A_81 : i32
      %add3A_83 = arith.constant 0 : i32
      %add3A_84 = arith.addi %add3A_83, %mul3A_82 : i32
      %broadcast_in_dim3A = arith.constant 0.000000e+00 : f32
      %broadcast_in_dim3A_85 = vector.broadcast %broadcast_in_dim3A : f32 to vector<16xf32>
      %swap3A = arith.index_cast %add3A_84 : i32 to index
      %swap3A_86 = arith.constant 0 : index
      %swap3A_87 = tpu.vector_load %arg8[%swap3A, %swap3A_86] {strides = array<i32>} : memref<128x72xf32, #tpu.memory_space<vmem>>, vector<1x16xf32>,
      %swap3A_88 = vector.shape_cast %swap3A_87 : vector<1x16xf32> to vector<16xf32>
      %swap3A_89 = vector.shape_cast %broadcast_in_dim3A_85 : vector<16xf32> to vector<1x16xf32>
      tpu.vector_store %arg8[%swap3A, %swap3A_86], %swap3A_89 {strides = array<i32>} : memref<128x72xf32, #tpu.memory_space<vmem>>, vector<1x16xf32>,
      %broadcast_in_dim3A_90 = arith.constant 0.000000e+00 : f32
      %broadcast_in_dim3A_91 = vector.broadcast %broadcast_in_dim3A_90 : f32 to vector<16xf32>
      %swap3A_92 = arith.index_cast %add3A_84 : i32 to index
      %swap3A_93 = arith.constant 16 : index
      %swap3A_94 = tpu.vector_load %arg8[%swap3A_92, %swap3A_93] {strides = array<i32>} : memref<128x72xf32, #tpu.memory_space<vmem>>, vector<1x16xf32>,
      %swap3A_95 = vector.shape_cast %swap3A_94 : vector<1x16xf32> to vector<16xf32>
      %swap3A_96 = vector.shape_cast %broadcast_in_dim3A_91 : vector<16xf32> to vector<1x16xf32>
      tpu.vector_store %arg8[%swap3A_92, %swap3A_93], %swap3A_96 {strides = array<i32>} : memref<128x72xf32, #tpu.memory_space<vmem>>, vector<1x16xf32>,
      %broadcast_in_dim3A_97 = arith.constant 0.000000e+00 : f32
      %broadcast_in_dim3A_98 = vector.broadcast %broadcast_in_dim3A_97 : f32 to vector<16xf32>
      %swap3A_99 = arith.index_cast %add3A_84 : i32 to index
      %swap3A_100 = arith.constant 32 : index
      %swap3A_101 = tpu.vector_load %arg8[%swap3A_99, %swap3A_100] {strides = array<i32>} : memref<128x72xf32, #tpu.memory_space<vmem>>, vector<1x16xf32>,
      %swap3A_102 = vector.shape_cast %swap3A_101 : vector<1x16xf32> to vector<16xf32>
      %swap3A_103 = vector.shape_cast %broadcast_in_dim3A_98 : vector<16xf32> to vector<1x16xf32>
      tpu.vector_store %arg8[%swap3A_99, %swap3A_100], %swap3A_103 {strides = array<i32>} : memref<128x72xf32, #tpu.memory_space<vmem>>, vector<1x16xf32>,
      %broadcast_in_dim3A_104 = arith.constant 0.000000e+00 : f32
      %broadcast_in_dim3A_105 = vector.broadcast %broadcast_in_dim3A_104 : f32 to vector<16xf32>
      %swap3A_106 = arith.index_cast %add3A_84 : i32 to index
      %swap3A_107 = arith.constant 48 : index
      %swap3A_108 = tpu.vector_load %arg8[%swap3A_106, %swap3A_107] {strides = array<i32>} : memref<128x72xf32, #tpu.memory_space<vmem>>, vector<1x16xf32>,
      %swap3A_109 = vector.shape_cast %swap3A_108 : vector<1x16xf32> to vector<16xf32>
      %swap3A_110 = vector.shape_cast %broadcast_in_dim3A_105 : vector<16xf32> to vector<1x16xf32>
      tpu.vector_store %arg8[%swap3A_106, %swap3A_107], %swap3A_110 {strides = array<i32>} : memref<128x72xf32, #tpu.memory_space<vmem>>, vector<1x16xf32>,
      %broadcast_in_dim3A_111 = arith.constant 0.000000e+00 : f32
      %broadcast_in_dim3A_112 = vector.broadcast %broadcast_in_dim3A_111 : f32 to vector<16xf32>
      %swap3A_113 = arith.index_cast %add3A_84 : i32 to index
      %swap3A_114 = arith.constant 56 : index
      %swap3A_115 = tpu.vector_load %arg8[%swap3A_113, %swap3A_114] {strides = array<i32>} : memref<128x72xf32, #tpu.memory_space<vmem>>, vector<1x16xf32>,
      %swap3A_116 = vector.shape_cast %swap3A_115 : vector<1x16xf32> to vector<16xf32>
      %swap3A_117 = vector.shape_cast %broadcast_in_dim3A_112 : vector<16xf32> to vector<1x16xf32>
      tpu.vector_store %arg8[%swap3A_113, %swap3A_114], %swap3A_117 {strides = array<i32>} : memref<128x72xf32, #tpu.memory_space<vmem>>, vector<1x16xf32>,
    }
    %scan3A_5 = arith.constant 128 : i32
    %scan3A_6 = arith.constant 0 : i32
    %scan3A_7 = arith.constant 5 : i32
    %scan3A_8 = arith.addi %scan3A_6, %scan3A_7 : i32
    %scan3A_9 = arith.constant 1 : i32
    scf.for %scan3A_80 = %scan3A_6 to %scan3A_8 step %scan3A_9  : i32 {
      %mul3A_81 = arith.constant 1 : i32
      %mul3A_82 = arith.muli %scan3A_80, %mul3A_81 : i32
      %add3A_83 = arith.constant 0 : i32
      %add3A_84 = arith.addi %add3A_83, %mul3A_82 : i32
      %mul3A_85 = arith.constant 640 : i32
      %mul3A_86 = arith.muli %arg1, %mul3A_85 : i32
      %mul3A_87 = arith.constant 128 : i32
      %mul3A_88 = arith.muli %add3A_84, %mul3A_87 : i32
      %add3A_89 = arith.addi %mul3A_86, %mul3A_88 : i32
      "tpu.region"() ({
        %run_scoped3A_90 = tpu.sem_alloc : memref<!tpu.dma_semaphore, #tpu.memory_space<semaphore_mem>>
        %dma_start3A_91 = arith.constant 0 : i32
        %dma_start3A_92 = tpu.memref_slice %arg9[%add3A_89, %dma_start3A_91] : memref<10240x72xf32, #tpu.memory_space<vmem_shared>> -> memref<128x72xf32, #tpu.memory_space<vmem_shared>>
        %dma_start3A_93 = arith.constant 0 : i32
        %dma_start3A_94 = tpu.memref_slice %arg9[%add3A_89, %dma_start3A_93] : memref<10240x72xf32, #tpu.memory_space<vmem_shared>> -> memref<128x72xf32, #tpu.memory_space<vmem_shared>>
        tpu.enqueue_dma source(%arg8 : memref<128x72xf32, #tpu.memory_space<vmem>>) target(%dma_start3A_94 : memref<128x72xf32, #tpu.memory_space<vmem_shared>>) target_semaphore(%run_scoped3A_90 : memref<!tpu.dma_semaphore, #tpu.memory_space<semaphore_mem>>)
        %dma_wait3A = arith.constant 0 : i32
        %dma_wait3A_95 = tpu.memref_slice %arg9[%add3A_89, %dma_wait3A] : memref<10240x72xf32, #tpu.memory_space<vmem_shared>> -> memref<128x72xf32, #tpu.memory_space<vmem_shared>>
        %dma_wait3A_96 = arith.constant 0 : i32
        %dma_wait3A_97 = tpu.memref_slice %arg9[%add3A_89, %dma_wait3A_96] : memref<10240x72xf32, #tpu.memory_space<vmem_shared>> -> memref<128x72xf32, #tpu.memory_space<vmem_shared>>
        tpu.wait_dma2 semaphore(%run_scoped3A_90 : memref<!tpu.dma_semaphore, #tpu.memory_space<semaphore_mem>>) src(%arg8 : memref<128x72xf32, #tpu.memory_space<vmem>>) dst(%dma_wait3A_97 : memref<128x72xf32, #tpu.memory_space<vmem_shared>>)
        tpu.yield
      }) : () -> ()
    }
    %scan3A_10 = arith.constant 5 : i32
    %barrier3A = arith.constant 0 : index
    tpu.barrier barrier_id(%barrier3A)
    %dma_start3A = arith.constant 0 : i32
    %dma_start3A_11 = arith.constant 0 : i32
    %dma_start3A_12 = arith.constant 0 : i32
    %dma_start3A_13 = arith.constant 0 : i32
    %dma_start3A_14 = tpu.memref_slice %arg7[%dma_start3A_11, %dma_start3A_12, %dma_start3A_13] : memref<5x128x72xf32, #tpu.memory_space<vmem>> -> memref<1x128x72xf32, #tpu.memory_space<vmem>>
    %dma_start3A_15 = tpu.memref_squeeze %dma_start3A_14 : memref<1x128x72xf32, #tpu.memory_space<vmem>> -> memref<128x72xf32, #tpu.memory_space<vmem>>
    %dma_start3A_16 = arith.constant 0 : i32
    %dma_start3A_17 = tpu.memref_slice %arg5[%dma_start3A, %dma_start3A_16] : memref<80x128xi32, #tpu.memory_space<vmem>> -> memref<1x128xi32, #tpu.memory_space<vmem>>
    %dma_start3A_18 = tpu.memref_squeeze %dma_start3A_17 : memref<1x128xi32, #tpu.memory_space<vmem>> -> memref<128xi32, #tpu.memory_space<vmem>>
    %dma_start3A_19 = arith.constant 0 : i32
    %dma_start3A_20 = arith.constant 0 : i32
    %dma_start3A_21 = tpu.memref_slice %arg2[%dma_start3A_19, %dma_start3A_20] : memref<10000x72xf32, #tpu.memory_space<hbm>> -> memref<10000x72xf32, #tpu.memory_space<hbm>>
    tpu.enqueue_indirect_dma source(%dma_start3A_21 : memref<10000x72xf32, #tpu.memory_space<hbm>>) target(%dma_start3A_15 : memref<128x72xf32, #tpu.memory_space<vmem>>) offsets(%dma_start3A_18 : memref<128xi32, #tpu.memory_space<vmem>>) semaphore(%arg10 : memref<!tpu.dma_semaphore, #tpu.memory_space<semaphore_mem>>)
    %dma_start3A_22 = arith.constant 1 : i32
    %dma_start3A_23 = arith.constant 1 : i32
    %dma_start3A_24 = arith.constant 0 : i32
    %dma_start3A_25 = arith.constant 0 : i32
    %dma_start3A_26 = tpu.memref_slice %arg7[%dma_start3A_23, %dma_start3A_24, %dma_start3A_25] : memref<5x128x72xf32, #tpu.memory_space<vmem>> -> memref<1x128x72xf32, #tpu.memory_space<vmem>>
    %dma_start3A_27 = tpu.memref_squeeze %dma_start3A_26 : memref<1x128x72xf32, #tpu.memory_space<vmem>> -> memref<128x72xf32, #tpu.memory_space<vmem>>
    %dma_start3A_28 = arith.constant 0 : i32
    %dma_start3A_29 = tpu.memref_slice %arg5[%dma_start3A_22, %dma_start3A_28] : memref<80x128xi32, #tpu.memory_space<vmem>> -> memref<1x128xi32, #tpu.memory_space<vmem>>
    %dma_start3A_30 = tpu.memref_squeeze %dma_start3A_29 : memref<1x128xi32, #tpu.memory_space<vmem>> -> memref<128xi32, #tpu.memory_space<vmem>>
    %dma_start3A_31 = arith.constant 0 : i32
    %dma_start3A_32 = arith.constant 0 : i32
    %dma_start3A_33 = tpu.memref_slice %arg2[%dma_start3A_31, %dma_start3A_32] : memref<10000x72xf32, #tpu.memory_space<hbm>> -> memref<10000x72xf32, #tpu.memory_space<hbm>>
    tpu.enqueue_indirect_dma source(%dma_start3A_33 : memref<10000x72xf32, #tpu.memory_space<hbm>>) target(%dma_start3A_27 : memref<128x72xf32, #tpu.memory_space<vmem>>) offsets(%dma_start3A_30 : memref<128xi32, #tpu.memory_space<vmem>>) semaphore(%arg11 : memref<!tpu.dma_semaphore, #tpu.memory_space<semaphore_mem>>)
    %dma_start3A_34 = arith.constant 2 : i32
    %dma_start3A_35 = arith.constant 2 : i32
    %dma_start3A_36 = arith.constant 0 : i32
    %dma_start3A_37 = arith.constant 0 : i32
    %dma_start3A_38 = tpu.memref_slice %arg7[%dma_start3A_35, %dma_start3A_36, %dma_start3A_37] : memref<5x128x72xf32, #tpu.memory_space<vmem>> -> memref<1x128x72xf32, #tpu.memory_space<vmem>>
    %dma_start3A_39 = tpu.memref_squeeze %dma_start3A_38 : memref<1x128x72xf32, #tpu.memory_space<vmem>> -> memref<128x72xf32, #tpu.memory_space<vmem>>
    %dma_start3A_40 = arith.constant 0 : i32
    %dma_start3A_41 = tpu.memref_slice %arg5[%dma_start3A_34, %dma_start3A_40] : memref<80x128xi32, #tpu.memory_space<vmem>> -> memref<1x128xi32, #tpu.memory_space<vmem>>
    %dma_start3A_42 = tpu.memref_squeeze %dma_start3A_41 : memref<1x128xi32, #tpu.memory_space<vmem>> -> memref<128xi32, #tpu.memory_space<vmem>>
    %dma_start3A_43 = arith.constant 0 : i32
    %dma_start3A_44 = arith.constant 0 : i32
    %dma_start3A_45 = tpu.memref_slice %arg2[%dma_start3A_43, %dma_start3A_44] : memref<10000x72xf32, #tpu.memory_space<hbm>> -> memref<10000x72xf32, #tpu.memory_space<hbm>>
    tpu.enqueue_indirect_dma source(%dma_start3A_45 : memref<10000x72xf32, #tpu.memory_space<hbm>>) target(%dma_start3A_39 : memref<128x72xf32, #tpu.memory_space<vmem>>) offsets(%dma_start3A_42 : memref<128xi32, #tpu.memory_space<vmem>>) semaphore(%arg12 : memref<!tpu.dma_semaphore, #tpu.memory_space<semaphore_mem>>)
    %dma_start3A_46 = arith.constant 3 : i32
    %dma_start3A_47 = arith.constant 3 : i32
    %dma_start3A_48 = arith.constant 0 : i32
    %dma_start3A_49 = arith.constant 0 : i32
    %dma_start3A_50 = tpu.memref_slice %arg7[%dma_start3A_47, %dma_start3A_48, %dma_start3A_49] : memref<5x128x72xf32, #tpu.memory_space<vmem>> -> memref<1x128x72xf32, #tpu.memory_space<vmem>>
    %dma_start3A_51 = tpu.memref_squeeze %dma_start3A_50 : memref<1x128x72xf32, #tpu.memory_space<vmem>> -> memref<128x72xf32, #tpu.memory_space<vmem>>
    %dma_start3A_52 = arith.constant 0 : i32
    %dma_start3A_53 = tpu.memref_slice %arg5[%dma_start3A_46, %dma_start3A_52] : memref<80x128xi32, #tpu.memory_space<vmem>> -> memref<1x128xi32, #tpu.memory_space<vmem>>
    %dma_start3A_54 = tpu.memref_squeeze %dma_start3A_53 : memref<1x128xi32, #tpu.memory_space<vmem>> -> memref<128xi32, #tpu.memory_space<vmem>>
    %dma_start3A_55 = arith.constant 0 : i32
    %dma_start3A_56 = arith.constant 0 : i32
    %dma_start3A_57 = tpu.memref_slice %arg2[%dma_start3A_55, %dma_start3A_56] : memref<10000x72xf32, #tpu.memory_space<hbm>> -> memref<10000x72xf32, #tpu.memory_space<hbm>>
    tpu.enqueue_indirect_dma source(%dma_start3A_57 : memref<10000x72xf32, #tpu.memory_space<hbm>>) target(%dma_start3A_51 : memref<128x72xf32, #tpu.memory_space<vmem>>) offsets(%dma_start3A_54 : memref<128xi32, #tpu.memory_space<vmem>>) semaphore(%arg13 : memref<!tpu.dma_semaphore, #tpu.memory_space<semaphore_mem>>)
    %dma_start3A_58 = arith.constant 4 : i32
    %dma_start3A_59 = arith.constant 4 : i32
    %dma_start3A_60 = arith.constant 0 : i32
    %dma_start3A_61 = arith.constant 0 : i32
    %dma_start3A_62 = tpu.memref_slice %arg7[%dma_start3A_59, %dma_start3A_60, %dma_start3A_61] : memref<5x128x72xf32, #tpu.memory_space<vmem>> -> memref<1x128x72xf32, #tpu.memory_space<vmem>>
    %dma_start3A_63 = tpu.memref_squeeze %dma_start3A_62 : memref<1x128x72xf32, #tpu.memory_space<vmem>> -> memref<128x72xf32, #tpu.memory_space<vmem>>
    %dma_start3A_64 = arith.constant 0 : i32
    %dma_start3A_65 = tpu.memref_slice %arg5[%dma_start3A_58, %dma_start3A_64] : memref<80x128xi32, #tpu.memory_space<vmem>> -> memref<1x128xi32, #tpu.memory_space<vmem>>
    %dma_start3A_66 = tpu.memref_squeeze %dma_start3A_65 : memref<1x128xi32, #tpu.memory_space<vmem>> -> memref<128xi32, #tpu.memory_space<vmem>>
    %dma_start3A_67 = arith.constant 0 : i32
    %dma_start3A_68 = arith.constant 0 : i32
    %dma_start3A_69 = tpu.memref_slice %arg2[%dma_start3A_67, %dma_start3A_68] : memref<10000x72xf32, #tpu.memory_space<hbm>> -> memref<10000x72xf32, #tpu.memory_space<hbm>>
    tpu.enqueue_indirect_dma source(%dma_start3A_69 : memref<10000x72xf32, #tpu.memory_space<hbm>>) target(%dma_start3A_63 : memref<128x72xf32, #tpu.memory_space<vmem>>) offsets(%dma_start3A_66 : memref<128xi32, #tpu.memory_space<vmem>>) semaphore(%arg14 : memref<!tpu.dma_semaphore, #tpu.memory_space<semaphore_mem>>)
    %scan3A_70 = arith.constant 0 : i32
    %scan3A_71 = arith.constant 16 : i32
    %scan3A_72 = arith.addi %scan3A_70, %scan3A_71 : i32
    %scan3A_73 = arith.constant 1 : i32
    scf.for %scan3A_80 = %scan3A_70 to %scan3A_72 step %scan3A_73  : i32 {
      %mul3A_81 = arith.constant 1 : i32
      %mul3A_82 = arith.muli %scan3A_80, %mul3A_81 : i32
      %add3A_83 = arith.constant 0 : i32
      %add3A_84 = arith.addi %add3A_83, %mul3A_82 : i32
      %mul3A_85 = arith.constant 5 : i32
      %mul3A_86 = arith.muli %add3A_84, %mul3A_85 : i32
      %add3A_87 = arith.constant 0 : i32
      %add3A_88 = arith.addi %mul3A_86, %add3A_87 : i32
      %dma_wait3A = arith.constant 0 : i32
      %dma_wait3A_89 = arith.constant 0 : i32
      %dma_wait3A_90 = arith.constant 0 : i32
      %dma_wait3A_91 = tpu.memref_slice %arg7[%dma_wait3A, %dma_wait3A_89, %dma_wait3A_90] : memref<5x128x72xf32, #tpu.memory_space<vmem>> -> memref<1x128x72xf32, #tpu.memory_space<vmem>>
      %dma_wait3A_92 = tpu.memref_squeeze %dma_wait3A_91 : memref<1x128x72xf32, #tpu.memory_space<vmem>> -> memref<128x72xf32, #tpu.memory_space<vmem>>
      %dma_wait3A_93 = arith.constant 0 : i32
      %dma_wait3A_94 = tpu.memref_slice %arg5[%add3A_88, %dma_wait3A_93] : memref<80x128xi32, #tpu.memory_space<vmem>> -> memref<1x128xi32, #tpu.memory_space<vmem>>
      %dma_wait3A_95 = tpu.memref_squeeze %dma_wait3A_94 : memref<1x128xi32, #tpu.memory_space<vmem>> -> memref<128xi32, #tpu.memory_space<vmem>>
      %dma_wait3A_96 = arith.constant 0 : i32
      %dma_wait3A_97 = arith.constant 0 : i32
      %dma_wait3A_98 = tpu.memref_slice %arg2[%dma_wait3A_96, %dma_wait3A_97] : memref<10000x72xf32, #tpu.memory_space<hbm>> -> memref<10000x72xf32, #tpu.memory_space<hbm>>
      tpu.wait_indirect_dma semaphore(%arg10 : memref<!tpu.dma_semaphore, #tpu.memory_space<semaphore_mem>>) src(%dma_wait3A_98 : memref<10000x72xf32, #tpu.memory_space<hbm>>) dst(%dma_wait3A_92 : memref<128x72xf32, #tpu.memory_space<vmem>>)
      %run_scoped3A_99 = arith.constant 0 : i32
      "tpu.region"() ({
        %run_scoped3A_186 = tpu.sem_alloc : memref<!tpu.dma_semaphore, #tpu.memory_space<semaphore_mem>>
        %dma_start3A_187 = arith.constant 0 : i32
        %dma_start3A_188 = arith.constant 0 : i32
        %dma_start3A_189 = tpu.memref_slice %arg7[%run_scoped3A_99, %dma_start3A_187, %dma_start3A_188] : memref<5x128x72xf32, #tpu.memory_space<vmem>> -> memref<1x128x72xf32, #tpu.memory_space<vmem>>
        %dma_start3A_190 = tpu.memref_squeeze %dma_start3A_189 : memref<1x128x72xf32, #tpu.memory_space<vmem>> -> memref<128x72xf32, #tpu.memory_space<vmem>>
        %dma_start3A_191 = arith.constant 0 : i32
        %dma_start3A_192 = tpu.memref_slice %arg6[%add3A_88, %dma_start3A_191] : memref<80x128xi32, #tpu.memory_space<vmem>> -> memref<1x128xi32, #tpu.memory_space<vmem>>
        %dma_start3A_193 = tpu.memref_squeeze %dma_start3A_192 : memref<1x128xi32, #tpu.memory_space<vmem>> -> memref<128xi32, #tpu.memory_space<vmem>>
        %dma_start3A_194 = arith.constant 0 : i32
        %dma_start3A_195 = arith.constant 0 : i32
        %dma_start3A_196 = tpu.memref_slice %arg9[%dma_start3A_194, %dma_start3A_195] : memref<10240x72xf32, #tpu.memory_space<vmem_shared>> -> memref<10240x72xf32, #tpu.memory_space<vmem_shared>>
        tpu.enqueue_indirect_dma source(%dma_start3A_190 : memref<128x72xf32, #tpu.memory_space<vmem>>) target(%dma_start3A_196 : memref<10240x72xf32, #tpu.memory_space<vmem_shared>>) offsets(%dma_start3A_193 : memref<128xi32, #tpu.memory_space<vmem>>) semaphore(%run_scoped3A_186 : memref<!tpu.dma_semaphore, #tpu.memory_space<semaphore_mem>>) {add = true}
        %dma_wait3A_197 = arith.constant 0 : i32
        %dma_wait3A_198 = arith.constant 0 : i32
        %dma_wait3A_199 = tpu.memref_slice %arg7[%run_scoped3A_99, %dma_wait3A_197, %dma_wait3A_198] : memref<5x128x72xf32, #tpu.memory_space<vmem>> -> memref<1x128x72xf32, #tpu.memory_space<vmem>>
        %dma_wait3A_200 = tpu.memref_squeeze %dma_wait3A_199 : memref<1x128x72xf32, #tpu.memory_space<vmem>> -> memref<128x72xf32, #tpu.memory_space<vmem>>
        %dma_wait3A_201 = arith.constant 0 : i32
        %dma_wait3A_202 = tpu.memref_slice %arg6[%add3A_88, %dma_wait3A_201] : memref<80x128xi32, #tpu.memory_space<vmem>> -> memref<1x128xi32, #tpu.memory_space<vmem>>
        %dma_wait3A_203 = tpu.memref_squeeze %dma_wait3A_202 : memref<1x128xi32, #tpu.memory_space<vmem>> -> memref<128xi32, #tpu.memory_space<vmem>>
        %dma_wait3A_204 = arith.constant 0 : i32
        %dma_wait3A_205 = arith.constant 0 : i32
        %dma_wait3A_206 = tpu.memref_slice %arg9[%dma_wait3A_204, %dma_wait3A_205] : memref<10240x72xf32, #tpu.memory_space<vmem_shared>> -> memref<10240x72xf32, #tpu.memory_space<vmem_shared>>
        tpu.wait_indirect_dma semaphore(%run_scoped3A_186 : memref<!tpu.dma_semaphore, #tpu.memory_space<semaphore_mem>>) src(%dma_wait3A_200 : memref<128x72xf32, #tpu.memory_space<vmem>>) dst(%dma_wait3A_206 : memref<10240x72xf32, #tpu.memory_space<vmem_shared>>)
        tpu.yield
      }) : () -> ()
      %lt3A = arith.constant 15 : i32
      %lt3A_100 = arith.cmpi slt, %add3A_84, %lt3A : i32
      %convert_element_type3A = arith.extui %lt3A_100 : i1 to i32
      %cond3A = arith.constant 0 : i32
      %cond3A_101 = arith.cmpi ne, %convert_element_type3A, %cond3A : i32
      scf.if %cond3A_101 {
        %add3A_186 = arith.constant 5 : i32
        %add3A_187 = arith.addi %add3A_88, %add3A_186 : i32
        %dma_start3A_188 = arith.constant 0 : i32
        %dma_start3A_189 = arith.constant 0 : i32
        %dma_start3A_190 = arith.constant 0 : i32
        %dma_start3A_191 = tpu.memref_slice %arg7[%dma_start3A_188, %dma_start3A_189, %dma_start3A_190] : memref<5x128x72xf32, #tpu.memory_space<vmem>> -> memref<1x128x72xf32, #tpu.memory_space<vmem>>
        %dma_start3A_192 = tpu.memref_squeeze %dma_start3A_191 : memref<1x128x72xf32, #tpu.memory_space<vmem>> -> memref<128x72xf32, #tpu.memory_space<vmem>>
        %dma_start3A_193 = arith.constant 0 : i32
        %dma_start3A_194 = tpu.memref_slice %arg5[%add3A_187, %dma_start3A_193] : memref<80x128xi32, #tpu.memory_space<vmem>> -> memref<1x128xi32, #tpu.memory_space<vmem>>
        %dma_start3A_195 = tpu.memref_squeeze %dma_start3A_194 : memref<1x128xi32, #tpu.memory_space<vmem>> -> memref<128xi32, #tpu.memory_space<vmem>>
        %dma_start3A_196 = arith.constant 0 : i32
        %dma_start3A_197 = arith.constant 0 : i32
        %dma_start3A_198 = tpu.memref_slice %arg2[%dma_start3A_196, %dma_start3A_197] : memref<10000x72xf32, #tpu.memory_space<hbm>> -> memref<10000x72xf32, #tpu.memory_space<hbm>>
        tpu.enqueue_indirect_dma source(%dma_start3A_198 : memref<10000x72xf32, #tpu.memory_space<hbm>>) target(%dma_start3A_192 : memref<128x72xf32, #tpu.memory_space<vmem>>) offsets(%dma_start3A_195 : memref<128xi32, #tpu.memory_space<vmem>>) semaphore(%arg10 : memref<!tpu.dma_semaphore, #tpu.memory_space<semaphore_mem>>)
      } else {
      }
      %mul3A_102 = arith.constant 5 : i32
      %mul3A_103 = arith.muli %add3A_84, %mul3A_102 : i32
      %add3A_104 = arith.constant 1 : i32
      %add3A_105 = arith.addi %mul3A_103, %add3A_104 : i32
      %dma_wait3A_106 = arith.constant 1 : i32
      %dma_wait3A_107 = arith.constant 0 : i32
      %dma_wait3A_108 = arith.constant 0 : i32
      %dma_wait3A_109 = tpu.memref_slice %arg7[%dma_wait3A_106, %dma_wait3A_107, %dma_wait3A_108] : memref<5x128x72xf32, #tpu.memory_space<vmem>> -> memref<1x128x72xf32, #tpu.memory_space<vmem>>
      %dma_wait3A_110 = tpu.memref_squeeze %dma_wait3A_109 : memref<1x128x72xf32, #tpu.memory_space<vmem>> -> memref<128x72xf32, #tpu.memory_space<vmem>>
      %dma_wait3A_111 = arith.constant 0 : i32
      %dma_wait3A_112 = tpu.memref_slice %arg5[%add3A_105, %dma_wait3A_111] : memref<80x128xi32, #tpu.memory_space<vmem>> -> memref<1x128xi32, #tpu.memory_space<vmem>>
      %dma_wait3A_113 = tpu.memref_squeeze %dma_wait3A_112 : memref<1x128xi32, #tpu.memory_space<vmem>> -> memref<128xi32, #tpu.memory_space<vmem>>
      %dma_wait3A_114 = arith.constant 0 : i32
      %dma_wait3A_115 = arith.constant 0 : i32
      %dma_wait3A_116 = tpu.memref_slice %arg2[%dma_wait3A_114, %dma_wait3A_115] : memref<10000x72xf32, #tpu.memory_space<hbm>> -> memref<10000x72xf32, #tpu.memory_space<hbm>>
      tpu.wait_indirect_dma semaphore(%arg11 : memref<!tpu.dma_semaphore, #tpu.memory_space<semaphore_mem>>) src(%dma_wait3A_116 : memref<10000x72xf32, #tpu.memory_space<hbm>>) dst(%dma_wait3A_110 : memref<128x72xf32, #tpu.memory_space<vmem>>)
      %run_scoped3A_117 = arith.constant 1 : i32
      "tpu.region"() ({
        %run_scoped3A_186 = tpu.sem_alloc : memref<!tpu.dma_semaphore, #tpu.memory_space<semaphore_mem>>
        %dma_start3A_187 = arith.constant 0 : i32
        %dma_start3A_188 = arith.constant 0 : i32
        %dma_start3A_189 = tpu.memref_slice %arg7[%run_scoped3A_117, %dma_start3A_187, %dma_start3A_188] : memref<5x128x72xf32, #tpu.memory_space<vmem>> -> memref<1x128x72xf32, #tpu.memory_space<vmem>>
        %dma_start3A_190 = tpu.memref_squeeze %dma_start3A_189 : memref<1x128x72xf32, #tpu.memory_space<vmem>> -> memref<128x72xf32, #tpu.memory_space<vmem>>
        %dma_start3A_191 = arith.constant 0 : i32
        %dma_start3A_192 = tpu.memref_slice %arg6[%add3A_105, %dma_start3A_191] : memref<80x128xi32, #tpu.memory_space<vmem>> -> memref<1x128xi32, #tpu.memory_space<vmem>>
        %dma_start3A_193 = tpu.memref_squeeze %dma_start3A_192 : memref<1x128xi32, #tpu.memory_space<vmem>> -> memref<128xi32, #tpu.memory_space<vmem>>
        %dma_start3A_194 = arith.constant 0 : i32
        %dma_start3A_195 = arith.constant 0 : i32
        %dma_start3A_196 = tpu.memref_slice %arg9[%dma_start3A_194, %dma_start3A_195] : memref<10240x72xf32, #tpu.memory_space<vmem_shared>> -> memref<10240x72xf32, #tpu.memory_space<vmem_shared>>
        tpu.enqueue_indirect_dma source(%dma_start3A_190 : memref<128x72xf32, #tpu.memory_space<vmem>>) target(%dma_start3A_196 : memref<10240x72xf32, #tpu.memory_space<vmem_shared>>) offsets(%dma_start3A_193 : memref<128xi32, #tpu.memory_space<vmem>>) semaphore(%run_scoped3A_186 : memref<!tpu.dma_semaphore, #tpu.memory_space<semaphore_mem>>) {add = true}
        %dma_wait3A_197 = arith.constant 0 : i32
        %dma_wait3A_198 = arith.constant 0 : i32
        %dma_wait3A_199 = tpu.memref_slice %arg7[%run_scoped3A_117, %dma_wait3A_197, %dma_wait3A_198] : memref<5x128x72xf32, #tpu.memory_space<vmem>> -> memref<1x128x72xf32, #tpu.memory_space<vmem>>
        %dma_wait3A_200 = tpu.memref_squeeze %dma_wait3A_199 : memref<1x128x72xf32, #tpu.memory_space<vmem>> -> memref<128x72xf32, #tpu.memory_space<vmem>>
        %dma_wait3A_201 = arith.constant 0 : i32
        %dma_wait3A_202 = tpu.memref_slice %arg6[%add3A_105, %dma_wait3A_201] : memref<80x128xi32, #tpu.memory_space<vmem>> -> memref<1x128xi32, #tpu.memory_space<vmem>>
        %dma_wait3A_203 = tpu.memref_squeeze %dma_wait3A_202 : memref<1x128xi32, #tpu.memory_space<vmem>> -> memref<128xi32, #tpu.memory_space<vmem>>
        %dma_wait3A_204 = arith.constant 0 : i32
        %dma_wait3A_205 = arith.constant 0 : i32
        %dma_wait3A_206 = tpu.memref_slice %arg9[%dma_wait3A_204, %dma_wait3A_205] : memref<10240x72xf32, #tpu.memory_space<vmem_shared>> -> memref<10240x72xf32, #tpu.memory_space<vmem_shared>>
        tpu.wait_indirect_dma semaphore(%run_scoped3A_186 : memref<!tpu.dma_semaphore, #tpu.memory_space<semaphore_mem>>) src(%dma_wait3A_200 : memref<128x72xf32, #tpu.memory_space<vmem>>) dst(%dma_wait3A_206 : memref<10240x72xf32, #tpu.memory_space<vmem_shared>>)
        tpu.yield
      }) : () -> ()
      %lt3A_118 = arith.constant 15 : i32
      %lt3A_119 = arith.cmpi slt, %add3A_84, %lt3A_118 : i32
      %convert_element_type3A_120 = arith.extui %lt3A_119 : i1 to i32
      %cond3A_121 = arith.constant 0 : i32
      %cond3A_122 = arith.cmpi ne, %convert_element_type3A_120, %cond3A_121 : i32
      scf.if %cond3A_122 {
        %add3A_186 = arith.constant 5 : i32
        %add3A_187 = arith.addi %add3A_105, %add3A_186 : i32
        %dma_start3A_188 = arith.constant 1 : i32
        %dma_start3A_189 = arith.constant 0 : i32
        %dma_start3A_190 = arith.constant 0 : i32
        %dma_start3A_191 = tpu.memref_slice %arg7[%dma_start3A_188, %dma_start3A_189, %dma_start3A_190] : memref<5x128x72xf32, #tpu.memory_space<vmem>> -> memref<1x128x72xf32, #tpu.memory_space<vmem>>
        %dma_start3A_192 = tpu.memref_squeeze %dma_start3A_191 : memref<1x128x72xf32, #tpu.memory_space<vmem>> -> memref<128x72xf32, #tpu.memory_space<vmem>>
        %dma_start3A_193 = arith.constant 0 : i32
        %dma_start3A_194 = tpu.memref_slice %arg5[%add3A_187, %dma_start3A_193] : memref<80x128xi32, #tpu.memory_space<vmem>> -> memref<1x128xi32, #tpu.memory_space<vmem>>
        %dma_start3A_195 = tpu.memref_squeeze %dma_start3A_194 : memref<1x128xi32, #tpu.memory_space<vmem>> -> memref<128xi32, #tpu.memory_space<vmem>>
        %dma_start3A_196 = arith.constant 0 : i32
        %dma_start3A_197 = arith.constant 0 : i32
        %dma_start3A_198 = tpu.memref_slice %arg2[%dma_start3A_196, %dma_start3A_197] : memref<10000x72xf32, #tpu.memory_space<hbm>> -> memref<10000x72xf32, #tpu.memory_space<hbm>>
        tpu.enqueue_indirect_dma source(%dma_start3A_198 : memref<10000x72xf32, #tpu.memory_space<hbm>>) target(%dma_start3A_192 : memref<128x72xf32, #tpu.memory_space<vmem>>) offsets(%dma_start3A_195 : memref<128xi32, #tpu.memory_space<vmem>>) semaphore(%arg11 : memref<!tpu.dma_semaphore, #tpu.memory_space<semaphore_mem>>)
      } else {
      }
      %mul3A_123 = arith.constant 5 : i32
      %mul3A_124 = arith.muli %add3A_84, %mul3A_123 : i32
      %add3A_125 = arith.constant 2 : i32
      %add3A_126 = arith.addi %mul3A_124, %add3A_125 : i32
      %dma_wait3A_127 = arith.constant 2 : i32
      %dma_wait3A_128 = arith.constant 0 : i32
      %dma_wait3A_129 = arith.constant 0 : i32
      %dma_wait3A_130 = tpu.memref_slice %arg7[%dma_wait3A_127, %dma_wait3A_128, %dma_wait3A_129] : memref<5x128x72xf32, #tpu.memory_space<vmem>> -> memref<1x128x72xf32, #tpu.memory_space<vmem>>
      %dma_wait3A_131 = tpu.memref_squeeze %dma_wait3A_130 : memref<1x128x72xf32, #tpu.memory_space<vmem>> -> memref<128x72xf32, #tpu.memory_space<vmem>>
      %dma_wait3A_132 = arith.constant 0 : i32
      %dma_wait3A_133 = tpu.memref_slice %arg5[%add3A_126, %dma_wait3A_132] : memref<80x128xi32, #tpu.memory_space<vmem>> -> memref<1x128xi32, #tpu.memory_space<vmem>>
      %dma_wait3A_134 = tpu.memref_squeeze %dma_wait3A_133 : memref<1x128xi32, #tpu.memory_space<vmem>> -> memref<128xi32, #tpu.memory_space<vmem>>
      %dma_wait3A_135 = arith.constant 0 : i32
      %dma_wait3A_136 = arith.constant 0 : i32
      %dma_wait3A_137 = tpu.memref_slice %arg2[%dma_wait3A_135, %dma_wait3A_136] : memref<10000x72xf32, #tpu.memory_space<hbm>> -> memref<10000x72xf32, #tpu.memory_space<hbm>>
      tpu.wait_indirect_dma semaphore(%arg12 : memref<!tpu.dma_semaphore, #tpu.memory_space<semaphore_mem>>) src(%dma_wait3A_137 : memref<10000x72xf32, #tpu.memory_space<hbm>>) dst(%dma_wait3A_131 : memref<128x72xf32, #tpu.memory_space<vmem>>)
      %run_scoped3A_138 = arith.constant 2 : i32
      "tpu.region"() ({
        %run_scoped3A_186 = tpu.sem_alloc : memref<!tpu.dma_semaphore, #tpu.memory_space<semaphore_mem>>
        %dma_start3A_187 = arith.constant 0 : i32
        %dma_start3A_188 = arith.constant 0 : i32
        %dma_start3A_189 = tpu.memref_slice %arg7[%run_scoped3A_138, %dma_start3A_187, %dma_start3A_188] : memref<5x128x72xf32, #tpu.memory_space<vmem>> -> memref<1x128x72xf32, #tpu.memory_space<vmem>>
        %dma_start3A_190 = tpu.memref_squeeze %dma_start3A_189 : memref<1x128x72xf32, #tpu.memory_space<vmem>> -> memref<128x72xf32, #tpu.memory_space<vmem>>
        %dma_start3A_191 = arith.constant 0 : i32
        %dma_start3A_192 = tpu.memref_slice %arg6[%add3A_126, %dma_start3A_191] : memref<80x128xi32, #tpu.memory_space<vmem>> -> memref<1x128xi32, #tpu.memory_space<vmem>>
        %dma_start3A_193 = tpu.memref_squeeze %dma_start3A_192 : memref<1x128xi32, #tpu.memory_space<vmem>> -> memref<128xi32, #tpu.memory_space<vmem>>
        %dma_start3A_194 = arith.constant 0 : i32
        %dma_start3A_195 = arith.constant 0 : i32
        %dma_start3A_196 = tpu.memref_slice %arg9[%dma_start3A_194, %dma_start3A_195] : memref<10240x72xf32, #tpu.memory_space<vmem_shared>> -> memref<10240x72xf32, #tpu.memory_space<vmem_shared>>
        tpu.enqueue_indirect_dma source(%dma_start3A_190 : memref<128x72xf32, #tpu.memory_space<vmem>>) target(%dma_start3A_196 : memref<10240x72xf32, #tpu.memory_space<vmem_shared>>) offsets(%dma_start3A_193 : memref<128xi32, #tpu.memory_space<vmem>>) semaphore(%run_scoped3A_186 : memref<!tpu.dma_semaphore, #tpu.memory_space<semaphore_mem>>) {add = true}
        %dma_wait3A_197 = arith.constant 0 : i32
        %dma_wait3A_198 = arith.constant 0 : i32
        %dma_wait3A_199 = tpu.memref_slice %arg7[%run_scoped3A_138, %dma_wait3A_197, %dma_wait3A_198] : memref<5x128x72xf32, #tpu.memory_space<vmem>> -> memref<1x128x72xf32, #tpu.memory_space<vmem>>
        %dma_wait3A_200 = tpu.memref_squeeze %dma_wait3A_199 : memref<1x128x72xf32, #tpu.memory_space<vmem>> -> memref<128x72xf32, #tpu.memory_space<vmem>>
        %dma_wait3A_201 = arith.constant 0 : i32
        %dma_wait3A_202 = tpu.memref_slice %arg6[%add3A_126, %dma_wait3A_201] : memref<80x128xi32, #tpu.memory_space<vmem>> -> memref<1x128xi32, #tpu.memory_space<vmem>>
        %dma_wait3A_203 = tpu.memref_squeeze %dma_wait3A_202 : memref<1x128xi32, #tpu.memory_space<vmem>> -> memref<128xi32, #tpu.memory_space<vmem>>
        %dma_wait3A_204 = arith.constant 0 : i32
        %dma_wait3A_205 = arith.constant 0 : i32
        %dma_wait3A_206 = tpu.memref_slice %arg9[%dma_wait3A_204, %dma_wait3A_205] : memref<10240x72xf32, #tpu.memory_space<vmem_shared>> -> memref<10240x72xf32, #tpu.memory_space<vmem_shared>>
        tpu.wait_indirect_dma semaphore(%run_scoped3A_186 : memref<!tpu.dma_semaphore, #tpu.memory_space<semaphore_mem>>) src(%dma_wait3A_200 : memref<128x72xf32, #tpu.memory_space<vmem>>) dst(%dma_wait3A_206 : memref<10240x72xf32, #tpu.memory_space<vmem_shared>>)
        tpu.yield
      }) : () -> ()
      %lt3A_139 = arith.constant 15 : i32
      %lt3A_140 = arith.cmpi slt, %add3A_84, %lt3A_139 : i32
      %convert_element_type3A_141 = arith.extui %lt3A_140 : i1 to i32
      %cond3A_142 = arith.constant 0 : i32
      %cond3A_143 = arith.cmpi ne, %convert_element_type3A_141, %cond3A_142 : i32
      scf.if %cond3A_143 {
        %add3A_186 = arith.constant 5 : i32
        %add3A_187 = arith.addi %add3A_126, %add3A_186 : i32
        %dma_start3A_188 = arith.constant 2 : i32
        %dma_start3A_189 = arith.constant 0 : i32
        %dma_start3A_190 = arith.constant 0 : i32
        %dma_start3A_191 = tpu.memref_slice %arg7[%dma_start3A_188, %dma_start3A_189, %dma_start3A_190] : memref<5x128x72xf32, #tpu.memory_space<vmem>> -> memref<1x128x72xf32, #tpu.memory_space<vmem>>
        %dma_start3A_192 = tpu.memref_squeeze %dma_start3A_191 : memref<1x128x72xf32, #tpu.memory_space<vmem>> -> memref<128x72xf32, #tpu.memory_space<vmem>>
        %dma_start3A_193 = arith.constant 0 : i32
        %dma_start3A_194 = tpu.memref_slice %arg5[%add3A_187, %dma_start3A_193] : memref<80x128xi32, #tpu.memory_space<vmem>> -> memref<1x128xi32, #tpu.memory_space<vmem>>
        %dma_start3A_195 = tpu.memref_squeeze %dma_start3A_194 : memref<1x128xi32, #tpu.memory_space<vmem>> -> memref<128xi32, #tpu.memory_space<vmem>>
        %dma_start3A_196 = arith.constant 0 : i32
        %dma_start3A_197 = arith.constant 0 : i32
        %dma_start3A_198 = tpu.memref_slice %arg2[%dma_start3A_196, %dma_start3A_197] : memref<10000x72xf32, #tpu.memory_space<hbm>> -> memref<10000x72xf32, #tpu.memory_space<hbm>>
        tpu.enqueue_indirect_dma source(%dma_start3A_198 : memref<10000x72xf32, #tpu.memory_space<hbm>>) target(%dma_start3A_192 : memref<128x72xf32, #tpu.memory_space<vmem>>) offsets(%dma_start3A_195 : memref<128xi32, #tpu.memory_space<vmem>>) semaphore(%arg12 : memref<!tpu.dma_semaphore, #tpu.memory_space<semaphore_mem>>)
      } else {
      }
      %mul3A_144 = arith.constant 5 : i32
      %mul3A_145 = arith.muli %add3A_84, %mul3A_144 : i32
      %add3A_146 = arith.constant 3 : i32
      %add3A_147 = arith.addi %mul3A_145, %add3A_146 : i32
      %dma_wait3A_148 = arith.constant 3 : i32
      %dma_wait3A_149 = arith.constant 0 : i32
      %dma_wait3A_150 = arith.constant 0 : i32
      %dma_wait3A_151 = tpu.memref_slice %arg7[%dma_wait3A_148, %dma_wait3A_149, %dma_wait3A_150] : memref<5x128x72xf32, #tpu.memory_space<vmem>> -> memref<1x128x72xf32, #tpu.memory_space<vmem>>
      %dma_wait3A_152 = tpu.memref_squeeze %dma_wait3A_151 : memref<1x128x72xf32, #tpu.memory_space<vmem>> -> memref<128x72xf32, #tpu.memory_space<vmem>>
      %dma_wait3A_153 = arith.constant 0 : i32
      %dma_wait3A_154 = tpu.memref_slice %arg5[%add3A_147, %dma_wait3A_153] : memref<80x128xi32, #tpu.memory_space<vmem>> -> memref<1x128xi32, #tpu.memory_space<vmem>>
      %dma_wait3A_155 = tpu.memref_squeeze %dma_wait3A_154 : memref<1x128xi32, #tpu.memory_space<vmem>> -> memref<128xi32, #tpu.memory_space<vmem>>
      %dma_wait3A_156 = arith.constant 0 : i32
      %dma_wait3A_157 = arith.constant 0 : i32
      %dma_wait3A_158 = tpu.memref_slice %arg2[%dma_wait3A_156, %dma_wait3A_157] : memref<10000x72xf32, #tpu.memory_space<hbm>> -> memref<10000x72xf32, #tpu.memory_space<hbm>>
      tpu.wait_indirect_dma semaphore(%arg13 : memref<!tpu.dma_semaphore, #tpu.memory_space<semaphore_mem>>) src(%dma_wait3A_158 : memref<10000x72xf32, #tpu.memory_space<hbm>>) dst(%dma_wait3A_152 : memref<128x72xf32, #tpu.memory_space<vmem>>)
      %run_scoped3A_159 = arith.constant 3 : i32
      "tpu.region"() ({
        %run_scoped3A_186 = tpu.sem_alloc : memref<!tpu.dma_semaphore, #tpu.memory_space<semaphore_mem>>
        %dma_start3A_187 = arith.constant 0 : i32
        %dma_start3A_188 = arith.constant 0 : i32
        %dma_start3A_189 = tpu.memref_slice %arg7[%run_scoped3A_159, %dma_start3A_187, %dma_start3A_188] : memref<5x128x72xf32, #tpu.memory_space<vmem>> -> memref<1x128x72xf32, #tpu.memory_space<vmem>>
        %dma_start3A_190 = tpu.memref_squeeze %dma_start3A_189 : memref<1x128x72xf32, #tpu.memory_space<vmem>> -> memref<128x72xf32, #tpu.memory_space<vmem>>
        %dma_start3A_191 = arith.constant 0 : i32
        %dma_start3A_192 = tpu.memref_slice %arg6[%add3A_147, %dma_start3A_191] : memref<80x128xi32, #tpu.memory_space<vmem>> -> memref<1x128xi32, #tpu.memory_space<vmem>>
        %dma_start3A_193 = tpu.memref_squeeze %dma_start3A_192 : memref<1x128xi32, #tpu.memory_space<vmem>> -> memref<128xi32, #tpu.memory_space<vmem>>
        %dma_start3A_194 = arith.constant 0 : i32
        %dma_start3A_195 = arith.constant 0 : i32
        %dma_start3A_196 = tpu.memref_slice %arg9[%dma_start3A_194, %dma_start3A_195] : memref<10240x72xf32, #tpu.memory_space<vmem_shared>> -> memref<10240x72xf32, #tpu.memory_space<vmem_shared>>
        tpu.enqueue_indirect_dma source(%dma_start3A_190 : memref<128x72xf32, #tpu.memory_space<vmem>>) target(%dma_start3A_196 : memref<10240x72xf32, #tpu.memory_space<vmem_shared>>) offsets(%dma_start3A_193 : memref<128xi32, #tpu.memory_space<vmem>>) semaphore(%run_scoped3A_186 : memref<!tpu.dma_semaphore, #tpu.memory_space<semaphore_mem>>) {add = true}
        %dma_wait3A_197 = arith.constant 0 : i32
        %dma_wait3A_198 = arith.constant 0 : i32
        %dma_wait3A_199 = tpu.memref_slice %arg7[%run_scoped3A_159, %dma_wait3A_197, %dma_wait3A_198] : memref<5x128x72xf32, #tpu.memory_space<vmem>> -> memref<1x128x72xf32, #tpu.memory_space<vmem>>
        %dma_wait3A_200 = tpu.memref_squeeze %dma_wait3A_199 : memref<1x128x72xf32, #tpu.memory_space<vmem>> -> memref<128x72xf32, #tpu.memory_space<vmem>>
        %dma_wait3A_201 = arith.constant 0 : i32
        %dma_wait3A_202 = tpu.memref_slice %arg6[%add3A_147, %dma_wait3A_201] : memref<80x128xi32, #tpu.memory_space<vmem>> -> memref<1x128xi32, #tpu.memory_space<vmem>>
        %dma_wait3A_203 = tpu.memref_squeeze %dma_wait3A_202 : memref<1x128xi32, #tpu.memory_space<vmem>> -> memref<128xi32, #tpu.memory_space<vmem>>
        %dma_wait3A_204 = arith.constant 0 : i32
        %dma_wait3A_205 = arith.constant 0 : i32
        %dma_wait3A_206 = tpu.memref_slice %arg9[%dma_wait3A_204, %dma_wait3A_205] : memref<10240x72xf32, #tpu.memory_space<vmem_shared>> -> memref<10240x72xf32, #tpu.memory_space<vmem_shared>>
        tpu.wait_indirect_dma semaphore(%run_scoped3A_186 : memref<!tpu.dma_semaphore, #tpu.memory_space<semaphore_mem>>) src(%dma_wait3A_200 : memref<128x72xf32, #tpu.memory_space<vmem>>) dst(%dma_wait3A_206 : memref<10240x72xf32, #tpu.memory_space<vmem_shared>>)
        tpu.yield
      }) : () -> ()
      %lt3A_160 = arith.constant 15 : i32
      %lt3A_161 = arith.cmpi slt, %add3A_84, %lt3A_160 : i32
      %convert_element_type3A_162 = arith.extui %lt3A_161 : i1 to i32
      %cond3A_163 = arith.constant 0 : i32
      %cond3A_164 = arith.cmpi ne, %convert_element_type3A_162, %cond3A_163 : i32
      scf.if %cond3A_164 {
        %add3A_186 = arith.constant 5 : i32
        %add3A_187 = arith.addi %add3A_147, %add3A_186 : i32
        %dma_start3A_188 = arith.constant 3 : i32
        %dma_start3A_189 = arith.constant 0 : i32
        %dma_start3A_190 = arith.constant 0 : i32
        %dma_start3A_191 = tpu.memref_slice %arg7[%dma_start3A_188, %dma_start3A_189, %dma_start3A_190] : memref<5x128x72xf32, #tpu.memory_space<vmem>> -> memref<1x128x72xf32, #tpu.memory_space<vmem>>
        %dma_start3A_192 = tpu.memref_squeeze %dma_start3A_191 : memref<1x128x72xf32, #tpu.memory_space<vmem>> -> memref<128x72xf32, #tpu.memory_space<vmem>>
        %dma_start3A_193 = arith.constant 0 : i32
        %dma_start3A_194 = tpu.memref_slice %arg5[%add3A_187, %dma_start3A_193] : memref<80x128xi32, #tpu.memory_space<vmem>> -> memref<1x128xi32, #tpu.memory_space<vmem>>
        %dma_start3A_195 = tpu.memref_squeeze %dma_start3A_194 : memref<1x128xi32, #tpu.memory_space<vmem>> -> memref<128xi32, #tpu.memory_space<vmem>>
        %dma_start3A_196 = arith.constant 0 : i32
        %dma_start3A_197 = arith.constant 0 : i32
        %dma_start3A_198 = tpu.memref_slice %arg2[%dma_start3A_196, %dma_start3A_197] : memref<10000x72xf32, #tpu.memory_space<hbm>> -> memref<10000x72xf32, #tpu.memory_space<hbm>>
        tpu.enqueue_indirect_dma source(%dma_start3A_198 : memref<10000x72xf32, #tpu.memory_space<hbm>>) target(%dma_start3A_192 : memref<128x72xf32, #tpu.memory_space<vmem>>) offsets(%dma_start3A_195 : memref<128xi32, #tpu.memory_space<vmem>>) semaphore(%arg13 : memref<!tpu.dma_semaphore, #tpu.memory_space<semaphore_mem>>)
      } else {
      }
      %mul3A_165 = arith.constant 5 : i32
      %mul3A_166 = arith.muli %add3A_84, %mul3A_165 : i32
      %add3A_167 = arith.constant 4 : i32
      %add3A_168 = arith.addi %mul3A_166, %add3A_167 : i32
      %dma_wait3A_169 = arith.constant 4 : i32
      %dma_wait3A_170 = arith.constant 0 : i32
      %dma_wait3A_171 = arith.constant 0 : i32
      %dma_wait3A_172 = tpu.memref_slice %arg7[%dma_wait3A_169, %dma_wait3A_170, %dma_wait3A_171] : memref<5x128x72xf32, #tpu.memory_space<vmem>> -> memref<1x128x72xf32, #tpu.memory_space<vmem>>
      %dma_wait3A_173 = tpu.memref_squeeze %dma_wait3A_172 : memref<1x128x72xf32, #tpu.memory_space<vmem>> -> memref<128x72xf32, #tpu.memory_space<vmem>>
      %dma_wait3A_174 = arith.constant 0 : i32
      %dma_wait3A_175 = tpu.memref_slice %arg5[%add3A_168, %dma_wait3A_174] : memref<80x128xi32, #tpu.memory_space<vmem>> -> memref<1x128xi32, #tpu.memory_space<vmem>>
      %dma_wait3A_176 = tpu.memref_squeeze %dma_wait3A_175 : memref<1x128xi32, #tpu.memory_space<vmem>> -> memref<128xi32, #tpu.memory_space<vmem>>
      %dma_wait3A_177 = arith.constant 0 : i32
      %dma_wait3A_178 = arith.constant 0 : i32
      %dma_wait3A_179 = tpu.memref_slice %arg2[%dma_wait3A_177, %dma_wait3A_178] : memref<10000x72xf32, #tpu.memory_space<hbm>> -> memref<10000x72xf32, #tpu.memory_space<hbm>>
      tpu.wait_indirect_dma semaphore(%arg14 : memref<!tpu.dma_semaphore, #tpu.memory_space<semaphore_mem>>) src(%dma_wait3A_179 : memref<10000x72xf32, #tpu.memory_space<hbm>>) dst(%dma_wait3A_173 : memref<128x72xf32, #tpu.memory_space<vmem>>)
      %run_scoped3A_180 = arith.constant 4 : i32
      "tpu.region"() ({
        %run_scoped3A_186 = tpu.sem_alloc : memref<!tpu.dma_semaphore, #tpu.memory_space<semaphore_mem>>
        %dma_start3A_187 = arith.constant 0 : i32
        %dma_start3A_188 = arith.constant 0 : i32
        %dma_start3A_189 = tpu.memref_slice %arg7[%run_scoped3A_180, %dma_start3A_187, %dma_start3A_188] : memref<5x128x72xf32, #tpu.memory_space<vmem>> -> memref<1x128x72xf32, #tpu.memory_space<vmem>>
        %dma_start3A_190 = tpu.memref_squeeze %dma_start3A_189 : memref<1x128x72xf32, #tpu.memory_space<vmem>> -> memref<128x72xf32, #tpu.memory_space<vmem>>
        %dma_start3A_191 = arith.constant 0 : i32
        %dma_start3A_192 = tpu.memref_slice %arg6[%add3A_168, %dma_start3A_191] : memref<80x128xi32, #tpu.memory_space<vmem>> -> memref<1x128xi32, #tpu.memory_space<vmem>>
        %dma_start3A_193 = tpu.memref_squeeze %dma_start3A_192 : memref<1x128xi32, #tpu.memory_space<vmem>> -> memref<128xi32, #tpu.memory_space<vmem>>
        %dma_start3A_194 = arith.constant 0 : i32
        %dma_start3A_195 = arith.constant 0 : i32
        %dma_start3A_196 = tpu.memref_slice %arg9[%dma_start3A_194, %dma_start3A_195] : memref<10240x72xf32, #tpu.memory_space<vmem_shared>> -> memref<10240x72xf32, #tpu.memory_space<vmem_shared>>
        tpu.enqueue_indirect_dma source(%dma_start3A_190 : memref<128x72xf32, #tpu.memory_space<vmem>>) target(%dma_start3A_196 : memref<10240x72xf32, #tpu.memory_space<vmem_shared>>) offsets(%dma_start3A_193 : memref<128xi32, #tpu.memory_space<vmem>>) semaphore(%run_scoped3A_186 : memref<!tpu.dma_semaphore, #tpu.memory_space<semaphore_mem>>) {add = true}
        %dma_wait3A_197 = arith.constant 0 : i32
        %dma_wait3A_198 = arith.constant 0 : i32
        %dma_wait3A_199 = tpu.memref_slice %arg7[%run_scoped3A_180, %dma_wait3A_197, %dma_wait3A_198] : memref<5x128x72xf32, #tpu.memory_space<vmem>> -> memref<1x128x72xf32, #tpu.memory_space<vmem>>
        %dma_wait3A_200 = tpu.memref_squeeze %dma_wait3A_199 : memref<1x128x72xf32, #tpu.memory_space<vmem>> -> memref<128x72xf32, #tpu.memory_space<vmem>>
        %dma_wait3A_201 = arith.constant 0 : i32
        %dma_wait3A_202 = tpu.memref_slice %arg6[%add3A_168, %dma_wait3A_201] : memref<80x128xi32, #tpu.memory_space<vmem>> -> memref<1x128xi32, #tpu.memory_space<vmem>>
        %dma_wait3A_203 = tpu.memref_squeeze %dma_wait3A_202 : memref<1x128xi32, #tpu.memory_space<vmem>> -> memref<128xi32, #tpu.memory_space<vmem>>
        %dma_wait3A_204 = arith.constant 0 : i32
        %dma_wait3A_205 = arith.constant 0 : i32
        %dma_wait3A_206 = tpu.memref_slice %arg9[%dma_wait3A_204, %dma_wait3A_205] : memref<10240x72xf32, #tpu.memory_space<vmem_shared>> -> memref<10240x72xf32, #tpu.memory_space<vmem_shared>>
        tpu.wait_indirect_dma semaphore(%run_scoped3A_186 : memref<!tpu.dma_semaphore, #tpu.memory_space<semaphore_mem>>) src(%dma_wait3A_200 : memref<128x72xf32, #tpu.memory_space<vmem>>) dst(%dma_wait3A_206 : memref<10240x72xf32, #tpu.memory_space<vmem_shared>>)
        tpu.yield
      }) : () -> ()
      %lt3A_181 = arith.constant 15 : i32
      %lt3A_182 = arith.cmpi slt, %add3A_84, %lt3A_181 : i32
      %convert_element_type3A_183 = arith.extui %lt3A_182 : i1 to i32
      %cond3A_184 = arith.constant 0 : i32
      %cond3A_185 = arith.cmpi ne, %convert_element_type3A_183, %cond3A_184 : i32
      scf.if %cond3A_185 {
        %add3A_186 = arith.constant 5 : i32
        %add3A_187 = arith.addi %add3A_168, %add3A_186 : i32
        %dma_start3A_188 = arith.constant 4 : i32
        %dma_start3A_189 = arith.constant 0 : i32
        %dma_start3A_190 = arith.constant 0 : i32
        %dma_start3A_191 = tpu.memref_slice %arg7[%dma_start3A_188, %dma_start3A_189, %dma_start3A_190] : memref<5x128x72xf32, #tpu.memory_space<vmem>> -> memref<1x128x72xf32, #tpu.memory_space<vmem>>
        %dma_start3A_192 = tpu.memref_squeeze %dma_start3A_191 : memref<1x128x72xf32, #tpu.memory_space<vmem>> -> memref<128x72xf32, #tpu.memory_space<vmem>>
        %dma_start3A_193 = arith.constant 0 : i32
        %dma_start3A_194 = tpu.memref_slice %arg5[%add3A_187, %dma_start3A_193] : memref<80x128xi32, #tpu.memory_space<vmem>> -> memref<1x128xi32, #tpu.memory_space<vmem>>
        %dma_start3A_195 = tpu.memref_squeeze %dma_start3A_194 : memref<1x128xi32, #tpu.memory_space<vmem>> -> memref<128xi32, #tpu.memory_space<vmem>>
        %dma_start3A_196 = arith.constant 0 : i32
        %dma_start3A_197 = arith.constant 0 : i32
        %dma_start3A_198 = tpu.memref_slice %arg2[%dma_start3A_196, %dma_start3A_197] : memref<10000x72xf32, #tpu.memory_space<hbm>> -> memref<10000x72xf32, #tpu.memory_space<hbm>>
        tpu.enqueue_indirect_dma source(%dma_start3A_198 : memref<10000x72xf32, #tpu.memory_space<hbm>>) target(%dma_start3A_192 : memref<128x72xf32, #tpu.memory_space<vmem>>) offsets(%dma_start3A_195 : memref<128xi32, #tpu.memory_space<vmem>>) semaphore(%arg14 : memref<!tpu.dma_semaphore, #tpu.memory_space<semaphore_mem>>)
      } else {
      }
    }
    %scan3A_74 = arith.constant 16 : i32
    %barrier3A_75 = arith.constant 0 : index
    tpu.barrier barrier_id(%barrier3A_75)
    %mul3A_76 = arith.constant 640 : i32
    %mul3A_77 = arith.muli %arg1, %mul3A_76 : i32
    %mul3A_78 = arith.constant 640 : i32
    %mul3A_79 = arith.muli %arg1, %mul3A_78 : i32
    "tpu.region"() ({
      %run_scoped3A_80 = tpu.sem_alloc : memref<!tpu.dma_semaphore, #tpu.memory_space<semaphore_mem>>
      %dma_start3A_81 = arith.constant 0 : i32
      %dma_start3A_82 = tpu.memref_slice %arg4[%arg0, %mul3A_79, %dma_start3A_81] : memref<2x10240x128xf32, #tpu.memory_space<hbm>> -> memref<1x640x72xf32, #tpu.memory_space<hbm>>
      %dma_start3A_83 = tpu.memref_squeeze %dma_start3A_82 : memref<1x640x72xf32, #tpu.memory_space<hbm>> -> memref<640x72xf32, #tpu.memory_space<hbm>>
      %dma_start3A_84 = arith.constant 0 : i32
      %dma_start3A_85 = tpu.memref_slice %arg9[%mul3A_77, %dma_start3A_84] : memref<10240x72xf32, #tpu.memory_space<vmem_shared>> -> memref<640x72xf32, #tpu.memory_space<vmem_shared>>
      tpu.enqueue_dma source(%dma_start3A_85 : memref<640x72xf32, #tpu.memory_space<vmem_shared>>) target(%dma_start3A_83 : memref<640x72xf32, #tpu.memory_space<hbm>>) target_semaphore(%run_scoped3A_80 : memref<!tpu.dma_semaphore, #tpu.memory_space<semaphore_mem>>)
      %dma_wait3A = arith.constant 0 : i32
      %dma_wait3A_86 = tpu.memref_slice %arg4[%arg0, %mul3A_79, %dma_wait3A] : memref<2x10240x128xf32, #tpu.memory_space<hbm>> -> memref<1x640x72xf32, #tpu.memory_space<hbm>>
      %dma_wait3A_87 = tpu.memref_squeeze %dma_wait3A_86 : memref<1x640x72xf32, #tpu.memory_space<hbm>> -> memref<640x72xf32, #tpu.memory_space<hbm>>
      %dma_wait3A_88 = arith.constant 0 : i32
      %dma_wait3A_89 = tpu.memref_slice %arg9[%mul3A_77, %dma_wait3A_88] : memref<10240x72xf32, #tpu.memory_space<vmem_shared>> -> memref<640x72xf32, #tpu.memory_space<vmem_shared>>
      tpu.wait_dma2 semaphore(%run_scoped3A_80 : memref<!tpu.dma_semaphore, #tpu.memory_space<semaphore_mem>>) src(%dma_wait3A_89 : memref<640x72xf32, #tpu.memory_space<vmem_shared>>) dst(%dma_wait3A_87 : memref<640x72xf32, #tpu.memory_space<hbm>>)
      tpu.yield
    }) : () -> ()
    return
  }
}

module attributes {stable_mosaic.version = 14 : i64} {
  func.func @_tc_a_body(%arg0: memref<10000x128xf32, #tpu.memory_space<vmem>>, %arg1: memref<128x64xf32, #tpu.memory_space<vmem>>, %arg2: memref<128x64xf32, #tpu.memory_space<vmem>>, %arg3: memref<1x64xf32, #tpu.memory_space<vmem>>, %arg4: memref<2x2500x128xi32, #tpu.memory_space<vmem>>, %arg5: memref<10000x72xf32, #tpu.memory_space<vmem>>, %arg6: memref<10000x64xf32, #tpu.memory_space<vmem>>, %arg7: memref<2x32x80x128xi32, #tpu.memory_space<vmem>>) attributes {dimension_semantics = [], scalar_prefetch = 0 : i64, scratch_operands = 0 : i64, tpu.core_type = #tpu.core_type<tc>} {
    %get3A = arith.constant 0 : index
    %get3A_0 = arith.constant 0 : index
    %get3A_1 = vector.load %arg0[%get3A, %get3A_0] : memref<10000x128xf32, #tpu.memory_space<vmem>>, vector<10000x128xf32>
    %get3A_2 = arith.constant 0 : index
    %get3A_3 = arith.constant 0 : index
    %get3A_4 = vector.load %arg1[%get3A_2, %get3A_3] : memref<128x64xf32, #tpu.memory_space<vmem>>, vector<128x64xf32>
    %dot_general3A = arith.constant dense<0.000000e+00> : vector<10000x64xf32>
    %dot_general3A_5 = tpu.matmul %get3A_1, %get3A_4, %dot_general3A {dimension_numbers = #tpu.dot_dimension_numbers<[1], [0], [0], [1], [0, 0, 1, 1], [], []>, transpose_lhs_hint = false} : vector<10000x128xf32>, vector<128x64xf32>, vector<10000x64xf32> -> vector<10000x64xf32>
    %iota3A = tpu.iota {dimensions = array<i32: 1>} : vector<10000x8xi32>
    %eq3A = arith.constant 0 : i32
    %eq3A_6 = vector.broadcast %eq3A : i32 to vector<10000x8xi32>
    %eq3A_7 = arith.cmpi eq, %iota3A, %eq3A_6 : vector<10000x8xi32>
    %jit3A = arith.constant 1.000000e+00 : f32
    %jit3A_8 = arith.constant 0.000000e+00 : f32
    %broadcast_in_dim3A = vector.broadcast %jit3A : f32 to vector<10000x8xf32>
    %broadcast_in_dim3A_9 = vector.broadcast %jit3A_8 : f32 to vector<10000x8xf32>
    %select_n3A = arith.select %eq3A_7, %broadcast_in_dim3A, %broadcast_in_dim3A_9 : vector<10000x8xi1>, vector<10000x8xf32>
    %concatenate3A = tpu.concatenate %dot_general3A_5, %select_n3A in 1 : vector<10000x64xf32>, vector<10000x8xf32> -> vector<10000x72xf32>
    %swap3A = arith.constant 0 : index
    %swap3A_10 = arith.constant 0 : index
    %swap3A_11 = vector.load %arg5[%swap3A, %swap3A_10] : memref<10000x72xf32, #tpu.memory_space<vmem>>, vector<10000x72xf32>
    tpu.vector_store %arg5[%swap3A, %swap3A_10], %concatenate3A {strides = array<i32>} : memref<10000x72xf32, #tpu.memory_space<vmem>>, vector<10000x72xf32>,
    %get3A_12 = arith.constant 0 : index
    %get3A_13 = arith.constant 0 : index
    %get3A_14 = vector.load %arg2[%get3A_12, %get3A_13] : memref<128x64xf32, #tpu.memory_space<vmem>>, vector<128x64xf32>
    %dot_general3A_15 = arith.constant dense<0.000000e+00> : vector<10000x64xf32>
    %dot_general3A_16 = tpu.matmul %get3A_1, %get3A_14, %dot_general3A_15 {dimension_numbers = #tpu.dot_dimension_numbers<[1], [0], [0], [1], [0, 0, 1, 1], [], []>, transpose_lhs_hint = false} : vector<10000x128xf32>, vector<128x64xf32>, vector<10000x64xf32> -> vector<10000x64xf32>
    %get3A_17 = arith.constant 0 : index
    %get3A_18 = arith.constant 0 : index
    %get3A_19 = vector.load %arg3[%get3A_17, %get3A_18] : memref<1x64xf32, #tpu.memory_space<vmem>>, vector<1x64xf32>
    %add3A = vector.broadcast %get3A_19 : vector<1x64xf32> to vector<10000x64xf32>
    %add3A_20 = arith.addf %dot_general3A_16, %add3A : vector<10000x64xf32>
    %swap3A_21 = arith.constant 0 : index
    %swap3A_22 = arith.constant 0 : index
    %swap3A_23 = vector.load %arg6[%swap3A_21, %swap3A_22] : memref<10000x64xf32, #tpu.memory_space<vmem>>, vector<10000x64xf32>
    tpu.vector_store %arg6[%swap3A_21, %swap3A_22], %add3A_20 {strides = array<i32>} : memref<10000x64xf32, #tpu.memory_space<vmem>>, vector<10000x64xf32>,
    %iota3A_24 = tpu.iota {dimensions = array<i32: 0>} : vector<60x128xi32>
    %mul3A = arith.constant 128 : i32
    %mul3A_25 = vector.broadcast %mul3A : i32 to vector<60x128xi32>
    %mul3A_26 = arith.muli %iota3A_24, %mul3A_25 : vector<60x128xi32>
    %iota3A_27 = tpu.iota {dimensions = array<i32: 1>} : vector<60x128xi32>
    %add3A_28 = arith.addi %mul3A_26, %iota3A_27 : vector<60x128xi32>
    %jit3A_29 = arith.constant 10000 : i32
    %eq3A_30 = arith.constant 0 : i32
    %eq3A_31 = arith.cmpi eq, %jit3A_29, %eq3A_30 : i32
    %jit3A_32 = arith.constant 1 : i32
    %select_n3A_33 = arith.select %eq3A_31, %jit3A_32, %jit3A_29 : i32
    %rem3A = vector.broadcast %select_n3A_33 : i32 to vector<60x128xi32>
    %rem3A_34 = arith.remsi %add3A_28, %rem3A : vector<60x128xi32>
    %ne3A = arith.constant 0 : i32
    %ne3A_35 = vector.broadcast %ne3A : i32 to vector<60x128xi32>
    %ne3A_36 = arith.cmpi ne, %rem3A_34, %ne3A_35 : vector<60x128xi32>
    %lt3A = arith.constant 0 : i32
    %lt3A_37 = vector.broadcast %lt3A : i32 to vector<60x128xi32>
    %lt3A_38 = arith.cmpi slt, %rem3A_34, %lt3A_37 : vector<60x128xi32>
    %lt3A_39 = arith.constant 0 : i32
    %lt3A_40 = arith.cmpi slt, %select_n3A_33, %lt3A_39 : i32
    %ne3A_41 = vector.broadcast %lt3A_40 : i1 to vector<60x128xi1>
    %ne3A_42 = vector.broadcast %ne3A_41 : vector<60x128xi1> to vector<60x128xi1>
    %ne3A_43 = arith.xori %lt3A_38, %ne3A_42 : vector<60x128xi1>
    %and3A = arith.andi %ne3A_43, %ne3A_36 : vector<60x128xi1>
    %add3A_44 = vector.broadcast %select_n3A_33 : i32 to vector<60x128xi32>
    %add3A_45 = arith.addi %rem3A_34, %add3A_44 : vector<60x128xi32>
    %select_n3A_46 = arith.select %and3A, %add3A_45, %rem3A_34 : vector<60x128xi1>, vector<60x128xi32>
    %jit3A_47 = arith.constant 240 : i32
    %eq3A_48 = arith.constant 0 : i32
    %eq3A_49 = arith.cmpi eq, %jit3A_47, %eq3A_48 : i32
    %jit3A_50 = arith.constant 1 : i32
    %select_n3A_51 = arith.select %eq3A_49, %jit3A_50, %jit3A_47 : i32
    %rem3A_52 = vector.broadcast %select_n3A_51 : i32 to vector<60x128xi32>
    %rem3A_53 = arith.remsi %add3A_28, %rem3A_52 : vector<60x128xi32>
    %ne3A_54 = arith.constant 0 : i32
    %ne3A_55 = vector.broadcast %ne3A_54 : i32 to vector<60x128xi32>
    %ne3A_56 = arith.cmpi ne, %rem3A_53, %ne3A_55 : vector<60x128xi32>
    %lt3A_57 = arith.constant 0 : i32
    %lt3A_58 = vector.broadcast %lt3A_57 : i32 to vector<60x128xi32>
    %lt3A_59 = arith.cmpi slt, %rem3A_53, %lt3A_58 : vector<60x128xi32>
    %lt3A_60 = arith.constant 0 : i32
    %lt3A_61 = arith.cmpi slt, %select_n3A_51, %lt3A_60 : i32
    %ne3A_62 = vector.broadcast %lt3A_61 : i1 to vector<60x128xi1>
    %ne3A_63 = vector.broadcast %ne3A_62 : vector<60x128xi1> to vector<60x128xi1>
    %ne3A_64 = arith.xori %lt3A_59, %ne3A_63 : vector<60x128xi1>
    %and3A_65 = arith.andi %ne3A_64, %ne3A_56 : vector<60x128xi1>
    %add3A_66 = vector.broadcast %select_n3A_51 : i32 to vector<60x128xi32>
    %add3A_67 = arith.addi %rem3A_53, %add3A_66 : vector<60x128xi32>
    %select_n3A_68 = arith.select %and3A_65, %add3A_67, %rem3A_53 : vector<60x128xi1>, vector<60x128xi32>
    %add3A_69 = arith.constant 10000 : i32
    %add3A_70 = vector.broadcast %add3A_69 : i32 to vector<60x128xi32>
    %add3A_71 = arith.addi %add3A_70, %select_n3A_68 : vector<60x128xi32>
    %stack3A = vector.shape_cast %select_n3A_46 : vector<60x128xi32> to vector<1x60x128xi32>
    %stack3A_72 = vector.shape_cast %add3A_71 : vector<60x128xi32> to vector<1x60x128xi32>
    %stack3A_73 = tpu.concatenate %stack3A, %stack3A_72 in 0 : vector<1x60x128xi32>, vector<1x60x128xi32> -> vector<2x60x128xi32>
    %get3A_74 = arith.constant 0 : index
    %get3A_75 = arith.constant 0 : index
    %get3A_76 = arith.constant 0 : index
    %get3A_77 = vector.load %arg4[%get3A_74, %get3A_75, %get3A_76] : memref<2x2500x128xi32, #tpu.memory_space<vmem>>, vector<2x2500x128xi32>
    %concatenate3A_78 = tpu.concatenate %get3A_77, %stack3A_73 in 1 : vector<2x2500x128xi32>, vector<2x60x128xi32> -> vector<2x2560x128xi32>
    %reshape3A = vector.shape_cast %concatenate3A_78 : vector<2x2560x128xi32> to vector<2x32x80x128xi32>
    %swap3A_79 = arith.constant 0 : index
    %swap3A_80 = arith.constant 0 : index
    %swap3A_81 = arith.constant 0 : index
    %swap3A_82 = arith.constant 0 : index
    %swap3A_83 = vector.load %arg7[%swap3A_79, %swap3A_80, %swap3A_81, %swap3A_82] : memref<2x32x80x128xi32, #tpu.memory_space<vmem>>, vector<2x32x80x128xi32>
    tpu.vector_store %arg7[%swap3A_79, %swap3A_80, %swap3A_81, %swap3A_82], %reshape3A {strides = array<i32>} : memref<2x32x80x128xi32, #tpu.memory_space<vmem>>, vector<2x32x80x128xi32>,
    return
  }
}

module attributes {stable_mosaic.version = 14 : i64} {
  func.func @_tc_b_body(%arg0: memref<2x10240x128xf32, #tpu.memory_space<vmem>>, %arg1: memref<10000x64xf32, #tpu.memory_space<vmem>>, %arg2: memref<64x8xf32, #tpu.memory_space<vmem>>, %arg3: memref<64x8xf32, #tpu.memory_space<vmem>>, %arg4: memref<1x8xf32, #tpu.memory_space<vmem>>, %arg5: memref<10000x16xf32, #tpu.memory_space<vmem>>, %arg6: memref<10000x8xf32, #tpu.memory_space<vmem>>, %arg7: memref<10000x8xf32, #tpu.memory_space<vmem>>) attributes {dimension_semantics = [], scalar_prefetch = 0 : i64, scratch_operands = 0 : i64, tpu.core_type = #tpu.core_type<tc>} {
    %get3A = arith.constant 0 : index
    %get3A_0 = arith.constant 0 : index
    %get3A_1 = arith.constant 0 : index
    %get3A_2 = vector.load %arg0[%get3A, %get3A_0, %get3A_1] : memref<2x10240x128xf32, #tpu.memory_space<vmem>>, vector<1x10000x128xf32>
    %get3A_3 = vector.shape_cast %get3A_2 : vector<1x10000x128xf32> to vector<10000x128xf32>
    %get3A_4 = arith.constant 1 : index
    %get3A_5 = arith.constant 0 : index
    %get3A_6 = arith.constant 0 : index
    %get3A_7 = vector.load %arg0[%get3A_4, %get3A_5, %get3A_6] : memref<2x10240x128xf32, #tpu.memory_space<vmem>>, vector<1x10000x128xf32>
    %get3A_8 = vector.shape_cast %get3A_7 : vector<1x10000x128xf32> to vector<10000x128xf32>
    %add3A = arith.addf %get3A_3, %get3A_8 : vector<10000x128xf32>
    %slice3A = vector.extract_strided_slice %add3A {offsets = [0, 64], sizes = [10000, 1], strides = [1, 1]} : vector<10000x128xf32> to vector<10000x1xf32>
    %max3A = arith.constant 1.000000e+00 : f32
    %max3A_9 = vector.broadcast %max3A : f32 to vector<10000x1xf32>
    %max3A_10 = arith.maximumf %slice3A, %max3A_9 : vector<10000x1xf32>
    %div3A = arith.constant 1.000000e+00 : f32
    %div3A_11 = vector.broadcast %div3A : f32 to vector<10000x1xf32>
    %div3A_12 = arith.divf %div3A_11, %max3A_10 : vector<10000x1xf32>
    %slice3A_13 = vector.extract_strided_slice %add3A {offsets = [0, 0], sizes = [10000, 64], strides = [1, 1]} : vector<10000x128xf32> to vector<10000x64xf32>
    %mul3A = vector.broadcast %div3A_12 : vector<10000x1xf32> to vector<10000x64xf32>
    %mul3A_14 = arith.mulf %slice3A_13, %mul3A : vector<10000x64xf32>
    %get3A_15 = arith.constant 0 : index
    %get3A_16 = arith.constant 0 : index
    %get3A_17 = vector.load %arg1[%get3A_15, %get3A_16] : memref<10000x64xf32, #tpu.memory_space<vmem>>, vector<10000x64xf32>
    %add3A_18 = arith.addf %mul3A_14, %get3A_17 : vector<10000x64xf32>
    %max3A_19 = arith.constant 0.000000e+00 : f32
    %max3A_20 = vector.broadcast %max3A_19 : f32 to vector<10000x64xf32>
    %max3A_21 = arith.maximumf %add3A_18, %max3A_20 : vector<10000x64xf32>
    %get3A_22 = arith.constant 0 : index
    %get3A_23 = arith.constant 0 : index
    %get3A_24 = vector.load %arg2[%get3A_22, %get3A_23] : memref<64x8xf32, #tpu.memory_space<vmem>>, vector<64x8xf32>
    %dot_general3A = arith.constant dense<0.000000e+00> : vector<10000x8xf32>
    %dot_general3A_25 = tpu.matmul %max3A_21, %get3A_24, %dot_general3A {dimension_numbers = #tpu.dot_dimension_numbers<[1], [0], [0], [1], [0, 0, 1, 1], [], []>, transpose_lhs_hint = false} : vector<10000x64xf32>, vector<64x8xf32>, vector<10000x8xf32> -> vector<10000x8xf32>
    %broadcast_in_dim3A = arith.constant 0.000000e+00 : f32
    %broadcast_in_dim3A_26 = vector.broadcast %broadcast_in_dim3A : f32 to vector<10000x8xf32>
    %concatenate3A = tpu.concatenate %dot_general3A_25, %broadcast_in_dim3A_26 in 1 : vector<10000x8xf32>, vector<10000x8xf32> -> vector<10000x16xf32>
    %swap3A = arith.constant 0 : index
    %swap3A_27 = arith.constant 0 : index
    %swap3A_28 = vector.load %arg5[%swap3A, %swap3A_27] : memref<10000x16xf32, #tpu.memory_space<vmem>>, vector<10000x16xf32>
    tpu.vector_store %arg5[%swap3A, %swap3A_27], %concatenate3A {strides = array<i32>} : memref<10000x16xf32, #tpu.memory_space<vmem>>, vector<10000x16xf32>,
    %get3A_29 = arith.constant 0 : index
    %get3A_30 = arith.constant 0 : index
    %get3A_31 = vector.load %arg3[%get3A_29, %get3A_30] : memref<64x8xf32, #tpu.memory_space<vmem>>, vector<64x8xf32>
    %dot_general3A_32 = arith.constant dense<0.000000e+00> : vector<10000x8xf32>
    %dot_general3A_33 = tpu.matmul %max3A_21, %get3A_31, %dot_general3A_32 {dimension_numbers = #tpu.dot_dimension_numbers<[1], [0], [0], [1], [0, 0, 1, 1], [], []>, transpose_lhs_hint = false} : vector<10000x64xf32>, vector<64x8xf32>, vector<10000x8xf32> -> vector<10000x8xf32>
    %get3A_34 = arith.constant 0 : index
    %get3A_35 = arith.constant 0 : index
    %get3A_36 = vector.load %arg4[%get3A_34, %get3A_35] : memref<1x8xf32, #tpu.memory_space<vmem>>, vector<1x8xf32>
    %add3A_37 = vector.broadcast %get3A_36 : vector<1x8xf32> to vector<10000x8xf32>
    %add3A_38 = arith.addf %dot_general3A_33, %add3A_37 : vector<10000x8xf32>
    %swap3A_39 = arith.constant 0 : index
    %swap3A_40 = arith.constant 0 : index
    %swap3A_41 = vector.load %arg6[%swap3A_39, %swap3A_40] : memref<10000x8xf32, #tpu.memory_space<vmem>>, vector<10000x8xf32>
    tpu.vector_store %arg6[%swap3A_39, %swap3A_40], %add3A_38 {strides = array<i32>} : memref<10000x8xf32, #tpu.memory_space<vmem>>, vector<10000x8xf32>,
    %broadcast_in_dim3A_42 = vector.shape_cast %div3A_12 : vector<10000x1xf32> to vector<10000x1xf32>
    %broadcast_in_dim3A_43 = vector.broadcast %broadcast_in_dim3A_42 : vector<10000x1xf32> to vector<10000x8xf32>
    %swap3A_44 = arith.constant 0 : index
    %swap3A_45 = arith.constant 0 : index
    %swap3A_46 = vector.load %arg7[%swap3A_44, %swap3A_45] : memref<10000x8xf32, #tpu.memory_space<vmem>>, vector<10000x8xf32>
    tpu.vector_store %arg7[%swap3A_44, %swap3A_45], %broadcast_in_dim3A_43 {strides = array<i32>} : memref<10000x8xf32, #tpu.memory_space<vmem>>, vector<10000x8xf32>,
    return
  }
}

module attributes {stable_mosaic.version = 14 : i64} {
  func.func @_tc_c_body(%arg0: memref<2x10240x128xf32, #tpu.memory_space<vmem>>, %arg1: memref<10000x8xf32, #tpu.memory_space<vmem>>, %arg2: memref<10000x8xf32, #tpu.memory_space<vmem>>, %arg3: memref<10000x8xf32, #tpu.memory_space<vmem>>) attributes {dimension_semantics = [], scalar_prefetch = 0 : i64, scratch_operands = 0 : i64, tpu.core_type = #tpu.core_type<tc>} {
    %get3A = arith.constant 0 : index
    %get3A_0 = arith.constant 0 : index
    %get3A_1 = arith.constant 0 : index
    %get3A_2 = vector.load %arg0[%get3A, %get3A_0, %get3A_1] : memref<2x10240x128xf32, #tpu.memory_space<vmem>>, vector<1x10000x128xf32>
    %get3A_3 = vector.shape_cast %get3A_2 : vector<1x10000x128xf32> to vector<10000x128xf32>
    %get3A_4 = arith.constant 1 : index
    %get3A_5 = arith.constant 0 : index
    %get3A_6 = arith.constant 0 : index
    %get3A_7 = vector.load %arg0[%get3A_4, %get3A_5, %get3A_6] : memref<2x10240x128xf32, #tpu.memory_space<vmem>>, vector<1x10000x128xf32>
    %get3A_8 = vector.shape_cast %get3A_7 : vector<1x10000x128xf32> to vector<10000x128xf32>
    %add3A = arith.addf %get3A_3, %get3A_8 : vector<10000x128xf32>
    %slice3A = vector.extract_strided_slice %add3A {offsets = [0, 0], sizes = [10000, 8], strides = [1, 1]} : vector<10000x128xf32> to vector<10000x8xf32>
    %get3A_9 = arith.constant 0 : index
    %get3A_10 = arith.constant 0 : index
    %get3A_11 = vector.load %arg1[%get3A_9, %get3A_10] : memref<10000x8xf32, #tpu.memory_space<vmem>>, vector<10000x8xf32>
    %mul3A = arith.mulf %slice3A, %get3A_11 : vector<10000x8xf32>
    %get3A_12 = arith.constant 0 : index
    %get3A_13 = arith.constant 0 : index
    %get3A_14 = vector.load %arg2[%get3A_12, %get3A_13] : memref<10000x8xf32, #tpu.memory_space<vmem>>, vector<10000x8xf32>
    %add3A_15 = arith.addf %mul3A, %get3A_14 : vector<10000x8xf32>
    %swap3A = arith.constant 0 : index
    %swap3A_16 = arith.constant 0 : index
    %swap3A_17 = vector.load %arg3[%swap3A, %swap3A_16] : memref<10000x8xf32, #tpu.memory_space<vmem>>, vector<10000x8xf32>
    tpu.vector_store %arg3[%swap3A, %swap3A_16], %add3A_15 {strides = array<i32>} : memref<10000x8xf32, #tpu.memory_space<vmem>>, vector<10000x8xf32>,
    return
  }
}

</mosaic_0001>

<sc_bundles>
// kernel: kernel.10.cloned.1.call-start
scs
__scs_entry_jumppad:
0x0: {  	(pc) =	sbr.rel $0x88, $3  }
0x1: {  	(tag) =	ssettag $0x0;
	lr =	simm.s32 $0x1  }
0x2: {  	[smem:$0x3F99] =	sst lr;
	_ =	strace $0xD0000000  }
0x3: {  	_ = 	snop  }
0x4: {  	_ = 	snop  }
0x5: {  	_ = 	snop  }
0x6: {  	_ = 	snop  }
0x7: {  	_ = 	snop  }
__scs_overlays_trampoline_lowered:
0x8: {  	[smem:$0x3FA8] =	sst s0  }
0x9: {  	[smem:$0x3FA9] =	sst s1  }
0xa: {  	[smem:$0x3FAA] =	sst s2  }
0xb: {  	[smem:$0x3FAB] =	sst s3  }
0xc: {  	[smem:$0x3FAC] =	sst s4  }
0xd: {  	[smem:$0x3FAD] =	sst s5  }
0xe: {  	[smem:$0x3FAE] =	sst s6  }
0xf: {  	[smem:$0x3FAF] =	sst s7  }
0x10: {  	[smem:$0x3FB0] =	sst s8  }
0x11: {  	[smem:$0x3FB1] =	sst s9;
	s0 =	simm.s32 @!p0 $0x0  }
0x12: {  	s1 =	sld [smem:$0x3F97];
	s0 =	simm.s32 @p0 $0x1  }
0x13: {  	[smem:$0x3FB2] =	sst s0;
	s0 =	simm.s32 @!p1 $0x0  }
0x14: {  	s2 =	sld [smem:$0x3F96];
	s0 =	simm.s32 @p1 $0x1  }
0x15: {  	[smem:$0x3FB3] =	sst s0;
	s0 =	simm.s32 @!p2 $0x0  }
0x16: {  	s3 =	sld [smem:$0x3FDB];
	s0 =	simm.s32 @p2 $0x1  }
0x17: {  	s4 =	simm.s32 $0x1BF5;
	[smem:$0x3FB5] =	sst s0  }
0x18: {  	s0 =	sld [smem:$0x3F98];
	_ =	swait.ge [sflag:s4], $0x0  }
0x19: {  	s7 =	sld [smem:$0x3F99]  }
0x1a: {  	s8 =	sadd.s32 $0xFFFFE003, lr  }
0x1b: {  	s9 =	sadd.s32 $0xFFFFFEF7, lr;
	s5 =	simm.s32 $0xFFFFFFFF;
	p2 =	slt.u32 s8, $0xFFFFF086  }
0x1c: {  	p1 =	slt.u32 s9, $0xF7A;
	s5 =	simm.s32 @!p2 $0x0  }
0x1d: {  	s5 =	simm.s32 @p1 $0x1;
	p0 =	seq.s32 s7, s2  }
0x1e: {  	s7 =	smul.u32 @!p0 $0xF7A, s2;
	p2 =	seq.s32 @!p0 s5, $0x0  }
0x1f: {  	s9 =	smul.u32 $0xF7A, s1;
	s8 =	simm.s32 @!p0 $0x1BF5;
	p2 =	por !p2, p0  }
0x20: {  	[sflag:s8] =	ssyncset.s32 @!p0 $0xFFFFF086;
	s6 =	sadd.s32 @!p0 s3, s7;
	s7 =	simm.s32 @!p0 $0x108  }
0x21: {  	s3 =	sadd.s32 s3, s9;
	s6 =	sadd.s32 @!p0 $0x88, s6;
	s7 =	simm.s32 @p2 $0x1082  }
0x22: {  	[simem:s7], [sflag:s8] =	dma.local @!p0 [hbm:s6], $0xF7A  }
0x23: {  	s9 =	sor.u32 $0xD0000000, s2;
	s6 =	simm.s32 $0x108;
	_ =	swait.ge @!p0 [sflag:s8], $0x0  }
0x24: {  	s3 =	sadd.s32 $0x88, s3;
	s6 =	simm.s32 @!p1 $0x1082;
	[sflag:s4] =	ssyncset.s32 $0xFFFFF086  }
0x25: {  	[simem:s6], [sflag:s4] =	dma.local [hbm:s3], $0xF7A  }
0x26: {  	[smem:$0x3F99] =	sst s1;
	(tag) =	ssettag s2;
	_ =	strace s9  }
0x27: {  	s1 =	sld [smem:$0x3FA9]  }
0x28: {  	s2 =	sld [smem:$0x3FAA]  }
0x29: {  	s4 =	sld [smem:$0x3FAC]  }
0x2a: {  	p0 =	seq.s32 s5, $0x0;
	s5 =	sld [smem:$0x3FAD]  }
0x2b: {  	s6 =	sld [smem:$0x3FAE]  }
0x2c: {  	s7 =	sld [smem:$0x3FAF]  }
0x2d: {  	s3 =	simm.s32 $0x108;
	s8 =	sld [smem:$0x3FB0]  }
0x2e: {  	s3 =	simm.s32 @!p0 $0x1082;
	s9 =	sld [smem:$0x3FB1]  }
0x2f: {  	lr =	sadd.s32 s0, s3;
	s0 =	sld [smem:$0x3FA8]  }
0x30: {  	s3 =	sld [smem:$0x3FAB]  }
0x31: {  	[smem:$0x3FB4] =	sst s10  }
0x32: {  	s10 =	sld [smem:$0x3FB2];
	_ =	sdelay $0x3  }
0x33: {  	p0 =	seq.s32 s10, $0x1;
	s10 =	sld [smem:$0x3FB4];
	_ =	sdelay $0x3  }
0x34: {  	[smem:$0x3FB4] =	sst s10  }
0x35: {  	s10 =	sld [smem:$0x3FB3];
	_ =	sdelay $0x3  }
0x36: {  	p1 =	seq.s32 s10, $0x1;
	s10 =	sld [smem:$0x3FB4];
	_ =	sdelay $0x3  }
0x37: {  	[smem:$0x3FB4] =	sst s10  }
0x38: {  	s10 =	sld [smem:$0x3FB5]  }
0x39: {  	_ = 	snop;
	(pc) =	sbr.ind lr, $3  }
0x3a: {  	_ = 	snop  }
0x3b: {  	_ = 	snop  }
0x3c: {  	p2 =	seq.s32 s10, $0x1;
	s10 =	sld [smem:$0x3FB4]  }
0x3d: {  	_ =	shalt  }
0x3e: {  	_ =	shalt  }
0x3f: {  	_ =	shalt  }
0x40: {  	_ =	shalt  }
0x41: {  	_ =	shalt  }
0x42: {  	_ =	shalt  }
0x43: {  	_ =	shalt  }
0x44: {  	_ =	shalt  }
0x45: {  	_ =	shalt  }
0x46: {  	_ =	shalt  }
0x47: {  	_ =	shalt  }
0x48: {  	_ =	shalt  }
0x49: {  	_ =	shalt  }
0x4a: {  	_ =	shalt  }
0x4b: {  	_ =	shalt  }
0x4c: {  	_ =	shalt  }
0x4d: {  	_ =	shalt  }
0x4e: {  	_ =	shalt  }
0x4f: {  	_ =	shalt  }
0x50: {  	_ =	shalt  }
0x51: {  	_ =	shalt  }
0x52: {  	_ =	shalt  }
0x53: {  	_ =	shalt  }
0x54: {  	_ =	shalt  }
0x55: {  	_ =	shalt  }
0x56: {  	_ =	shalt  }
0x57: {  	_ =	shalt  }
0x58: {  	_ =	shalt  }
0x59: {  	_ =	shalt  }
0x5a: {  	_ =	shalt  }
0x5b: {  	_ =	shalt  }
0x5c: {  	_ =	shalt  }
0x5d: {  	_ =	shalt  }
0x5e: {  	_ =	shalt  }
0x5f: {  	_ =	shalt  }
0x60: {  	_ =	shalt  }
0x61: {  	_ =	shalt  }
0x62: {  	_ =	shalt  }
0x63: {  	_ =	shalt  }
0x64: {  	_ =	shalt  }
0x65: {  	_ =	shalt  }
0x66: {  	_ =	shalt  }
0x67: {  	_ =	shalt  }
0x68: {  	_ =	shalt  }
0x69: {  	_ =	shalt  }
0x6a: {  	_ =	shalt  }
0x6b: {  	_ =	shalt  }
0x6c: {  	_ =	shalt  }
0x6d: {  	_ =	shalt  }
0x6e: {  	_ =	shalt  }
0x6f: {  	_ =	shalt  }
0x70: {  	_ =	shalt  }
0x71: {  	_ =	shalt  }
0x72: {  	_ =	shalt  }
0x73: {  	_ =	shalt  }
0x74: {  	_ =	shalt  }
0x75: {  	_ =	shalt  }
0x76: {  	_ =	shalt  }
0x77: {  	_ =	shalt  }
0x78: {  	_ =	shalt  }
0x79: {  	_ =	shalt  }
0x7a: {  	_ =	shalt  }
0x7b: {  	_ =	shalt  }
0x7c: {  	_ =	shalt  }
0x7d: {  	_ =	shalt  }
0x7e: {  	_ =	shalt  }
0x7f: {  	_ =	shalt  }
0x80: {  	_ =	shalt  }
0x81: {  	_ =	shalt  }
0x82: {  	_ =	shalt  }
0x83: {  	_ =	shalt  }
0x84: {  	_ =	shalt  }
0x85: {  	_ =	shalt  }
0x86: {  	_ =	shalt  }
0x87: {  	_ =	shalt  }
.Lfunc_end0:
.L_simem_size_0:
called_computation.1_lowered:
.L_overlay_start_0:
0x88: {  	s2 =	sld [smem:$0x3FD9]  }
0x89: {  	s3 =	sld [smem:$0x3FFE];
	_ =	sdelay $0x1  }
0x8a: {  	s1 =	srdreg.scid  }
0x8b: {  	s0 =	sand.u32 $0x1, s1  }
0x8c: {  	s16 =	sshll.u32 s0, $0xA;
	s2 =	sadd.s32 s3, s2  }
0x8d: {  	s2 =	sadd.s32 s2, s16  }
0x8e: {  	[smem:$0x3FC0] =	sst s2  }
0x8f: {  	_ = 	snop  }
0x90: {  	(tm) =	ssettm $0x1  }
0x91: {  	s17 =	sld [smem:$0x3FFB];
	_ =	sdelay $0x3  }
0x92: {  	_ =	strace s17  }
0x93: {  	s2 =	sld [smem:$0x3FFC];
	_ =	sdelay $0x3  }
0x94: {  	_ =	strace s2  }
0x95: {  	s2 =	sld [smem:$0x3FFD];
	_ =	sdelay $0x3  }
0x96: {  	_ =	strace s2  }
0x97: {  	_ =	strace $0x8FFFFFFF  }
0x98: {  	s18 =	sld [smem:$0x3FDB];
	_ =	sdelay $0x1  }
0x99: {  	s19 =	simm.s32 $_scs_section_size  }
0x9a: {  	s4 =	simm.s32 $_size__tile_overlayer_lowered;
	s5 =	simm.s32 $_tile_overlayer_lowered  }
0x9b: {  	s22 =	simm.s32 $0x1BFF;
	s21 =	sshll.u32 s5, $0x1;
	s2 =	sadd.s32 s19, s18  }
0x9c: {  	s6 =	simm.s32 $0x0;
	s20 =	sshll.u32 s4, $0x1;
	s4 =	sadd.s32 s21, s2  }
0x9d: {  	[timem:s6], [sflag:s22] =	dma.local [hbm:s4], s20  }
0x9e: {  	_ =	swait.ge [sflag:s22], s20  }
0x9f: {  	s3 =	ssub.s32 $0x0, s20;
	[sflag:s22] =	ssyncset.done $0x0  }
0xa0: {  	[sflag:s22] =	ssyncadd.s32 s3;
	_ =	sdelay $0x1  }
0xa1: {  	s23 =	simm.s32 $0x1B8B  }
0xa2: {  	_ =	swait.ge [sflag:s23], $0x1  }
0xa3: {  	[sflag:s23] =	ssyncset.done $0x0  }
0xa4: {  	s25 =	simm.s32 $0x1B8E;
	s24 =	sld [smem:$0x3FFE];
	[sflag:s23] =	ssyncadd.s32 $0xFFFFFFFF  }
0xa5: {  	s26 =	simm.s32 $execute0_lowered;
	[smem:$0x3FD2] =	sst s25  }
0xa6: {  	s4 =	sshll.u32 s26, $0x1;
	_ =	strace $0x80000049;
	[dreg:$0x1] =	wrdreg $0xFFFFFFFF  }
0xa7: {  	s28 =	simm.s32 $_size_execute0_lowered;
	s2 =	sadd.s32 s2, s4;
	[dreg:$0x0] =	wrdreg $0x0  }
0xa8: {  	s4 =	sshll.u32 s28, $0x1;
	[dreg:$0x2] =	wrdreg s2  }
0xa9: {  	[dreg:$0x3] =	wrdreg s4  }
0xaa: {  	[dreg:$0x4] =	wrdreg $0xC0  }
0xab: {  	_ =	task [dreg:s6], $0x5FFFF  }
0xac: {  	[dreg:$0x1] =	wrdreg $0xFFFFFFFF  }
0xad: {  	[dreg:$0x0] =	wrdreg $0x60  }
0xae: {  	[dreg:$0x2] =	wrdreg s24  }
0xaf: {  	[dreg:$0x3] =	wrdreg $0x98000  }
0xb0: {  	[dreg:$0x4] =	wrdreg $0x9  }
0xb1: {  	_ =	task.clear_ibuf [dreg:s6], $0x5FFFF;
	_ =	strace $0x90000049  }
0xb2: {  	s29 =	simm.s32 $0x9;
	_ =	strace $0x8000004B  }
0xb3: {  	_ =	swait.ge [sflag:s29], $0x1  }
0xb4: {  	[sflag:s29] =	ssyncadd.s32 $0xFFFFFFFF  }
0xb5: {  	_ =	strace $0x9000004B  }
0xb6: {  	_ =	sfence  }
0xb7: {  	s30 =	sld [smem:$0x0];
	_ =	sdelay $0x2  }
0xb8: {  	s31 =	sshll.u32 s1, $0xD;
	s1 =	sshrl.u32 s1, $0x2  }
0xb9: {  	s3 =	sand.u32 $0x4000, s31;
	s1 =	sadd.s32 s1, s30  }
0xba: {  	s0 =	sor.u32 s3, s0;
	s1 =	sshll.u32 s1, $0x11  }
0xbb: {  	s0 =	sor.u32 s1, s0  }
0xbc: {  	s0 =	sadd.s32 $0x8F2B, s0  }
0xbd: {  	[sflag:s0] =	ssyncadd.remote.s32 $0x1  }
0xbe: {  	_ =	sfence.sel $0xFFFF  }
0xbf: {  	[dreg:$0x0] =	wrdreg $0xFFFFFFFF;
	(pc) =	sbr.abs _section_cstart, $3  }
0xc0: {  	[dreg:$0x1] =	wrdreg $0xFFFFFFFF  }
0xc1: {  	_ =	task.clear_ibuf [dreg:s6], $0x2FFFF;
	_ =	strace $0x9FFFFFFF  }
0xc2: {  	(tm) =	ssettm $0x7FFFFFFF  }
0xc3: {  	_ =	shalt  }
tec
execute0_lowered:
.L_overlay_start_1:
0x0: {  	(tag) =	ssettag $0x1  }
0x1: {  	s0 =	srdreg.scid;
	s3 =	rddreg [dreg:$0x0]  }
0x2: {  	s7 =	stileid.u32;
	s2 =	rddreg [dreg:$0x1]  }
0x3: {  	s4 =	simm.s32 $0x0;
	s14 =	simm.s32 $0x9;
	s16 =	simm.s32 $0x9000  }
0x4: {  	s17 =	simm.s32 $0x80;
	s18 =	simm.s32 $0x5000;
	s21 =	simm.s32 $0x6000  }
0x5: {  	s25 =	simm.s32 $0x7000;
	s30 =	simm.s32 $0x8000;
	s15 =	simm.s32 $0x3  }
0x6: {  	s19 =	simm.s32 $0x5;
	s20 =	simm.s32 $0x7;
	s22 =	simm.s32 $0x8  }
0x7: {  	s0 =	sand.u32 $0x1, s0;
	[smem:$0x7FF] =	sst s4;
	s6 =	smul.u32 $0x14000, s7  }
0x8: {  	s4 =	sadd.s32 $0x15800, s3;
	s1 =	sshll.u32 s0, $0x4;
	s5 =	smul.u32 $0x140000, s0  }
0x9: {  	s0 =	ssub.s32 $0x2, s0;
	s1 =	sor.u32 s7, s1;
	s7 =	smul.u32 $0xA000, s7  }
0xa: {  	_ =	strace $0x8000004A;
	s26 =	sshrl.u32 s0, $0x1;
	s1 =	smul.u32 $0x2800, s1  }
0xb: {  	s5 =	sadd.s32 s6, s5;
	s0 =	ssub.s32 s0, s26;
	s26 =	simm.s32 $0x0  }
0xc: {  	s5 =	sshrl.u32 s5, $0x3;
	s29 =	sshrl.u32 s7, $0x2;
	s0 =	smax.u32 s0, $0x1  }
0xd: {  	s1 =	sshrl.u32 s1, $0x3;
	s7 =	sadd.s32 s29, s2;
	[dreg:$0x6] =	wrdreg s0  }
.Ltmp0:
0xe: {  	s0 =	simm.s32 $0x1;
	s1 =	sadd.s32 s1, s3;
	(pc) =	sbr.rel .LBB2_1-.Ltmp0, $4  }
0xf: {  	s3 =	sadd.s32 s5, s3;
	s10 =	sadd.s32 $0x800, s7;
	s28 =	sadd.s32 $0x1800, s1  }
0x10: {  	s11 =	sadd.s32 $0x1000, s7;
	s1 =	sadd.s32 $0xB800, s1;
	[dreg:$0x3] =	wrdreg s28  }
0x11: {  	s12 =	sadd.s32 $0x1800, s7;
	s31 =	sadd.s32 $0x1A800, s3;
	[dreg:$0x4] =	wrdreg s1  }
0x12: {  	v0 =	vimm.f32 $0.0e+00;
	s13 =	sadd.s32 $0x2000, s7;
	[dreg:$0x5] =	wrdreg s31;
	s1 =	simm.s32 $0x8800  }
.LBB2_6:
0x13: {  	_ =	swait.ge [sflag:s22], $0x800  }
0x14: {  	[sflag:s22] =	ssyncset.done $0x0  }
0x15: {  	[sflag:s22] =	ssyncadd.s32 $0xFFFFF800  }
0x16: {  	[spmem:s2] =	stream.indirect.scatter.add.f32 [tilespmem:s1], [sflag:$0x9], $0x10, s3, s17, $0xb8;
	[tilespmem:$0xC000] =	vst v63  }
0x17: {  	_ =	swait.ge [sflag:s14], $0x800  }
0x18: {  	[sflag:s14] =	ssyncset.done $0x0  }
0x19: {  	s29 =	stileid.u32;
	s5 =	sshrl.u32 s7, $0x3;
	[sflag:s14] =	ssyncadd.s32 $0xFFFFF800  }
0x1a: {  	s8 =	simm.s32 $0x10;
	s3 =	sshll.u32 s29, $0x6;
	[bflag:$0x0] =	sbarrier.arrive $0xFFFF  }
0x1b: {  	s9 =	simm.s32 $0x2;
	s3 =	sor.u32 $0x1C09, s3;
	s6 =	rddreg [dreg:$0x5]  }
0x1c: {  	[hbm:s6@s8], [sflag:s3] =	dma.strided [spmem:s5@s9], $0x500, s0, $0x2   }
0x1d: {  	_ =	swait.ge [sflag:s14], $0x500  }
0x1e: {  	s26 =	sadd.s32 $0x1, s26;
	s31 =	rddreg [dreg:$0x6]  }
0x1f: {  	p0 =	sne.s32 s26, s31  }
.Ltmp1:
0x20: {  	_ = 	snop;
	(pc) =	sbr.rel @!p0 .LBB2_7-.Ltmp1, $3  }
0x21: {  	_ =	sdelay $0x1  }
0x22: {  	[sflag:s14] =	ssyncset.done $0x0  }
0x23: {  	[sflag:s14] =	ssyncadd.s32 $0xFFFFFB00  }
.LBB2_1:
0x24: {  	s3 =	simm.s32 $0x0;
	s5 =	rddreg [dreg:$0x3]  }
0x25: {  	[tilespmem:s3], [sflag:$0x9] =	stream.linear.gather [hbm4b:s5+s3], $0x2800, $0x38;
	[tilespmem:$0xC000] =	vst v63  }
0x26: {  	_ =	swait.ge [sflag:s14], $0x2800  }
0x27: {  	[sflag:s14] =	ssyncset.done $0x0  }
0x28: {  	s6 =	simm.s32 $0x2800;
	s31 =	rddreg [dreg:$0x4];
	[sflag:s14] =	ssyncadd.s32 $0xFFFFD800  }
0x29: {  	[tilespmem:s6], [sflag:$0x9] =	stream.linear.gather [hbm4b:s31+s3], $0x2800, $0x38;
	[tilespmem:$0xC000] =	vst v63  }
0x2a: {  	_ =	swait.ge [sflag:s14], $0x2800  }
0x2b: {  	[sflag:s14] =	ssyncset.done $0x0  }
0x2c: {  	s5 =	simm.s32 $0x0;
	s3 =	simm.s32 $0x40;
	[sflag:s14] =	ssyncadd.s32 $0xFFFFD800  }
.LBB2_2:
0x2d: {  	p0 =	sne.s32 s3, $0x1FC0;
	[tilespmem:s5+$0x9000] =	vst v0;
	s5 =	smov.u32 s3;
	s3 =	sadd.s32 $0x40, s3  }
.Ltmp2:
0x2e: {  	(pc) =	sbr.rel @p0 .LBB2_2-.Ltmp2, $2  }
0x2f: {  	_ =	sdelay $0x2  }
0x30: {  	s5 =	sshra.s32 s5, $0x2  }
0x31: {  	[tilespmem:s5+$0x9000] =	vst v0  }
0x32: {  	[spmem:s7] =	stream.linear.scatter [tilespmem:s16], [sflag:$0x9], $0x800, $0x38;
	[tilespmem:$0xC000] =	vst v63  }
0x33: {  	_ =	swait.ge [sflag:s14], $0x800  }
0x34: {  	[sflag:s14] =	ssyncset.done $0x0  }
0x35: {  	[sflag:s14] =	ssyncadd.s32 $0xFFFFF800  }
0x36: {  	[spmem:s10] =	stream.linear.scatter [tilespmem:s16], [sflag:$0x9], $0x800, $0x38;
	[tilespmem:$0xC000] =	vst v63  }
0x37: {  	_ =	swait.ge [sflag:s14], $0x800  }
0x38: {  	[sflag:s14] =	ssyncset.done $0x0  }
0x39: {  	[sflag:s14] =	ssyncadd.s32 $0xFFFFF800  }
0x3a: {  	[spmem:s11] =	stream.linear.scatter [tilespmem:s16], [sflag:$0x9], $0x800, $0x38;
	[tilespmem:$0xC000] =	vst v63  }
0x3b: {  	_ =	swait.ge [sflag:s14], $0x800  }
0x3c: {  	[sflag:s14] =	ssyncset.done $0x0  }
0x3d: {  	[sflag:s14] =	ssyncadd.s32 $0xFFFFF800  }
0x3e: {  	[spmem:s12] =	stream.linear.scatter [tilespmem:s16], [sflag:$0x9], $0x800, $0x38;
	[tilespmem:$0xC000] =	vst v63  }
0x3f: {  	_ =	swait.ge [sflag:s14], $0x800  }
0x40: {  	[sflag:s14] =	ssyncset.done $0x0  }
0x41: {  	[sflag:s14] =	ssyncadd.s32 $0xFFFFF800  }
0x42: {  	[spmem:s13] =	stream.linear.scatter [tilespmem:s16], [sflag:$0x9], $0x800, $0x38;
	[tilespmem:$0xC000] =	vst v63  }
0x43: {  	_ =	swait.ge [sflag:s14], $0x800  }
0x44: {  	[sflag:s14] =	ssyncset.done $0x0  }
0x45: {  	[sflag:s14] =	ssyncadd.s32 $0xFFFFF800  }
0x46: {  	s28 =	simm.s32 $0x0;
	[bflag:$0x0] =	sbarrier.arrive $0xFFFF  }
0x47: {  	[tilespmem:s18], [sflag:$0x1] =	stream.indirect.gather [hbm4b:s4+s17], $0x10, s28, s17, $0xb8;
	[tilespmem:$0xC000] =	vst v63  }
0x48: {  	s3 =	simm.s32 $0x5800  }
0x49: {  	[tilespmem:s3], [sflag:$0x2] =	stream.indirect.gather [hbm4b:s4+s17], $0x10, s17, s17, $0xb8;
	[tilespmem:$0xC000] =	vst v63  }
0x4a: {  	s5 =	simm.s32 $0x100  }
0x4b: {  	[tilespmem:s21], [sflag:$0x3] =	stream.indirect.gather [hbm4b:s4+s17], $0x10, s5, s17, $0xb8;
	[tilespmem:$0xC000] =	vst v63  }
0x4c: {  	s6 =	simm.s32 $0x180;
	s8 =	simm.s32 $0x6800  }
0x4d: {  	[tilespmem:s8], [sflag:$0x4] =	stream.indirect.gather [hbm4b:s4+s17], $0x10, s6, s17, $0xb8;
	[tilespmem:$0xC000] =	vst v63  }
0x4e: {  	s9 =	simm.s32 $0x200  }
0x4f: {  	[tilespmem:s25], [sflag:$0x5] =	stream.indirect.gather [hbm4b:s4+s17], $0x10, s9, s17, $0xb8;
	[tilespmem:$0xC000] =	vst v63  }
0x50: {  	s23 =	simm.s32 $0x280;
	s24 =	simm.s32 $0x7800  }
0x51: {  	[tilespmem:s24], [sflag:$0x6] =	stream.indirect.gather [hbm4b:s4+s17], $0x10, s23, s17, $0xb8;
	[tilespmem:$0xC000] =	vst v63  }
0x52: {  	s29 =	simm.s32 $0x300  }
0x53: {  	[tilespmem:s30], [sflag:$0x7] =	stream.indirect.gather [hbm4b:s4+s17], $0x10, s29, s17, $0xb8;
	[tilespmem:$0xC000] =	vst v63  }
0x54: {  	s31 =	simm.s32 $0x380  }
0x55: {  	[tilespmem:s1], [sflag:$0x8] =	stream.indirect.gather [hbm4b:s4+s17], $0x10, s31, s17, $0xb8;
	[tilespmem:$0xC000] =	vst v63  }
.LBB2_4:
0x56: {  	_ =	swait.ge [sflag:s0], $0x800  }
0x57: {  	s29 =	sshra.s32 s28, $0x2;
	[sflag:s0] =	ssyncset.done $0x0  }
0x58: {  	s3 =	sadd.s32 $0x2800, s29;
	[sflag:s0] =	ssyncadd.s32 $0xFFFFF800  }
0x59: {  	[spmem:s2] =	stream.indirect.scatter.add.f32 [tilespmem:s18], [sflag:$0x9], $0x10, s3, s17, $0xb8;
	[tilespmem:$0xC000] =	vst v63  }
0x5a: {  	_ =	swait.ge [sflag:s14], $0x800  }
0x5b: {  	p0 =	seq.s32 s28, $0x9000;
	[sflag:s14] =	ssyncset.done $0x0  }
0x5c: {  	s3 =	simm.s32 @p0 $0x2;
	[sflag:s14] =	ssyncadd.s32 $0xFFFFF800  }
0x5d: {  	_ =	swait.ge @p0 [sflag:s3], $0x800  }
0x5e: {  	s24 =	sshra.s32 @p0 s28, $0x2;
	s6 =	simm.s32 @p0 $0x5800;
	[sflag:s3] =	ssyncset.done @p0 $0x0  }
0x5f: {  	s5 =	sadd.s32 @p0 $0x2880, s24;
	[sflag:s3] =	ssyncadd.s32 @p0 $0xFFFFF800;
	s3 =	simm.s32 @p0 $0x80  }
0x60: {  	[spmem:s2] =	stream.indirect.scatter.add.f32 @p0 [tilespmem:s6], [sflag:$0x9], $0x10, s5, s3, $0xb8;
	[tilespmem:$0xC000] =	vst v63  }
0x61: {  	s5 =	simm.s32 @p0 $0x9  }
0x62: {  	_ =	swait.ge @p0 [sflag:s5], $0x800  }
0x63: {  	s31 =	sshra.s32 @!p0 s28, $0x2;
	s23 =	simm.s32 @!p0 $0x80;
	[sflag:s5] =	ssyncset.done @p0 $0x0  }
0x64: {  	s8 =	simm.s32 @!p0 $0x5000;
	s6 =	sadd.s32 @!p0 $0x400, s31;
	[sflag:s5] =	ssyncadd.s32 @p0 $0xFFFFF800  }
0x65: {  	[tilespmem:s8], [sflag:$0x1] =	stream.indirect.gather @!p0 [hbm4b:s4+s23], $0x10, s6, s23, $0xb8;
	[tilespmem:$0xC000] =	vst v63  }
0x66: {  	s6 =	simm.s32 @!p0 $0x2  }
0x67: {  	_ =	swait.ge @!p0 [sflag:s6], $0x800  }
0x68: {  	[sflag:s6] =	ssyncset.done @!p0 $0x0  }
0x69: {  	s8 =	simm.s32 @!p0 $0x5800;
	[sflag:s6] =	ssyncadd.s32 @!p0 $0xFFFFF800;
	s6 =	sadd.s32 @!p0 $0x2880, s31  }
0x6a: {  	[spmem:s2] =	stream.indirect.scatter.add.f32 @!p0 [tilespmem:s8], [sflag:$0x9], $0x10, s6, s23, $0xb8;
	[tilespmem:$0xC000] =	vst v63  }
0x6b: {  	s6 =	simm.s32 @!p0 $0x9  }
0x6c: {  	_ =	swait.ge @!p0 [sflag:s6], $0x800  }
0x6d: {  	[sflag:s6] =	ssyncset.done @!p0 $0x0  }
0x6e: {  	s9 =	sadd.s32 @!p0 $0x480, s31;
	[sflag:s6] =	ssyncadd.s32 @!p0 $0xFFFFF800  }
0x6f: {  	[tilespmem:s8], [sflag:$0x2] =	stream.indirect.gather @!p0 [hbm4b:s4+s23], $0x10, s9, s23, $0xb8;
	[tilespmem:$0xC000] =	vst v63  }
0x70: {  	_ =	swait.ge [sflag:s15], $0x800  }
0x71: {  	[sflag:s15] =	ssyncset.done $0x0  }
0x72: {  	s9 =	sadd.s32 $0x2900, s29;
	[sflag:s15] =	ssyncadd.s32 $0xFFFFF800  }
0x73: {  	[spmem:s2] =	stream.indirect.scatter.add.f32 [tilespmem:s21], [sflag:$0x9], $0x10, s9, s17, $0xb8;
	[tilespmem:$0xC000] =	vst v63  }
0x74: {  	_ =	swait.ge [sflag:s14], $0x800  }
0x75: {  	[sflag:s14] =	ssyncset.done $0x0  }
0x76: {  	s8 =	simm.s32 @p0 $0x4;
	[sflag:s14] =	ssyncadd.s32 $0xFFFFF800  }
0x77: {  	_ =	swait.ge @p0 [sflag:s8], $0x800  }
0x78: {  	[sflag:s8] =	ssyncset.done @p0 $0x0  }
0x79: {  	s9 =	simm.s32 @p0 $0x6800;
	[sflag:s8] =	ssyncadd.s32 @p0 $0xFFFFF800;
	s8 =	sadd.s32 @p0 $0x2980, s24  }
0x7a: {  	[spmem:s2] =	stream.indirect.scatter.add.f32 @p0 [tilespmem:s9], [sflag:$0x9], $0x10, s8, s3, $0xb8;
	[tilespmem:$0xC000] =	vst v63  }
0x7b: {  	_ =	swait.ge @p0 [sflag:s5], $0x800  }
0x7c: {  	[sflag:s5] =	ssyncset.done @p0 $0x0  }
0x7d: {  	s8 =	sadd.s32 @!p0 $0x500, s31;
	s9 =	simm.s32 @!p0 $0x6000;
	[sflag:s5] =	ssyncadd.s32 @p0 $0xFFFFF800  }
0x7e: {  	[tilespmem:s9], [sflag:$0x3] =	stream.indirect.gather @!p0 [hbm4b:s4+s23], $0x10, s8, s23, $0xb8;
	[tilespmem:$0xC000] =	vst v63  }
0x7f: {  	s8 =	simm.s32 @!p0 $0x4  }
0x80: {  	_ =	swait.ge @!p0 [sflag:s8], $0x800  }
0x81: {  	[sflag:s8] =	ssyncset.done @!p0 $0x0  }
0x82: {  	s9 =	simm.s32 @!p0 $0x6800;
	[sflag:s8] =	ssyncadd.s32 @!p0 $0xFFFFF800;
	s8 =	sadd.s32 @!p0 $0x2980, s31  }
0x83: {  	[spmem:s2] =	stream.indirect.scatter.add.f32 @!p0 [tilespmem:s9], [sflag:$0x9], $0x10, s8, s23, $0xb8;
	[tilespmem:$0xC000] =	vst v63  }
0x84: {  	_ =	swait.ge @!p0 [sflag:s6], $0x800  }
0x85: {  	[sflag:s6] =	ssyncset.done @!p0 $0x0  }
0x86: {  	s8 =	sadd.s32 @!p0 $0x580, s31;
	[sflag:s6] =	ssyncadd.s32 @!p0 $0xFFFFF800  }
0x87: {  	[tilespmem:s9], [sflag:$0x4] =	stream.indirect.gather @!p0 [hbm4b:s4+s23], $0x10, s8, s23, $0xb8;
	[tilespmem:$0xC000] =	vst v63  }
0x88: {  	_ =	swait.ge [sflag:s19], $0x800  }
0x89: {  	[sflag:s19] =	ssyncset.done $0x0  }
0x8a: {  	s9 =	sadd.s32 $0x2A00, s29;
	[sflag:s19] =	ssyncadd.s32 $0xFFFFF800  }
0x8b: {  	[spmem:s2] =	stream.indirect.scatter.add.f32 [tilespmem:s25], [sflag:$0x9], $0x10, s9, s17, $0xb8;
	[tilespmem:$0xC000] =	vst v63  }
0x8c: {  	_ =	swait.ge [sflag:s14], $0x800  }
0x8d: {  	[sflag:s14] =	ssyncset.done $0x0  }
0x8e: {  	s8 =	simm.s32 @p0 $0x6;
	[sflag:s14] =	ssyncadd.s32 $0xFFFFF800  }
0x8f: {  	_ =	swait.ge @p0 [sflag:s8], $0x800  }
0x90: {  	[sflag:s8] =	ssyncset.done @p0 $0x0  }
0x91: {  	s9 =	simm.s32 @p0 $0x7800;
	[sflag:s8] =	ssyncadd.s32 @p0 $0xFFFFF800;
	s8 =	sadd.s32 @p0 $0x2A80, s24  }
0x92: {  	[spmem:s2] =	stream.indirect.scatter.add.f32 @p0 [tilespmem:s9], [sflag:$0x9], $0x10, s8, s3, $0xb8;
	[tilespmem:$0xC000] =	vst v63  }
0x93: {  	_ =	swait.ge @p0 [sflag:s5], $0x800  }
0x94: {  	[sflag:s5] =	ssyncset.done @p0 $0x0  }
0x95: {  	s3 =	sadd.s32 @!p0 $0x600, s31;
	[sflag:s5] =	ssyncadd.s32 @p0 $0xFFFFF800;
	s5 =	simm.s32 @!p0 $0x7000  }
0x96: {  	[tilespmem:s5], [sflag:$0x5] =	stream.indirect.gather @!p0 [hbm4b:s4+s23], $0x10, s3, s23, $0xb8;
	[tilespmem:$0xC000] =	vst v63  }
0x97: {  	s3 =	simm.s32 @!p0 $0x6  }
0x98: {  	_ =	swait.ge @!p0 [sflag:s3], $0x800  }
0x99: {  	[sflag:s3] =	ssyncset.done @!p0 $0x0  }
0x9a: {  	s5 =	simm.s32 @!p0 $0x7800;
	[sflag:s3] =	ssyncadd.s32 @!p0 $0xFFFFF800;
	s3 =	sadd.s32 @!p0 $0x2A80, s31  }
0x9b: {  	[spmem:s2] =	stream.indirect.scatter.add.f32 @!p0 [tilespmem:s5], [sflag:$0x9], $0x10, s3, s23, $0xb8;
	[tilespmem:$0xC000] =	vst v63  }
0x9c: {  	_ =	swait.ge @!p0 [sflag:s6], $0x800  }
0x9d: {  	[sflag:s6] =	ssyncset.done @!p0 $0x0  }
0x9e: {  	s3 =	sadd.s32 @!p0 $0x680, s31;
	[sflag:s6] =	ssyncadd.s32 @!p0 $0xFFFFF800  }
0x9f: {  	[tilespmem:s5], [sflag:$0x6] =	stream.indirect.gather @!p0 [hbm4b:s4+s23], $0x10, s3, s23, $0xb8;
	[tilespmem:$0xC000] =	vst v63  }
0xa0: {  	_ =	swait.ge [sflag:s20], $0x800  }
0xa1: {  	[sflag:s20] =	ssyncset.done $0x0  }
.Ltmp3:
0xa2: {  	s31 =	sadd.s32 $0x2B00, s29;
	[sflag:s20] =	ssyncadd.s32 $0xFFFFF800;
	(pc) =	sbr.rel @p0 .LBB2_6-.Ltmp3, $4  }
0xa3: {  	[spmem:s2] =	stream.indirect.scatter.add.f32 [tilespmem:s30], [sflag:$0x9], $0x10, s31, s17, $0xb8;
	[tilespmem:$0xC000] =	vst v63  }
0xa4: {  	_ =	swait.ge [sflag:s14], $0x800  }
0xa5: {  	[sflag:s14] =	ssyncset.done $0x0  }
0xa6: {  	s3 =	sadd.s32 $0x2B80, s29;
	[sflag:s14] =	ssyncadd.s32 $0xFFFFF800  }
0xa7: {  	s5 =	sadd.s32 $0x700, s29  }
0xa8: {  	[tilespmem:s30], [sflag:$0x7] =	stream.indirect.gather [hbm4b:s4+s17], $0x10, s5, s17, $0xb8;
	[tilespmem:$0xC000] =	vst v63  }
0xa9: {  	_ =	swait.ge [sflag:s22], $0x800  }
0xaa: {  	[sflag:s22] =	ssyncset.done $0x0  }
0xab: {  	[sflag:s22] =	ssyncadd.s32 $0xFFFFF800  }
0xac: {  	[spmem:s2] =	stream.indirect.scatter.add.f32 [tilespmem:s1], [sflag:$0x9], $0x10, s3, s17, $0xb8;
	[tilespmem:$0xC000] =	vst v63  }
.Ltmp4:
0xad: {  	_ = 	snop;
	(pc) =	sbr.rel .LBB2_4-.Ltmp4, $4  }
0xae: {  	_ =	swait.ge [sflag:s14], $0x800  }
0xaf: {  	[sflag:s14] =	ssyncset.done $0x0  }
0xb0: {  	s31 =	sadd.s32 $0x780, s29;
	s28 =	sadd.s32 $0x1000, s28;
	[sflag:s14] =	ssyncadd.s32 $0xFFFFF800  }
0xb1: {  	[tilespmem:s1], [sflag:$0x8] =	stream.indirect.gather [hbm4b:s4+s17], $0x10, s31, s17, $0xb8;
	[tilespmem:$0xC000] =	vst v63  }
.LBB2_7:
0xb2: {  	_ =	sfence.sel $0x180000  }
0xb3: {  	[bflag:$0x0] =	sbarrier.arrive $0xFFFF  }
0xb4: {  	_ =	strace $0x9000004A  }
0xb5: {  	s0 =	stileid.u32;
	[bflag:$0x2] =	sbarrier.arrive $0xFFFF  }
0xb6: {  	p0 =	sne.s32 s0, $0x0;
	s0 =	rddreg [dreg:$0x2]  }
0xb7: {  	s0 =	sadd.s32 @!p0 $0x100000, s0  }
0xb8: {  	[sflag:s0] =	ssyncadd.tile.s32 @!p0 $0x1;
	_ =	shalt  }
.Lfunc_end2:
_tile_overlayer_lowered:
.L_overlay_start_2:
0xb9: {  	(tag) =	ssettag $0x2  }
0xba: {  	s0 =	rddreg [dreg:$0x0];
	s2 =	stileid.u32  }
0xbb: {  	s1 =	rddreg [dreg:$0x1];
	p0 =	sne.s32 s2, $0x0  }
0xbc: {  	s3 =	rddreg [dreg:$0x2];
	[bflag:$0x3] =	sbarrier.arrive $0xFFFF;
	s2 =	simm.s32 @!p0 $0x1C09  }
0xbd: {  	[timem:s3], [sflag:s2] =	dma.local @!p0 [hbm:s0], s1  }
0xbe: {  	s0 =	simm.s32 @!p0 $0x9  }
0xbf: {  	_ =	swait.ge @!p0 [sflag:s0], s1  }
0xc0: {  	s1 =	ssub.s32 @!p0 $0x0, s1;
	[sflag:s0] =	ssyncset.done @!p0 $0x0  }
0xc1: {  	[sflag:s0] =	ssyncadd.s32 @!p0 s1  }
0xc2: {  	[bflag:$0x3] =	sbarrier.arrive $0xFFFF  }
0xc3: {  	_ =	shalt  }

// kernel: kernel.7.cloned.1.call-start
scs
__scs_entry_jumppad:
0x0: {  	(pc) =	sbr.rel $0x88, $3  }
0x1: {  	(tag) =	ssettag $0x0;
	lr =	simm.s32 $0x1  }
0x2: {  	[smem:$0x3F99] =	sst lr;
	_ =	strace $0xD0000000  }
0x3: {  	_ = 	snop  }
0x4: {  	_ = 	snop  }
0x5: {  	_ = 	snop  }
0x6: {  	_ = 	snop  }
0x7: {  	_ = 	snop  }
__scs_overlays_trampoline_lowered:
0x8: {  	[smem:$0x3FA8] =	sst s0  }
0x9: {  	[smem:$0x3FA9] =	sst s1  }
0xa: {  	[smem:$0x3FAA] =	sst s2  }
0xb: {  	[smem:$0x3FAB] =	sst s3  }
0xc: {  	[smem:$0x3FAC] =	sst s4  }
0xd: {  	[smem:$0x3FAD] =	sst s5  }
0xe: {  	[smem:$0x3FAE] =	sst s6  }
0xf: {  	[smem:$0x3FAF] =	sst s7  }
0x10: {  	[smem:$0x3FB0] =	sst s8  }
0x11: {  	[smem:$0x3FB1] =	sst s9;
	s0 =	simm.s32 @!p0 $0x0  }
0x12: {  	s1 =	sld [smem:$0x3F97];
	s0 =	simm.s32 @p0 $0x1  }
0x13: {  	[smem:$0x3FB2] =	sst s0;
	s0 =	simm.s32 @!p1 $0x0  }
0x14: {  	s2 =	sld [smem:$0x3F96];
	s0 =	simm.s32 @p1 $0x1  }
0x15: {  	[smem:$0x3FB3] =	sst s0;
	s0 =	simm.s32 @!p2 $0x0  }
0x16: {  	s3 =	sld [smem:$0x3FDB];
	s0 =	simm.s32 @p2 $0x1  }
0x17: {  	s4 =	simm.s32 $0x1BF5;
	[smem:$0x3FB5] =	sst s0  }
0x18: {  	s0 =	sld [smem:$0x3F98];
	_ =	swait.ge [sflag:s4], $0x0  }
0x19: {  	s7 =	sld [smem:$0x3F99]  }
0x1a: {  	s8 =	sadd.s32 $0xFFFFE003, lr  }
0x1b: {  	s9 =	sadd.s32 $0xFFFFFEF7, lr;
	s5 =	simm.s32 $0xFFFFFFFF;
	p2 =	slt.u32 s8, $0xFFFFF086  }
0x1c: {  	p1 =	slt.u32 s9, $0xF7A;
	s5 =	simm.s32 @!p2 $0x0  }
0x1d: {  	s5 =	simm.s32 @p1 $0x1;
	p0 =	seq.s32 s7, s2  }
0x1e: {  	s7 =	smul.u32 @!p0 $0xF7A, s2;
	p2 =	seq.s32 @!p0 s5, $0x0  }
0x1f: {  	s9 =	smul.u32 $0xF7A, s1;
	s8 =	simm.s32 @!p0 $0x1BF5;
	p2 =	por !p2, p0  }
0x20: {  	[sflag:s8] =	ssyncset.s32 @!p0 $0xFFFFF086;
	s6 =	sadd.s32 @!p0 s3, s7;
	s7 =	simm.s32 @!p0 $0x108  }
0x21: {  	s3 =	sadd.s32 s3, s9;
	s6 =	sadd.s32 @!p0 $0x88, s6;
	s7 =	simm.s32 @p2 $0x1082  }
0x22: {  	[simem:s7], [sflag:s8] =	dma.local @!p0 [hbm:s6], $0xF7A  }
0x23: {  	s9 =	sor.u32 $0xD0000000, s2;
	s6 =	simm.s32 $0x108;
	_ =	swait.ge @!p0 [sflag:s8], $0x0  }
0x24: {  	s3 =	sadd.s32 $0x88, s3;
	s6 =	simm.s32 @!p1 $0x1082;
	[sflag:s4] =	ssyncset.s32 $0xFFFFF086  }
0x25: {  	[simem:s6], [sflag:s4] =	dma.local [hbm:s3], $0xF7A  }
0x26: {  	[smem:$0x3F99] =	sst s1;
	(tag) =	ssettag s2;
	_ =	strace s9  }
0x27: {  	s1 =	sld [smem:$0x3FA9]  }
0x28: {  	s2 =	sld [smem:$0x3FAA]  }
0x29: {  	s4 =	sld [smem:$0x3FAC]  }
0x2a: {  	p0 =	seq.s32 s5, $0x0;
	s5 =	sld [smem:$0x3FAD]  }
0x2b: {  	s6 =	sld [smem:$0x3FAE]  }
0x2c: {  	s7 =	sld [smem:$0x3FAF]  }
0x2d: {  	s3 =	simm.s32 $0x108;
	s8 =	sld [smem:$0x3FB0]  }
0x2e: {  	s3 =	simm.s32 @!p0 $0x1082;
	s9 =	sld [smem:$0x3FB1]  }
0x2f: {  	lr =	sadd.s32 s0, s3;
	s0 =	sld [smem:$0x3FA8]  }
0x30: {  	s3 =	sld [smem:$0x3FAB]  }
0x31: {  	[smem:$0x3FB4] =	sst s10  }
0x32: {  	s10 =	sld [smem:$0x3FB2];
	_ =	sdelay $0x3  }
0x33: {  	p0 =	seq.s32 s10, $0x1;
	s10 =	sld [smem:$0x3FB4];
	_ =	sdelay $0x3  }
0x34: {  	[smem:$0x3FB4] =	sst s10  }
0x35: {  	s10 =	sld [smem:$0x3FB3];
	_ =	sdelay $0x3  }
0x36: {  	p1 =	seq.s32 s10, $0x1;
	s10 =	sld [smem:$0x3FB4];
	_ =	sdelay $0x3  }
0x37: {  	[smem:$0x3FB4] =	sst s10  }
0x38: {  	s10 =	sld [smem:$0x3FB5]  }
0x39: {  	_ = 	snop;
	(pc) =	sbr.ind lr, $3  }
0x3a: {  	_ = 	snop  }
0x3b: {  	_ = 	snop  }
0x3c: {  	p2 =	seq.s32 s10, $0x1;
	s10 =	sld [smem:$0x3FB4]  }
0x3d: {  	_ =	shalt  }
0x3e: {  	_ =	shalt  }
0x3f: {  	_ =	shalt  }
0x40: {  	_ =	shalt  }
0x41: {  	_ =	shalt  }
0x42: {  	_ =	shalt  }
0x43: {  	_ =	shalt  }
0x44: {  	_ =	shalt  }
0x45: {  	_ =	shalt  }
0x46: {  	_ =	shalt  }
0x47: {  	_ =	shalt  }
0x48: {  	_ =	shalt  }
0x49: {  	_ =	shalt  }
0x4a: {  	_ =	shalt  }
0x4b: {  	_ =	shalt  }
0x4c: {  	_ =	shalt  }
0x4d: {  	_ =	shalt  }
0x4e: {  	_ =	shalt  }
0x4f: {  	_ =	shalt  }
0x50: {  	_ =	shalt  }
0x51: {  	_ =	shalt  }
0x52: {  	_ =	shalt  }
0x53: {  	_ =	shalt  }
0x54: {  	_ =	shalt  }
0x55: {  	_ =	shalt  }
0x56: {  	_ =	shalt  }
0x57: {  	_ =	shalt  }
0x58: {  	_ =	shalt  }
0x59: {  	_ =	shalt  }
0x5a: {  	_ =	shalt  }
0x5b: {  	_ =	shalt  }
0x5c: {  	_ =	shalt  }
0x5d: {  	_ =	shalt  }
0x5e: {  	_ =	shalt  }
0x5f: {  	_ =	shalt  }
0x60: {  	_ =	shalt  }
0x61: {  	_ =	shalt  }
0x62: {  	_ =	shalt  }
0x63: {  	_ =	shalt  }
0x64: {  	_ =	shalt  }
0x65: {  	_ =	shalt  }
0x66: {  	_ =	shalt  }
0x67: {  	_ =	shalt  }
0x68: {  	_ =	shalt  }
0x69: {  	_ =	shalt  }
0x6a: {  	_ =	shalt  }
0x6b: {  	_ =	shalt  }
0x6c: {  	_ =	shalt  }
0x6d: {  	_ =	shalt  }
0x6e: {  	_ =	shalt  }
0x6f: {  	_ =	shalt  }
0x70: {  	_ =	shalt  }
0x71: {  	_ =	shalt  }
0x72: {  	_ =	shalt  }
0x73: {  	_ =	shalt  }
0x74: {  	_ =	shalt  }
0x75: {  	_ =	shalt  }
0x76: {  	_ =	shalt  }
0x77: {  	_ =	shalt  }
0x78: {  	_ =	shalt  }
0x79: {  	_ =	shalt  }
0x7a: {  	_ =	shalt  }
0x7b: {  	_ =	shalt  }
0x7c: {  	_ =	shalt  }
0x7d: {  	_ =	shalt  }
0x7e: {  	_ =	shalt  }
0x7f: {  	_ =	shalt  }
0x80: {  	_ =	shalt  }
0x81: {  	_ =	shalt  }
0x82: {  	_ =	shalt  }
0x83: {  	_ =	shalt  }
0x84: {  	_ =	shalt  }
0x85: {  	_ =	shalt  }
0x86: {  	_ =	shalt  }
0x87: {  	_ =	shalt  }
.Lfunc_end0:
.L_simem_size_0:
called_computation_lowered:
.L_overlay_start_0:
0x88: {  	s2 =	sld [smem:$0x3FD9]  }
0x89: {  	s3 =	sld [smem:$0x3FFE];
	_ =	sdelay $0x1  }
0x8a: {  	s1 =	srdreg.scid  }
0x8b: {  	s0 =	sand.u32 $0x1, s1  }
0x8c: {  	s16 =	sshll.u32 s0, $0xA;
	s2 =	sadd.s32 s3, s2  }
0x8d: {  	s2 =	sadd.s32 s2, s16  }
0x8e: {  	[smem:$0x3FC0] =	sst s2  }
0x8f: {  	_ = 	snop  }
0x90: {  	(tm) =	ssettm $0x1  }
0x91: {  	s17 =	sld [smem:$0x3FFB];
	_ =	sdelay $0x3  }
0x92: {  	_ =	strace s17  }
0x93: {  	s2 =	sld [smem:$0x3FFC];
	_ =	sdelay $0x3  }
0x94: {  	_ =	strace s2  }
0x95: {  	s2 =	sld [smem:$0x3FFD];
	_ =	sdelay $0x3  }
0x96: {  	_ =	strace s2  }
0x97: {  	_ =	strace $0x8FFFFFFF  }
0x98: {  	s18 =	sld [smem:$0x3FDB];
	_ =	sdelay $0x1  }
0x99: {  	s19 =	simm.s32 $_scs_section_size  }
0x9a: {  	s4 =	simm.s32 $_size__tile_overlayer_lowered;
	s5 =	simm.s32 $_tile_overlayer_lowered  }
0x9b: {  	s22 =	simm.s32 $0x1BFF;
	s21 =	sshll.u32 s5, $0x1;
	s2 =	sadd.s32 s19, s18  }
0x9c: {  	s6 =	simm.s32 $0x0;
	s20 =	sshll.u32 s4, $0x1;
	s4 =	sadd.s32 s21, s2  }
0x9d: {  	[timem:s6], [sflag:s22] =	dma.local [hbm:s4], s20  }
0x9e: {  	_ =	swait.ge [sflag:s22], s20  }
0x9f: {  	s3 =	ssub.s32 $0x0, s20;
	[sflag:s22] =	ssyncset.done $0x0  }
0xa0: {  	[sflag:s22] =	ssyncadd.s32 s3;
	_ =	sdelay $0x1  }
0xa1: {  	s23 =	simm.s32 $0x1B8B  }
0xa2: {  	_ =	swait.ge [sflag:s23], $0x1  }
0xa3: {  	[sflag:s23] =	ssyncset.done $0x0  }
0xa4: {  	s25 =	simm.s32 $0x1B8E;
	s24 =	sld [smem:$0x3FFE];
	[sflag:s23] =	ssyncadd.s32 $0xFFFFFFFF  }
0xa5: {  	s26 =	simm.s32 $execute0_lowered;
	[smem:$0x3FD2] =	sst s25  }
0xa6: {  	s4 =	sshll.u32 s26, $0x1;
	_ =	strace $0x80000046;
	[dreg:$0x1] =	wrdreg $0xFFFFFFFF  }
0xa7: {  	s28 =	simm.s32 $_size_execute0_lowered;
	s2 =	sadd.s32 s2, s4;
	[dreg:$0x0] =	wrdreg $0x0  }
0xa8: {  	s4 =	sshll.u32 s28, $0x1;
	[dreg:$0x2] =	wrdreg s2  }
0xa9: {  	[dreg:$0x3] =	wrdreg s4  }
0xaa: {  	[dreg:$0x4] =	wrdreg $0xC0  }
0xab: {  	_ =	task [dreg:s6], $0x5FFFF  }
0xac: {  	[dreg:$0x1] =	wrdreg $0xFFFFFFFF  }
0xad: {  	[dreg:$0x0] =	wrdreg $0x60  }
0xae: {  	[dreg:$0x2] =	wrdreg s24  }
0xaf: {  	[dreg:$0x3] =	wrdreg $0x128000  }
0xb0: {  	[dreg:$0x4] =	wrdreg $0x9  }
0xb1: {  	_ =	task.clear_ibuf [dreg:s6], $0x5FFFF;
	_ =	strace $0x90000046  }
0xb2: {  	s29 =	simm.s32 $0x9;
	_ =	strace $0x80000048  }
0xb3: {  	_ =	swait.ge [sflag:s29], $0x1  }
0xb4: {  	[sflag:s29] =	ssyncadd.s32 $0xFFFFFFFF  }
0xb5: {  	_ =	strace $0x90000048  }
0xb6: {  	_ =	sfence  }
0xb7: {  	s30 =	sld [smem:$0x0];
	_ =	sdelay $0x2  }
0xb8: {  	s31 =	sshll.u32 s1, $0xD;
	s1 =	sshrl.u32 s1, $0x2  }
0xb9: {  	s3 =	sand.u32 $0x4000, s31;
	s1 =	sadd.s32 s1, s30  }
0xba: {  	s0 =	sor.u32 s3, s0;
	s1 =	sshll.u32 s1, $0x11  }
0xbb: {  	s0 =	sor.u32 s1, s0  }
0xbc: {  	s0 =	sadd.s32 $0x8F2B, s0  }
0xbd: {  	[sflag:s0] =	ssyncadd.remote.s32 $0x1  }
0xbe: {  	_ =	sfence.sel $0xFFFF  }
0xbf: {  	[dreg:$0x0] =	wrdreg $0xFFFFFFFF;
	(pc) =	sbr.abs _section_cstart, $3  }
0xc0: {  	[dreg:$0x1] =	wrdreg $0xFFFFFFFF  }
0xc1: {  	_ =	task.clear_ibuf [dreg:s6], $0x2FFFF;
	_ =	strace $0x9FFFFFFF  }
0xc2: {  	(tm) =	ssettm $0x7FFFFFFF  }
0xc3: {  	_ =	shalt  }
tec
execute0_lowered:
.L_overlay_start_1:
0x0: {  	(tag) =	ssettag $0x1  }
0x1: {  	s0 =	srdreg.scid;
	s5 =	rddreg [dreg:$0x0]  }
0x2: {  	s8 =	stileid.u32;
	s2 =	rddreg [dreg:$0x1]  }
0x3: {  	s3 =	simm.s32 $0x0;
	s14 =	simm.s32 $0x6;
	s16 =	simm.s32 $0x10400  }
0x4: {  	s17 =	simm.s32 $0x80;
	s18 =	simm.s32 $0x5000;
	s19 =	simm.s32 $0x7400  }
0x5: {  	s21 =	simm.s32 $0x9800;
	s23 =	simm.s32 $0xBC00;
	s28 =	simm.s32 $0x2  }
0x6: {  	s29 =	simm.s32 $0x3;
	s30 =	simm.s32 $0x4;
	s31 =	simm.s32 $0x5  }
0x7: {  	s15 =	simm.s32 $0x0;
	s0 =	sand.u32 $0x1, s0;
	s7 =	smul.u32 $0x14000, s8  }
0x8: {  	[smem:$0x7FF] =	sst s3;
	s4 =	sadd.s32 $0x15800, s5;
	s24 =	smul.u32 $0x2D000, s8  }
0x9: {  	s1 =	sshll.u32 s0, $0x4;
	s6 =	smul.u32 $0x140000, s0;
	s0 =	ssub.s32 $0x2, s0  }
0xa: {  	_ =	strace $0x80000047;
	s1 =	sor.u32 s8, s1;
	s26 =	sshrl.u32 s0, $0x1  }
0xb: {  	s9 =	sshrl.u32 s24, $0x2;
	s24 =	simm.s32 $0x10;
	s1 =	smul.u32 $0x2800, s1  }
0xc: {  	s6 =	sadd.s32 s7, s6;
	s0 =	ssub.s32 s0, s26;
	s8 =	sadd.s32 s9, s2  }
0xd: {  	s26 =	simm.s32 $0x1;
	s6 =	sshrl.u32 s6, $0x3;
	s9 =	smax.u32 s0, $0x1  }
0xe: {  	s10 =	sadd.s32 $0x2400, s8;
	s11 =	sadd.s32 $0x4800, s8;
	s12 =	sadd.s32 $0x6C00, s8  }
0xf: {  	s13 =	sadd.s32 $0x9000, s8;
	s1 =	sshrl.u32 s1, $0x3;
	s25 =	sadd.s32 s6, s5  }
0x10: {  	s1 =	sadd.s32 s1, s5;
	s7 =	sadd.s32 $0x2B800, s25;
	s25 =	simm.s32 $0xE000  }
0x11: {  	v0 =	vimm.f32 $0.0e+00;
	s5 =	sadd.s32 $0x1800, s1;
	s6 =	sadd.s32 $0xB800, s1;
	s1 =	simm.s32 $0x9  }
.LBB2_1:
0x12: {  	[tilespmem:s3], [sflag:$0x6] =	stream.linear.gather [hbm4b:s5+s3], $0x2800, $0x38;
	[tilespmem:$0x1DC00] =	vst v63  }
0x13: {  	_ =	swait.ge [sflag:s14], $0x2800  }
0x14: {  	[sflag:s14] =	ssyncset.done $0x0  }
0x15: {  	s0 =	simm.s32 $0x2800;
	[sflag:s14] =	ssyncadd.s32 $0xFFFFD800  }
0x16: {  	[tilespmem:s0], [sflag:$0x6] =	stream.linear.gather [hbm4b:s6+s3], $0x2800, $0x38;
	[tilespmem:$0x1DC00] =	vst v63  }
0x17: {  	_ =	swait.ge [sflag:s14], $0x2800  }
0x18: {  	[sflag:s14] =	ssyncset.done $0x0  }
0x19: {  	s0 =	simm.s32 $0x0;
	[sflag:s14] =	ssyncadd.s32 $0xFFFFD800  }
0x1a: {  	s20 =	simm.s32 $0x120;
	[tilespmem:s0+$0x10420] =	vst v0  }
.LBB2_2:
0x1b: {  	p0 =	sne.s32 s20, $0x8EE0;
	[tilespmem:s0+$0x10410] =	vst v0;
	s22 =	smov.u32 s20;
	s20 =	sadd.s32 $0x120, s20  }
.Ltmp0:
0x1c: {  	[tilespmem:s0+$0x10430] =	vst v0;
	(pc) =	sbr.rel @p0 .LBB2_2-.Ltmp0, $4  }
0x1d: {  	[tilespmem:s0+$0x10438] =	vst v0  }
0x1e: {  	[tilespmem:s0+$0x10400] =	vst v0  }
0x1f: {  	s0 =	sshra.s32 s22, $0x2  }
0x20: {  	[tilespmem:s0+$0x10420] =	vst v0  }
0x21: {  	[tilespmem:s0+$0x10410] =	vst v0  }
0x22: {  	[tilespmem:s0+$0x10430] =	vst v0  }
0x23: {  	[tilespmem:s0+$0x10400] =	vst v0  }
0x24: {  	[tilespmem:s0+$0x10438] =	vst v0  }
0x25: {  	[spmem:s8] =	stream.linear.scatter [tilespmem:s16], [sflag:$0x6], $0x2400, $0x38;
	[tilespmem:$0x1DC00] =	vst v63  }
0x26: {  	_ =	swait.ge [sflag:s14], $0x2400  }
0x27: {  	[sflag:s14] =	ssyncset.done $0x0  }
0x28: {  	[sflag:s14] =	ssyncadd.s32 $0xFFFFDC00  }
0x29: {  	[spmem:s10] =	stream.linear.scatter [tilespmem:s16], [sflag:$0x6], $0x2400, $0x38;
	[tilespmem:$0x1DC00] =	vst v63  }
0x2a: {  	_ =	swait.ge [sflag:s14], $0x2400  }
0x2b: {  	[sflag:s14] =	ssyncset.done $0x0  }
0x2c: {  	[sflag:s14] =	ssyncadd.s32 $0xFFFFDC00  }
0x2d: {  	[spmem:s11] =	stream.linear.scatter [tilespmem:s16], [sflag:$0x6], $0x2400, $0x38;
	[tilespmem:$0x1DC00] =	vst v63  }
0x2e: {  	_ =	swait.ge [sflag:s14], $0x2400  }
0x2f: {  	[sflag:s14] =	ssyncset.done $0x0  }
0x30: {  	[sflag:s14] =	ssyncadd.s32 $0xFFFFDC00  }
0x31: {  	[spmem:s12] =	stream.linear.scatter [tilespmem:s16], [sflag:$0x6], $0x2400, $0x38;
	[tilespmem:$0x1DC00] =	vst v63  }
0x32: {  	_ =	swait.ge [sflag:s14], $0x2400  }
0x33: {  	[sflag:s14] =	ssyncset.done $0x0  }
0x34: {  	[sflag:s14] =	ssyncadd.s32 $0xFFFFDC00  }
0x35: {  	[spmem:s13] =	stream.linear.scatter [tilespmem:s16], [sflag:$0x6], $0x2400, $0x38;
	[tilespmem:$0x1DC00] =	vst v63  }
0x36: {  	_ =	swait.ge [sflag:s14], $0x2400  }
0x37: {  	[sflag:s14] =	ssyncset.done $0x0  }
0x38: {  	[sflag:s14] =	ssyncadd.s32 $0xFFFFDC00  }
0x39: {  	s22 =	simm.s32 $0x0;
	[bflag:$0x0] =	sbarrier.arrive $0xFFFF  }
0x3a: {  	[tilespmem:s18], [sflag:$0x1] =	stream.indirect.gather [hbm4b:s4+s17], $0x48, s22, s17, $0xb8;
	[tilespmem:$0x1DC00] =	vst v63  }
0x3b: {  	_ = 	snop  }
0x3c: {  	[tilespmem:s19], [sflag:$0x2] =	stream.indirect.gather [hbm4b:s4+s17], $0x48, s17, s17, $0xb8;
	[tilespmem:$0x1DC00] =	vst v63  }
0x3d: {  	s20 =	simm.s32 $0x100  }
0x3e: {  	[tilespmem:s21], [sflag:$0x3] =	stream.indirect.gather [hbm4b:s4+s17], $0x48, s20, s17, $0xb8;
	[tilespmem:$0x1DC00] =	vst v63  }
0x3f: {  	s22 =	simm.s32 $0x180  }
0x40: {  	[tilespmem:s23], [sflag:$0x4] =	stream.indirect.gather [hbm4b:s4+s17], $0x48, s22, s17, $0xb8;
	[tilespmem:$0x1DC00] =	vst v63  }
0x41: {  	s20 =	simm.s32 $0x200  }
0x42: {  	[tilespmem:s25], [sflag:$0x5] =	stream.indirect.gather [hbm4b:s4+s17], $0x48, s20, s17, $0xb8;
	[tilespmem:$0x1DC00] =	vst v63  }
0x43: {  	_ =	swait.ge [sflag:s26], $0x2400  }
0x44: {  	[sflag:s26] =	ssyncset.done $0x0  }
0x45: {  	s22 =	simm.s32 $0x2800;
	[sflag:s26] =	ssyncadd.s32 $0xFFFFDC00  }
0x46: {  	[spmem:s2] =	stream.indirect.scatter.add.f32 [tilespmem:s18], [sflag:$0x6], $0x48, s22, s17, $0xb8;
	[tilespmem:$0x1DC00] =	vst v63  }
0x47: {  	_ =	swait.ge [sflag:s14], $0x2400  }
0x48: {  	[sflag:s14] =	ssyncset.done $0x0  }
0x49: {  	s20 =	simm.s32 $0x280;
	[sflag:s14] =	ssyncadd.s32 $0xFFFFDC00  }
0x4a: {  	[tilespmem:s18], [sflag:$0x1] =	stream.indirect.gather [hbm4b:s4+s17], $0x48, s20, s17, $0xb8;
	[tilespmem:$0x1DC00] =	vst v63  }
0x4b: {  	_ =	swait.ge [sflag:s28], $0x2400  }
0x4c: {  	[sflag:s28] =	ssyncset.done $0x0  }
0x4d: {  	s22 =	simm.s32 $0x2880;
	[sflag:s28] =	ssyncadd.s32 $0xFFFFDC00  }
0x4e: {  	[spmem:s2] =	stream.indirect.scatter.add.f32 [tilespmem:s19], [sflag:$0x6], $0x48, s22, s17, $0xb8;
	[tilespmem:$0x1DC00] =	vst v63  }
0x4f: {  	_ =	swait.ge [sflag:s14], $0x2400  }
0x50: {  	[sflag:s14] =	ssyncset.done $0x0  }
0x51: {  	s20 =	simm.s32 $0x300;
	[sflag:s14] =	ssyncadd.s32 $0xFFFFDC00  }
0x52: {  	[tilespmem:s19], [sflag:$0x2] =	stream.indirect.gather [hbm4b:s4+s17], $0x48, s20, s17, $0xb8;
	[tilespmem:$0x1DC00] =	vst v63  }
0x53: {  	_ =	swait.ge [sflag:s29], $0x2400  }
0x54: {  	[sflag:s29] =	ssyncset.done $0x0  }
0x55: {  	s22 =	simm.s32 $0x2900;
	[sflag:s29] =	ssyncadd.s32 $0xFFFFDC00  }
0x56: {  	[spmem:s2] =	stream.indirect.scatter.add.f32 [tilespmem:s21], [sflag:$0x6], $0x48, s22, s17, $0xb8;
	[tilespmem:$0x1DC00] =	vst v63  }
0x57: {  	_ =	swait.ge [sflag:s14], $0x2400  }
0x58: {  	[sflag:s14] =	ssyncset.done $0x0  }
0x59: {  	s20 =	simm.s32 $0x380;
	[sflag:s14] =	ssyncadd.s32 $0xFFFFDC00  }
0x5a: {  	[tilespmem:s21], [sflag:$0x3] =	stream.indirect.gather [hbm4b:s4+s17], $0x48, s20, s17, $0xb8;
	[tilespmem:$0x1DC00] =	vst v63  }
0x5b: {  	_ =	swait.ge [sflag:s30], $0x2400  }
0x5c: {  	[sflag:s30] =	ssyncset.done $0x0  }
0x5d: {  	s22 =	simm.s32 $0x2980;
	[sflag:s30] =	ssyncadd.s32 $0xFFFFDC00  }
0x5e: {  	[spmem:s2] =	stream.indirect.scatter.add.f32 [tilespmem:s23], [sflag:$0x6], $0x48, s22, s17, $0xb8;
	[tilespmem:$0x1DC00] =	vst v63  }
0x5f: {  	_ =	swait.ge [sflag:s14], $0x2400  }
0x60: {  	[sflag:s14] =	ssyncset.done $0x0  }
0x61: {  	s20 =	simm.s32 $0x400;
	[sflag:s14] =	ssyncadd.s32 $0xFFFFDC00  }
0x62: {  	[tilespmem:s23], [sflag:$0x4] =	stream.indirect.gather [hbm4b:s4+s17], $0x48, s20, s17, $0xb8;
	[tilespmem:$0x1DC00] =	vst v63  }
0x63: {  	_ =	swait.ge [sflag:s31], $0x2400  }
0x64: {  	[sflag:s31] =	ssyncset.done $0x0  }
0x65: {  	s22 =	simm.s32 $0x2A00;
	[sflag:s31] =	ssyncadd.s32 $0xFFFFDC00  }
0x66: {  	[spmem:s2] =	stream.indirect.scatter.add.f32 [tilespmem:s25], [sflag:$0x6], $0x48, s22, s17, $0xb8;
	[tilespmem:$0x1DC00] =	vst v63  }
0x67: {  	_ =	swait.ge [sflag:s14], $0x2400  }
0x68: {  	[sflag:s14] =	ssyncset.done $0x0  }
0x69: {  	s0 =	simm.s32 $0xA00;
	s20 =	simm.s32 $0x480;
	[sflag:s14] =	ssyncadd.s32 $0xFFFFDC00  }
.LBB2_4:
0x6a: {  	[tilespmem:s25], [sflag:$0x5] =	stream.indirect.gather [hbm4b:s4+s17], $0x48, s20, s17, $0xb8;
	[tilespmem:$0x1DC00] =	vst v63  }
0x6b: {  	s20 =	smov.u32 s0  }
0x6c: {  	p0 =	sne.s32 s0, $0x8C00;
	s0 =	sadd.s32 $0xA00, s0;
	_ =	swait.ge [sflag:s26], $0x2400  }
0x6d: {  	s20 =	sshra.s32 s20, $0x2;
	[sflag:s26] =	ssyncset.done $0x0  }
0x6e: {  	s22 =	sadd.s32 $0x2800, s20;
	[sflag:s26] =	ssyncadd.s32 $0xFFFFDC00  }
0x6f: {  	[spmem:s2] =	stream.indirect.scatter.add.f32 [tilespmem:s18], [sflag:$0x6], $0x48, s22, s17, $0xb8;
	[tilespmem:$0x1DC00] =	vst v63  }
0x70: {  	_ =	swait.ge [sflag:s14], $0x2400  }
0x71: {  	[sflag:s14] =	ssyncset.done $0x0  }
0x72: {  	s22 =	sadd.s32 $0x280, s20;
	[sflag:s14] =	ssyncadd.s32 $0xFFFFDC00  }
0x73: {  	[tilespmem:s18], [sflag:$0x1] =	stream.indirect.gather [hbm4b:s4+s17], $0x48, s22, s17, $0xb8;
	[tilespmem:$0x1DC00] =	vst v63  }
0x74: {  	_ =	swait.ge [sflag:s28], $0x2400  }
0x75: {  	[sflag:s28] =	ssyncset.done $0x0  }
0x76: {  	s22 =	sadd.s32 $0x2880, s20;
	[sflag:s28] =	ssyncadd.s32 $0xFFFFDC00  }
0x77: {  	[spmem:s2] =	stream.indirect.scatter.add.f32 [tilespmem:s19], [sflag:$0x6], $0x48, s22, s17, $0xb8;
	[tilespmem:$0x1DC00] =	vst v63  }
0x78: {  	_ =	swait.ge [sflag:s14], $0x2400  }
0x79: {  	[sflag:s14] =	ssyncset.done $0x0  }
0x7a: {  	s22 =	sadd.s32 $0x300, s20;
	[sflag:s14] =	ssyncadd.s32 $0xFFFFDC00  }
0x7b: {  	[tilespmem:s19], [sflag:$0x2] =	stream.indirect.gather [hbm4b:s4+s17], $0x48, s22, s17, $0xb8;
	[tilespmem:$0x1DC00] =	vst v63  }
0x7c: {  	_ =	swait.ge [sflag:s29], $0x2400  }
0x7d: {  	[sflag:s29] =	ssyncset.done $0x0  }
0x7e: {  	s22 =	sadd.s32 $0x2900, s20;
	[sflag:s29] =	ssyncadd.s32 $0xFFFFDC00  }
0x7f: {  	[spmem:s2] =	stream.indirect.scatter.add.f32 [tilespmem:s21], [sflag:$0x6], $0x48, s22, s17, $0xb8;
	[tilespmem:$0x1DC00] =	vst v63  }
0x80: {  	_ =	swait.ge [sflag:s14], $0x2400  }
0x81: {  	[sflag:s14] =	ssyncset.done $0x0  }
0x82: {  	s22 =	sadd.s32 $0x380, s20;
	[sflag:s14] =	ssyncadd.s32 $0xFFFFDC00  }
0x83: {  	[tilespmem:s21], [sflag:$0x3] =	stream.indirect.gather [hbm4b:s4+s17], $0x48, s22, s17, $0xb8;
	[tilespmem:$0x1DC00] =	vst v63  }
0x84: {  	_ =	swait.ge [sflag:s30], $0x2400  }
0x85: {  	[sflag:s30] =	ssyncset.done $0x0  }
0x86: {  	s22 =	sadd.s32 $0x2980, s20;
	[sflag:s30] =	ssyncadd.s32 $0xFFFFDC00  }
0x87: {  	[spmem:s2] =	stream.indirect.scatter.add.f32 [tilespmem:s23], [sflag:$0x6], $0x48, s22, s17, $0xb8;
	[tilespmem:$0x1DC00] =	vst v63  }
0x88: {  	_ =	swait.ge [sflag:s14], $0x2400  }
0x89: {  	[sflag:s14] =	ssyncset.done $0x0  }
0x8a: {  	s22 =	sadd.s32 $0x400, s20;
	[sflag:s14] =	ssyncadd.s32 $0xFFFFDC00  }
0x8b: {  	[tilespmem:s23], [sflag:$0x4] =	stream.indirect.gather [hbm4b:s4+s17], $0x48, s22, s17, $0xb8;
	[tilespmem:$0x1DC00] =	vst v63  }
0x8c: {  	_ =	swait.ge [sflag:s31], $0x2400  }
0x8d: {  	[sflag:s31] =	ssyncset.done $0x0  }
.Ltmp1:
0x8e: {  	s22 =	sadd.s32 $0x2A00, s20;
	[sflag:s31] =	ssyncadd.s32 $0xFFFFDC00;
	(pc) =	sbr.rel @p0 .LBB2_4-.Ltmp1, $4  }
0x8f: {  	[spmem:s2] =	stream.indirect.scatter.add.f32 [tilespmem:s25], [sflag:$0x6], $0x48, s22, s17, $0xb8;
	[tilespmem:$0x1DC00] =	vst v63  }
0x90: {  	_ =	swait.ge [sflag:s14], $0x2400  }
0x91: {  	[sflag:s14] =	ssyncset.done $0x0  }
0x92: {  	s20 =	sadd.s32 $0x480, s20;
	[sflag:s14] =	ssyncadd.s32 $0xFFFFDC00  }
0x93: {  	[tilespmem:s25], [sflag:$0x5] =	stream.indirect.gather [hbm4b:s4+s17], $0x48, s20, s17, $0xb8;
	[tilespmem:$0x1DC00] =	vst v63  }
0x94: {  	_ =	swait.ge [sflag:s26], $0x2400  }
0x95: {  	[sflag:s26] =	ssyncset.done $0x0  }
0x96: {  	s0 =	simm.s32 $0x4D80;
	[sflag:s26] =	ssyncadd.s32 $0xFFFFDC00  }
0x97: {  	[spmem:s2] =	stream.indirect.scatter.add.f32 [tilespmem:s18], [sflag:$0x6], $0x48, s0, s17, $0xb8;
	[tilespmem:$0x1DC00] =	vst v63  }
0x98: {  	_ =	swait.ge [sflag:s14], $0x2400  }
0x99: {  	[sflag:s14] =	ssyncset.done $0x0  }
0x9a: {  	[sflag:s14] =	ssyncadd.s32 $0xFFFFDC00  }
0x9b: {  	_ =	swait.ge [sflag:s28], $0x2400  }
0x9c: {  	[sflag:s28] =	ssyncset.done $0x0  }
0x9d: {  	s20 =	simm.s32 $0x4E00;
	[sflag:s28] =	ssyncadd.s32 $0xFFFFDC00  }
0x9e: {  	[spmem:s2] =	stream.indirect.scatter.add.f32 [tilespmem:s19], [sflag:$0x6], $0x48, s20, s17, $0xb8;
	[tilespmem:$0x1DC00] =	vst v63  }
0x9f: {  	_ =	swait.ge [sflag:s14], $0x2400  }
0xa0: {  	[sflag:s14] =	ssyncset.done $0x0  }
0xa1: {  	[sflag:s14] =	ssyncadd.s32 $0xFFFFDC00  }
0xa2: {  	_ =	swait.ge [sflag:s29], $0x2400  }
0xa3: {  	[sflag:s29] =	ssyncset.done $0x0  }
0xa4: {  	s22 =	simm.s32 $0x4E80;
	[sflag:s29] =	ssyncadd.s32 $0xFFFFDC00  }
0xa5: {  	[spmem:s2] =	stream.indirect.scatter.add.f32 [tilespmem:s21], [sflag:$0x6], $0x48, s22, s17, $0xb8;
	[tilespmem:$0x1DC00] =	vst v63  }
0xa6: {  	_ =	swait.ge [sflag:s14], $0x2400  }
0xa7: {  	[sflag:s14] =	ssyncset.done $0x0  }
0xa8: {  	[sflag:s14] =	ssyncadd.s32 $0xFFFFDC00  }
0xa9: {  	_ =	swait.ge [sflag:s30], $0x2400  }
0xaa: {  	[sflag:s30] =	ssyncset.done $0x0  }
0xab: {  	s20 =	simm.s32 $0x4F00;
	[sflag:s30] =	ssyncadd.s32 $0xFFFFDC00  }
0xac: {  	[spmem:s2] =	stream.indirect.scatter.add.f32 [tilespmem:s23], [sflag:$0x6], $0x48, s20, s17, $0xb8;
	[tilespmem:$0x1DC00] =	vst v63  }
0xad: {  	_ =	swait.ge [sflag:s14], $0x2400  }
0xae: {  	[sflag:s14] =	ssyncset.done $0x0  }
0xaf: {  	[sflag:s14] =	ssyncadd.s32 $0xFFFFDC00  }
0xb0: {  	_ =	swait.ge [sflag:s31], $0x2400  }
0xb1: {  	[sflag:s31] =	ssyncset.done $0x0  }
0xb2: {  	s22 =	simm.s32 $0x4F80;
	[sflag:s31] =	ssyncadd.s32 $0xFFFFDC00  }
0xb3: {  	[spmem:s2] =	stream.indirect.scatter.add.f32 [tilespmem:s25], [sflag:$0x6], $0x48, s22, s17, $0xb8;
	[tilespmem:$0x1DC00] =	vst v63  }
0xb4: {  	s20 =	stileid.u32;
	_ =	swait.ge [sflag:s14], $0x2400  }
0xb5: {  	s15 =	sadd.s32 $0x1, s15;
	s0 =	sshll.u32 s20, $0x6;
	[sflag:s14] =	ssyncset.done $0x0  }
0xb6: {  	p0 =	sne.s32 s15, s9;
	s0 =	sor.u32 $0x1C06, s0;
	[sflag:s14] =	ssyncadd.s32 $0xFFFFDC00  }
.Ltmp2:
0xb7: {  	s22 =	sshrl.u32 s8, $0x3;
	[bflag:$0x0] =	sbarrier.arrive $0xFFFF;
	(pc) =	sbr.rel @p0 .LBB2_1-.Ltmp2, $4  }
0xb8: {  	[hbm:s7@s24], [sflag:s0] =	dma.strided [spmem:s22@s1], $0x1680, s26, $0x9   }
0xb9: {  	_ =	swait.ge [sflag:s14], $0x1680  }
0xba: {  	[sflag:s14] =	ssyncset.done $0x0  }
0xbb: {  	[sflag:s14] =	ssyncadd.s32 $0xFFFFE980  }
0xbc: {  	_ =	sfence.sel $0x180000  }
0xbd: {  	[bflag:$0x0] =	sbarrier.arrive $0xFFFF  }
0xbe: {  	_ =	strace $0x90000047  }
0xbf: {  	s0 =	stileid.u32;
	[bflag:$0x2] =	sbarrier.arrive $0xFFFF  }
0xc0: {  	p0 =	sne.s32 s0, $0x0;
	s0 =	rddreg [dreg:$0x2]  }
0xc1: {  	s0 =	sadd.s32 @!p0 $0x100000, s0  }
0xc2: {  	[sflag:s0] =	ssyncadd.tile.s32 @!p0 $0x1;
	_ =	shalt  }
.Lfunc_end2:
_tile_overlayer_lowered:
.L_overlay_start_2:
0xc3: {  	(tag) =	ssettag $0x2  }
0xc4: {  	s0 =	rddreg [dreg:$0x0];
	s2 =	stileid.u32  }
0xc5: {  	s1 =	rddreg [dreg:$0x1];
	p0 =	sne.s32 s2, $0x0  }
0xc6: {  	s3 =	rddreg [dreg:$0x2];
	[bflag:$0x3] =	sbarrier.arrive $0xFFFF;
	s2 =	simm.s32 @!p0 $0x1C06  }
0xc7: {  	[timem:s3], [sflag:s2] =	dma.local @!p0 [hbm:s0], s1  }
0xc8: {  	s0 =	simm.s32 @!p0 $0x6  }
0xc9: {  	_ =	swait.ge @!p0 [sflag:s0], s1  }
0xca: {  	s1 =	ssub.s32 @!p0 $0x0, s1;
	[sflag:s0] =	ssyncset.done @!p0 $0x0  }
0xcb: {  	[sflag:s0] =	ssyncadd.s32 @!p0 s1  }
0xcc: {  	[bflag:$0x3] =	sbarrier.arrive $0xFFFF  }
0xcd: {  	_ =	shalt  }

</sc_bundles>
